<compile_context>
chip_gen: v7x
topology: tpu7x:2x2x1
jax: 0.10.2.dev20260603
libtpu: 0.0.44.dev20260713+nightly
codegen_flags: <defaults>
</compile_context>

<pallas_src>
import dataclasses
import functools

import jax
import jax.numpy as jnp
from jax import lax
from jax.experimental import pallas as pl
from jax.experimental.pallas import tpu as pltpu
from jax.experimental.pallas import tpu_sc as plsc

NC = 2
NS = 16
L = 16

CH = 80

_HIGH = jax.lax.Precision.HIGHEST


def _sc_mesh():
    return plsc.VectorSubcoreMesh(core_axis_name="c", subcore_axis_name="s")


def _sc_degree_hist(dst, n, d=128):
    (e,) = dst.shape
    epc = e // NC
    ept = epc // NS
    nch = ept // CH
    rpt = -(-n // NS)
    rpt = -(-rpt // 128) * 128
    npad = rpt * NS
    zr = 128
    assert epc * NC == e and ept * NS == epc and nch * CH == ept
    assert nch % 2 == 1

    @functools.partial(
        pl.kernel,
        mesh=_sc_mesh(),
        out_type=jax.ShapeDtypeStruct((NC, npad, d), jnp.float32),
        scratch_types=[
            pltpu.VMEM((CH,), jnp.int32),
            pltpu.VMEM((CH,), jnp.int32),
            pltpu.VMEM((CH, d), jnp.float32),
            pltpu.VMEM((zr, d), jnp.float32),
            pltpu.VMEM_SHARED((npad, d), jnp.float32),
            pltpu.SemaphoreType.DMA,
            pltpu.SemaphoreType.DMA,
        ],
    )
    def k(dst_hbm, out_hbm, ia_v, ib_v, ones_v, z_v, acc_sh, isa, isb):
        cid = lax.axis_index("c")
        sid = lax.axis_index("s")

        @pl.loop(0, CH)
        def _(r):
            @pl.loop(0, d, step=L)
            def _(c):
                ones_v[r, pl.ds(c, L)] = jnp.full((L,), 1.0, jnp.float32)

        @pl.loop(0, zr)
        def _(r):
            @pl.loop(0, d, step=L)
            def _(c):
                z_v[r, pl.ds(c, L)] = jnp.zeros((L,), jnp.float32)

        base = sid * rpt

        @pl.loop(0, rpt // zr)
        def _(j):
            pltpu.sync_copy(z_v, acc_sh.at[pl.ds(base + j * zr, zr)])

        ebase = cid * epc + sid * ept
        pltpu.async_copy(dst_hbm.at[pl.ds(ebase, CH)], ia_v, isa)
        plsc.subcore_barrier()

        @pl.loop(0, (nch - 1) // 2)
        def _(jj):
            j0 = 2 * jj
            pltpu.async_copy(
                dst_hbm.at[pl.ds(ebase + (j0 + 1) * CH, CH)], ib_v, isb)
            pltpu.make_async_copy(
                dst_hbm.at[pl.ds(ebase, CH)], ia_v, isa).wait()
            pltpu.sync_copy(ones_v, acc_sh.at[ia_v], add=True)
            pltpu.async_copy(
                dst_hbm.at[pl.ds(ebase + (j0 + 2) * CH, CH)], ia_v, isa)
            pltpu.make_async_copy(
                dst_hbm.at[pl.ds(ebase, CH)], ib_v, isb).wait()
            pltpu.sync_copy(ones_v, acc_sh.at[ib_v], add=True)

        pltpu.make_async_copy(dst_hbm.at[pl.ds(ebase, CH)], ia_v, isa).wait()
        pltpu.sync_copy(ones_v, acc_sh.at[ia_v], add=True)

        plsc.subcore_barrier()
        pltpu.sync_copy(acc_sh.at[pl.ds(base, rpt)],
                        out_hbm.at[cid, pl.ds(base, rpt)])

    return k(dst)


def _sc_aggregate(u, src, dst):
    n, d = u.shape
    (e,) = src.shape
    epc = e // NC
    ept = epc // NS
    rpt = -(-n // NS)
    rpt = -(-rpt // 128) * 128
    npad = rpt * NS
    assert epc * NC == e and ept * NS == epc
    assert d % L == 0

    ch = CH // 2
    nch = ept // ch
    ns_ = 5
    nr = nch // ns_
    assert nch * ch == ept and nch % ns_ == 0 and nr >= 2

    @functools.partial(
        pl.kernel,
        mesh=_sc_mesh(),
        out_type=jax.ShapeDtypeStruct((NC, npad, d), jnp.float32),
        scratch_types=(
            [pltpu.VMEM((ept,), jnp.int32)]
            + [pltpu.VMEM((ch,), jnp.int32)] * ns_
            + [pltpu.VMEM((ch, d), jnp.float32)] * ns_
            + [pltpu.VMEM_SHARED((npad, d), jnp.float32)]
            + [pltpu.SemaphoreType.DMA] * (3 * ns_)
        ),
    )
    def k(u_hbm, src_hbm, dst_hbm, out_hbm, si_v, *rest):
        iv = rest[:ns_]
        rv = rest[ns_:2 * ns_]
        acc_sh = rest[2 * ns_]
        gs = rest[2 * ns_ + 1:2 * ns_ + 1 + ns_]
        isem = rest[2 * ns_ + 1 + ns_:2 * ns_ + 1 + 2 * ns_]
        ss = rest[2 * ns_ + 1 + 2 * ns_:2 * ns_ + 1 + 3 * ns_]
        cid = lax.axis_index("c")
        sid = lax.axis_index("s")
        base = sid * rpt
        ebase = cid * epc + sid * ept

        def idx_start(chunk, s):
            return pltpu.async_copy(
                dst_hbm.at[pl.ds(ebase + chunk * ch, ch)], iv[s], isem[s])

        def idx_wait(s):
            pltpu.make_async_copy(
                dst_hbm.at[pl.ds(ebase, ch)], iv[s], isem[s]).wait()

        def gat_start(chunk, s):
            return pltpu.async_copy(
                u_hbm.at[si_v.at[pl.ds(chunk * ch, ch)]], rv[s], gs[s])

        def gat_wait(s):
            pltpu.make_async_copy(
                u_hbm.at[si_v.at[pl.ds(0, ch)]], rv[s], gs[s]).wait()

        def sca_start(s):
            return pltpu.async_copy(rv[s], acc_sh.at[iv[s]], ss[s], add=True)

        def sca_wait(s):
            pltpu.make_async_copy(rv[s], acc_sh.at[iv[s]], ss[s]).wait()

        @pl.loop(0, ch)
        def _(r):
            @pl.loop(0, d, step=L)
            def _(c):
                rv[0][r, pl.ds(c, L)] = jnp.zeros((L,), jnp.float32)

        @pl.loop(0, rpt // ch)
        def _(j):
            pltpu.sync_copy(rv[0], acc_sh.at[pl.ds(base + j * ch, ch)])

        pltpu.sync_copy(src_hbm.at[pl.ds(ebase, ept)], si_v)
        for s in range(ns_):
            idx_start(s, s)
            gat_start(s, s)
        plsc.subcore_barrier()

        @pl.loop(0, nr - 1)
        def _(jj):
            for s in range(ns_):
                gat_wait(s)
                idx_wait(s)
                sca_start(s)
            nxt = ns_ * (jj + 1)
            for s in range(ns_):
                sca_wait(s)
                idx_start(nxt + s, s)
                gat_start(nxt + s, s)

        for s in range(ns_):
            gat_wait(s)
            idx_wait(s)
            sca_start(s)
        for s in range(ns_):
            sca_wait(s)

        plsc.subcore_barrier()
        pltpu.sync_copy(acc_sh.at[pl.ds(base, rpt)],
                        out_hbm.at[cid, pl.ds(base, rpt)])

    return k(u, src, dst)


def _tc_prep(deg_p, x, bn=1000):
    n, d = x.shape

    def body(dp_ref, x_ref, dinv_ref, u_ref):
        deg = dp_ref[0, :, 0:1] + dp_ref[1, :, 0:1] + 1.0
        dinv = lax.rsqrt(deg)
        dinv_ref[...] = dinv
        u_ref[...] = x_ref[...] * dinv

    return pl.pallas_call(
        body,
        grid=(n // bn,),
        in_specs=[
            pl.BlockSpec((NC, bn, deg_p.shape[2]), lambda i: (0, i, 0)),
            pl.BlockSpec((bn, d), lambda i: (i, 0)),
        ],
        out_specs=[
            pl.BlockSpec((bn, 1), lambda i: (i, 0)),
            pl.BlockSpec((bn, d), lambda i: (i, 0)),
        ],
        out_shape=[
            jax.ShapeDtypeStruct((n, 1), jnp.float32),
            jax.ShapeDtypeStruct((n, d), jnp.float32),
        ],
    )(deg_p, x)


def _tc_layer1(s_p, u, dinv, w_local, b_local, w_g1, b_g1, w_f1, b_f,
               bn=1000):
    n, d = u.shape

    def body(s_ref, u_ref, dv_ref, wl, bl, wg, bg, wf, bf, pre_ref, u2_ref):
        y = dv_ref[...] * (s_ref[0] + s_ref[1] + u_ref[...])
        loc = jnp.maximum(
            jnp.dot(y, wl[...], precision=_HIGH) + bl[...], 0.0)
        pre_ref[...] = jnp.dot(loc, wf[...], precision=_HIGH) + bf[...]
        g1 = jnp.maximum(
            jnp.dot(y, wg[...], precision=_HIGH) + bg[...], 0.0)
        u2_ref[...] = dv_ref[...] * g1

    full = lambda i: (0, 0)
    return pl.pallas_call(
        body,
        grid=(n // bn,),
        in_specs=[
            pl.BlockSpec((NC, bn, d), lambda i: (0, i, 0)),
            pl.BlockSpec((bn, d), lambda i: (i, 0)),
            pl.BlockSpec((bn, 1), lambda i: (i, 0)),
            pl.BlockSpec((d, d), full),
            pl.BlockSpec((1, d), full),
            pl.BlockSpec((d, d), full),
            pl.BlockSpec((1, d), full),
            pl.BlockSpec((d, d), full),
            pl.BlockSpec((1, d), full),
        ],
        out_specs=[
            pl.BlockSpec((bn, d), lambda i: (i, 0)),
            pl.BlockSpec((bn, d), lambda i: (i, 0)),
        ],
        out_shape=[
            jax.ShapeDtypeStruct((n, d), jnp.float32),
            jax.ShapeDtypeStruct((n, d), jnp.float32),
        ],
    )(s_p, u, dinv, w_local, b_local, w_g1, b_g1, w_f1, b_f)


def _tc_layer2(s_p, u2, dinv, w_g2, b_g2, w_f2, pre, bn=1000):
    n, d = u2.shape

    def body(s_ref, u2_ref, dv_ref, wg, bg, wf, pre_ref, out_ref):
        z = dv_ref[...] * (s_ref[0] + s_ref[1] + u2_ref[...])
        g2 = jnp.maximum(
            jnp.dot(z, wg[...], precision=_HIGH) + bg[...], 0.0)
        out_ref[...] = pre_ref[...] + jnp.dot(g2, wf[...], precision=_HIGH)

    full = lambda i: (0, 0)
    return pl.pallas_call(
        body,
        grid=(n // bn,),
        in_specs=[
            pl.BlockSpec((NC, bn, d), lambda i: (0, i, 0)),
            pl.BlockSpec((bn, d), lambda i: (i, 0)),
            pl.BlockSpec((bn, 1), lambda i: (i, 0)),
            pl.BlockSpec((d, d), full),
            pl.BlockSpec((1, d), full),
            pl.BlockSpec((d, d), full),
            pl.BlockSpec((bn, d), lambda i: (i, 0)),
        ],
        out_specs=pl.BlockSpec((bn, d), lambda i: (i, 0)),
        out_shape=jax.ShapeDtypeStruct((n, d), jnp.float32),
    )(s_p, u2, dinv, w_g2, b_g2, w_f2, pre)


def kernel(x, edge_index, W_local, b_local, W_g1, b_g1, W_g2, b_g2, W_fuse,
           b_fuse):
    n, d = x.shape
    h = W_local.shape[1]
    src = edge_index[0]
    dst = edge_index[1]
    w_f1 = W_fuse[:h]
    w_f2 = W_fuse[h:]
    b_l = b_local.reshape(1, -1)
    b_g1r = b_g1.reshape(1, -1)
    b_g2r = b_g2.reshape(1, -1)
    b_f = b_fuse.reshape(1, -1)

    deg_p = _sc_degree_hist(dst, n)
    dinv, u = _tc_prep(deg_p, x)
    s1 = _sc_aggregate(u, src, dst)
    pre, u2 = _tc_layer1(s1, u, dinv, W_local, b_l, W_g1, b_g1r, w_f1, b_f)
    s2 = _sc_aggregate(u2, src, dst)
    return _tc_layer2(s2, u2, dinv, W_g2, b_g2r, w_f2, pre)

# --- scband reference (transcript-rebuilt; emitter-appended) ---
"""Pipeline reference for scband-multi-scale-graph-network-31963146617559 (READ-ONLY COPY).

The authoritative reference and input builder live on the scoring server;
editing this copy changes nothing except your own understanding.
"""

import jax, jax.numpy as jnp
import numpy as np

N = 10000
E = 320000
D = 128
H = 128
O = 128


def setup_inputs(seed: int = 0) -> dict:
    key = jax.random.key(seed)
    ks = jax.random.split(key, 12)
    x = jax.random.normal(ks[0], (N, D), dtype=jnp.float32)
    edge_index = jax.random.randint(ks[1], (2, E), 0, N, dtype=jnp.int32)
    s_in = 1.0 / np.sqrt(D)
    s_h = 1.0 / np.sqrt(H)
    s_f = 1.0 / np.sqrt(2 * H)
    W_local = jax.random.uniform(ks[2], (D, H), jnp.float32, -s_in, s_in)
    b_local = jax.random.uniform(ks[3], (H,), jnp.float32, -s_in, s_in)
    W_g1 = jax.random.uniform(ks[4], (D, H), jnp.float32, -s_in, s_in)
    b_g1 = jax.random.uniform(ks[5], (H,), jnp.float32, -s_in, s_in)
    W_g2 = jax.random.uniform(ks[6], (H, H), jnp.float32, -s_h, s_h)
    b_g2 = jax.random.uniform(ks[7], (H,), jnp.float32, -s_h, s_h)
    W_fuse = jax.random.uniform(ks[8], (2 * H, O), jnp.float32, -s_f, s_f)
    b_fuse = jax.random.uniform(ks[9], (O,), jnp.float32, -s_f, s_f)
    return {
        "x": x,
        "edge_index": edge_index,
        "W_local": W_local,
        "b_local": b_local,
        "W_g1": W_g1,
        "b_g1": b_g1,
        "W_g2": W_g2,
        "b_g2": b_g2,
        "W_fuse": W_fuse,
        "b_fuse": b_fuse,
    }


def _gcn_conv(x, edge_index, W, b):
    # PyG-style GCNConv: add self-loops, symmetric normalization, linear transform,
    # scatter-add aggregation, then bias.
    n = x.shape[0]
    loop = jnp.arange(n, dtype=edge_index.dtype)
    src = jnp.concatenate([edge_index[0], loop])
    dst = jnp.concatenate([edge_index[1], loop])
    ones = jnp.ones(src.shape[0], dtype=x.dtype)
    deg = jax.ops.segment_sum(ones, dst, num_segments=n)
    deg_inv_sqrt = jnp.where(deg > 0, jax.lax.rsqrt(deg), 0.0)
    norm = deg_inv_sqrt[src] * deg_inv_sqrt[dst]
    h = x @ W
    msg = h[src] * norm[:, None]
    out = jax.ops.segment_sum(msg, dst, num_segments=n)
    return out + b


def reference(x, edge_index, W_local, b_local, W_g1, b_g1, W_g2, b_g2, W_fuse, b_fuse):
    local_features = jax.nn.relu(_gcn_conv(x, edge_index, W_local, b_local))
    global_features = jax.nn.relu(_gcn_conv(x, edge_index, W_g1, b_g1))
    global_features = jax.nn.relu(_gcn_conv(global_features, edge_index, W_g2, b_g2))
    combined = jnp.concatenate([local_features, global_features], axis=-1)
    return combined @ W_fuse + b_fuse

if __name__ == "__main__":
    import jax
    _d = setup_inputs()
    print(jax.jit(kernel)(*tuple(_d.values())))

</pallas_src>

<mosaic_0001>
#map = affine_map<(d0, d1) -> (0)>
#map1 = affine_map<(d0, d1) -> (0, 0, 0)>
module attributes {stable_mosaic.version = 14 : i64} {
  func.func @k(%arg0: i32, %arg1: i32, %arg2: memref<320000xi32, #tpu.memory_space<hbm>>, %arg3: memref<2x10240x128xf32, #tpu.memory_space<hbm>>, %arg4: memref<80xi32, #tpu.memory_space<vmem>>, %arg5: memref<80xi32, #tpu.memory_space<vmem>>, %arg6: memref<80x128xf32, #tpu.memory_space<vmem>>, %arg7: memref<128x128xf32, #tpu.memory_space<vmem>>, %arg8: memref<10240x128xf32, #tpu.memory_space<vmem_shared>>, %arg9: memref<!tpu.dma_semaphore, #tpu.memory_space<semaphore_mem>>, %arg10: memref<!tpu.dma_semaphore, #tpu.memory_space<semaphore_mem>>) attributes {dimension_semantics = [#tpu.dimension_semantics<core_parallel>, #tpu.dimension_semantics<subcore_parallel>], iteration_bounds = array<i64: 2, 16>, scalar_prefetch = 0 : i64, scratch_operands = 7 : i64, tpu.core_type = #tpu.core_type<sc_vector_subcore>, window_params = [{transform_indices = #map}, {transform_indices = #map1}]} {
    %scan3A = arith.constant 0 : i32
    %scan3A_0 = arith.constant 80 : i32
    %scan3A_1 = arith.addi %scan3A, %scan3A_0 : i32
    %scan3A_2 = arith.constant 1 : i32
    scf.for %scan3A_27 = %scan3A to %scan3A_1 step %scan3A_2  : i32 {
      %mul3A_28 = arith.constant 1 : i32
      %mul3A_29 = arith.muli %scan3A_27, %mul3A_28 : i32
      %add3A_30 = arith.constant 0 : i32
      %add3A_31 = arith.addi %add3A_30, %mul3A_29 : i32
      %scan3A_32 = arith.constant 0 : i32
      %scan3A_33 = arith.constant 8 : i32
      %scan3A_34 = arith.addi %scan3A_32, %scan3A_33 : i32
      %scan3A_35 = arith.constant 1 : i32
      scf.for %scan3A_37 = %scan3A_32 to %scan3A_34 step %scan3A_35  : i32 {
        %mul3A_38 = arith.constant 16 : i32
        %mul3A_39 = arith.muli %scan3A_37, %mul3A_38 : i32
        %add3A_40 = arith.constant 0 : i32
        %add3A_41 = arith.addi %add3A_40, %mul3A_39 : i32
        %broadcast_in_dim3A = arith.constant 1.000000e+00 : f32
        %broadcast_in_dim3A_42 = vector.broadcast %broadcast_in_dim3A : f32 to vector<16xf32>
        %swap3A = arith.index_cast %add3A_31 : i32 to index
        %swap3A_43 = arith.index_cast %add3A_41 : i32 to index
        %swap3A_44 = tpu.vector_load %arg6[%swap3A, %swap3A_43] {strides = array<i32>} : memref<80x128xf32, #tpu.memory_space<vmem>>, vector<1x16xf32>,
        %swap3A_45 = vector.shape_cast %swap3A_44 : vector<1x16xf32> to vector<16xf32>
        %swap3A_46 = vector.shape_cast %broadcast_in_dim3A_42 : vector<16xf32> to vector<1x16xf32>
        tpu.vector_store %arg6[%swap3A, %swap3A_43], %swap3A_46 {strides = array<i32>} : memref<80x128xf32, #tpu.memory_space<vmem>>, vector<1x16xf32>,
      }
      %scan3A_36 = arith.constant 8 : i32
    }
    %scan3A_3 = arith.constant 80 : i32
    %scan3A_4 = arith.constant 0 : i32
    %scan3A_5 = arith.constant 128 : i32
    %scan3A_6 = arith.addi %scan3A_4, %scan3A_5 : i32
    %scan3A_7 = arith.constant 1 : i32
    scf.for %scan3A_27 = %scan3A_4 to %scan3A_6 step %scan3A_7  : i32 {
      %mul3A_28 = arith.constant 1 : i32
      %mul3A_29 = arith.muli %scan3A_27, %mul3A_28 : i32
      %add3A_30 = arith.constant 0 : i32
      %add3A_31 = arith.addi %add3A_30, %mul3A_29 : i32
      %scan3A_32 = arith.constant 0 : i32
      %scan3A_33 = arith.constant 8 : i32
      %scan3A_34 = arith.addi %scan3A_32, %scan3A_33 : i32
      %scan3A_35 = arith.constant 1 : i32
      scf.for %scan3A_37 = %scan3A_32 to %scan3A_34 step %scan3A_35  : i32 {
        %mul3A_38 = arith.constant 16 : i32
        %mul3A_39 = arith.muli %scan3A_37, %mul3A_38 : i32
        %add3A_40 = arith.constant 0 : i32
        %add3A_41 = arith.addi %add3A_40, %mul3A_39 : i32
        %broadcast_in_dim3A = arith.constant 0.000000e+00 : f32
        %broadcast_in_dim3A_42 = vector.broadcast %broadcast_in_dim3A : f32 to vector<16xf32>
        %swap3A = arith.index_cast %add3A_31 : i32 to index
        %swap3A_43 = arith.index_cast %add3A_41 : i32 to index
        %swap3A_44 = tpu.vector_load %arg7[%swap3A, %swap3A_43] {strides = array<i32>} : memref<128x128xf32, #tpu.memory_space<vmem>>, vector<1x16xf32>,
        %swap3A_45 = vector.shape_cast %swap3A_44 : vector<1x16xf32> to vector<16xf32>
        %swap3A_46 = vector.shape_cast %broadcast_in_dim3A_42 : vector<16xf32> to vector<1x16xf32>
        tpu.vector_store %arg7[%swap3A, %swap3A_43], %swap3A_46 {strides = array<i32>} : memref<128x128xf32, #tpu.memory_space<vmem>>, vector<1x16xf32>,
      }
      %scan3A_36 = arith.constant 8 : i32
    }
    %scan3A_8 = arith.constant 128 : i32
    %mul3A = arith.constant 640 : i32
    %mul3A_9 = arith.muli %arg1, %mul3A : i32
    %scan3A_10 = arith.constant 0 : i32
    %scan3A_11 = arith.constant 5 : i32
    %scan3A_12 = arith.addi %scan3A_10, %scan3A_11 : i32
    %scan3A_13 = arith.constant 1 : i32
    scf.for %scan3A_27 = %scan3A_10 to %scan3A_12 step %scan3A_13  : i32 {
      %mul3A_28 = arith.constant 1 : i32
      %mul3A_29 = arith.muli %scan3A_27, %mul3A_28 : i32
      %add3A_30 = arith.constant 0 : i32
      %add3A_31 = arith.addi %add3A_30, %mul3A_29 : i32
      %mul3A_32 = arith.constant 128 : i32
      %mul3A_33 = arith.muli %add3A_31, %mul3A_32 : i32
      %add3A_34 = arith.addi %mul3A_9, %mul3A_33 : i32
      "tpu.region"() ({
        %run_scoped3A = tpu.sem_alloc : memref<!tpu.dma_semaphore, #tpu.memory_space<semaphore_mem>>
        %dma_start3A_35 = arith.constant 0 : i32
        %dma_start3A_36 = tpu.memref_slice %arg8[%add3A_34, %dma_start3A_35] : memref<10240x128xf32, #tpu.memory_space<vmem_shared>> -> memref<128x128xf32, #tpu.memory_space<vmem_shared>>
        %dma_start3A_37 = arith.constant 0 : i32
        %dma_start3A_38 = tpu.memref_slice %arg8[%add3A_34, %dma_start3A_37] : memref<10240x128xf32, #tpu.memory_space<vmem_shared>> -> memref<128x128xf32, #tpu.memory_space<vmem_shared>>
        tpu.enqueue_dma source(%arg7 : memref<128x128xf32, #tpu.memory_space<vmem>>) target(%dma_start3A_38 : memref<128x128xf32, #tpu.memory_space<vmem_shared>>) target_semaphore(%run_scoped3A : memref<!tpu.dma_semaphore, #tpu.memory_space<semaphore_mem>>)
        %dma_wait3A_39 = arith.constant 0 : i32
        %dma_wait3A_40 = tpu.memref_slice %arg8[%add3A_34, %dma_wait3A_39] : memref<10240x128xf32, #tpu.memory_space<vmem_shared>> -> memref<128x128xf32, #tpu.memory_space<vmem_shared>>
        %dma_wait3A_41 = arith.constant 0 : i32
        %dma_wait3A_42 = tpu.memref_slice %arg8[%add3A_34, %dma_wait3A_41] : memref<10240x128xf32, #tpu.memory_space<vmem_shared>> -> memref<128x128xf32, #tpu.memory_space<vmem_shared>>
        tpu.wait_dma2 semaphore(%run_scoped3A : memref<!tpu.dma_semaphore, #tpu.memory_space<semaphore_mem>>) src(%arg7 : memref<128x128xf32, #tpu.memory_space<vmem>>) dst(%dma_wait3A_42 : memref<128x128xf32, #tpu.memory_space<vmem_shared>>)
        tpu.yield
      }) : () -> ()
    }
    %scan3A_14 = arith.constant 5 : i32
    %mul3A_15 = arith.constant 160000 : i32
    %mul3A_16 = arith.muli %arg0, %mul3A_15 : i32
    %mul3A_17 = arith.constant 10000 : i32
    %mul3A_18 = arith.muli %arg1, %mul3A_17 : i32
    %add3A = arith.addi %mul3A_16, %mul3A_18 : i32
    %dma_start3A = tpu.memref_slice %arg2[%add3A] : memref<320000xi32, #tpu.memory_space<hbm>> -> memref<80xi32, #tpu.memory_space<hbm>>
    %dma_start3A_19 = tpu.memref_slice %arg2[%add3A] : memref<320000xi32, #tpu.memory_space<hbm>> -> memref<80xi32, #tpu.memory_space<hbm>>
    tpu.enqueue_dma source(%dma_start3A_19 : memref<80xi32, #tpu.memory_space<hbm>>) target(%arg4 : memref<80xi32, #tpu.memory_space<vmem>>) target_semaphore(%arg9 : memref<!tpu.dma_semaphore, #tpu.memory_space<semaphore_mem>>)
    %barrier3A = arith.constant 0 : index
    tpu.barrier barrier_id(%barrier3A)
    %scan3A_20 = arith.constant 0 : i32
    %scan3A_21 = arith.constant 62 : i32
    %scan3A_22 = arith.addi %scan3A_20, %scan3A_21 : i32
    %scan3A_23 = arith.constant 1 : i32
    scf.for %scan3A_27 = %scan3A_20 to %scan3A_22 step %scan3A_23  : i32 {
      %mul3A_28 = arith.constant 1 : i32
      %mul3A_29 = arith.muli %scan3A_27, %mul3A_28 : i32
      %add3A_30 = arith.constant 0 : i32
      %add3A_31 = arith.addi %add3A_30, %mul3A_29 : i32
      %mul3A_32 = arith.constant 2 : i32
      %mul3A_33 = arith.muli %mul3A_32, %add3A_31 : i32
      %add3A_34 = arith.constant 1 : i32
      %add3A_35 = arith.addi %mul3A_33, %add3A_34 : i32
      %mul3A_36 = arith.constant 80 : i32
      %mul3A_37 = arith.muli %add3A_35, %mul3A_36 : i32
      %add3A_38 = arith.addi %add3A, %mul3A_37 : i32
      %dma_start3A_39 = tpu.memref_slice %arg2[%add3A_38] : memref<320000xi32, #tpu.memory_space<hbm>> -> memref<80xi32, #tpu.memory_space<hbm>>
      %dma_start3A_40 = tpu.memref_slice %arg2[%add3A_38] : memref<320000xi32, #tpu.memory_space<hbm>> -> memref<80xi32, #tpu.memory_space<hbm>>
      tpu.enqueue_dma source(%dma_start3A_40 : memref<80xi32, #tpu.memory_space<hbm>>) target(%arg5 : memref<80xi32, #tpu.memory_space<vmem>>) target_semaphore(%arg10 : memref<!tpu.dma_semaphore, #tpu.memory_space<semaphore_mem>>)
      %dma_wait3A_41 = tpu.memref_slice %arg2[%add3A] : memref<320000xi32, #tpu.memory_space<hbm>> -> memref<80xi32, #tpu.memory_space<hbm>>
      %dma_wait3A_42 = tpu.memref_slice %arg2[%add3A] : memref<320000xi32, #tpu.memory_space<hbm>> -> memref<80xi32, #tpu.memory_space<hbm>>
      tpu.wait_dma2 semaphore(%arg9 : memref<!tpu.dma_semaphore, #tpu.memory_space<semaphore_mem>>) src(%dma_wait3A_42 : memref<80xi32, #tpu.memory_space<hbm>>) dst(%arg4 : memref<80xi32, #tpu.memory_space<vmem>>)
      "tpu.region"() ({
        %run_scoped3A = tpu.sem_alloc : memref<!tpu.dma_semaphore, #tpu.memory_space<semaphore_mem>>
        %dma_start3A_52 = arith.constant 0 : i32
        %dma_start3A_53 = arith.constant 0 : i32
        %dma_start3A_54 = tpu.memref_slice %arg8[%dma_start3A_52, %dma_start3A_53] : memref<10240x128xf32, #tpu.memory_space<vmem_shared>> -> memref<10240x128xf32, #tpu.memory_space<vmem_shared>>
        tpu.enqueue_indirect_dma source(%arg6 : memref<80x128xf32, #tpu.memory_space<vmem>>) target(%dma_start3A_54 : memref<10240x128xf32, #tpu.memory_space<vmem_shared>>) offsets(%arg4 : memref<80xi32, #tpu.memory_space<vmem>>) semaphore(%run_scoped3A : memref<!tpu.dma_semaphore, #tpu.memory_space<semaphore_mem>>) {add = true}
        %dma_wait3A_55 = arith.constant 0 : i32
        %dma_wait3A_56 = arith.constant 0 : i32
        %dma_wait3A_57 = tpu.memref_slice %arg8[%dma_wait3A_55, %dma_wait3A_56] : memref<10240x128xf32, #tpu.memory_space<vmem_shared>> -> memref<10240x128xf32, #tpu.memory_space<vmem_shared>>
        tpu.wait_indirect_dma semaphore(%run_scoped3A : memref<!tpu.dma_semaphore, #tpu.memory_space<semaphore_mem>>) src(%arg6 : memref<80x128xf32, #tpu.memory_space<vmem>>) dst(%dma_wait3A_57 : memref<10240x128xf32, #tpu.memory_space<vmem_shared>>)
        tpu.yield
      }) : () -> ()
      %add3A_43 = arith.constant 2 : i32
      %add3A_44 = arith.addi %mul3A_33, %add3A_43 : i32
      %mul3A_45 = arith.constant 80 : i32
      %mul3A_46 = arith.muli %add3A_44, %mul3A_45 : i32
      %add3A_47 = arith.addi %add3A, %mul3A_46 : i32
      %dma_start3A_48 = tpu.memref_slice %arg2[%add3A_47] : memref<320000xi32, #tpu.memory_space<hbm>> -> memref<80xi32, #tpu.memory_space<hbm>>
      %dma_start3A_49 = tpu.memref_slice %arg2[%add3A_47] : memref<320000xi32, #tpu.memory_space<hbm>> -> memref<80xi32, #tpu.memory_space<hbm>>
      tpu.enqueue_dma source(%dma_start3A_49 : memref<80xi32, #tpu.memory_space<hbm>>) target(%arg4 : memref<80xi32, #tpu.memory_space<vmem>>) target_semaphore(%arg9 : memref<!tpu.dma_semaphore, #tpu.memory_space<semaphore_mem>>)
      %dma_wait3A_50 = tpu.memref_slice %arg2[%add3A] : memref<320000xi32, #tpu.memory_space<hbm>> -> memref<80xi32, #tpu.memory_space<hbm>>
      %dma_wait3A_51 = tpu.memref_slice %arg2[%add3A] : memref<320000xi32, #tpu.memory_space<hbm>> -> memref<80xi32, #tpu.memory_space<hbm>>
      tpu.wait_dma2 semaphore(%arg10 : memref<!tpu.dma_semaphore, #tpu.memory_space<semaphore_mem>>) src(%dma_wait3A_51 : memref<80xi32, #tpu.memory_space<hbm>>) dst(%arg5 : memref<80xi32, #tpu.memory_space<vmem>>)
      "tpu.region"() ({
        %run_scoped3A = tpu.sem_alloc : memref<!tpu.dma_semaphore, #tpu.memory_space<semaphore_mem>>
        %dma_start3A_52 = arith.constant 0 : i32
        %dma_start3A_53 = arith.constant 0 : i32
        %dma_start3A_54 = tpu.memref_slice %arg8[%dma_start3A_52, %dma_start3A_53] : memref<10240x128xf32, #tpu.memory_space<vmem_shared>> -> memref<10240x128xf32, #tpu.memory_space<vmem_shared>>
        tpu.enqueue_indirect_dma source(%arg6 : memref<80x128xf32, #tpu.memory_space<vmem>>) target(%dma_start3A_54 : memref<10240x128xf32, #tpu.memory_space<vmem_shared>>) offsets(%arg5 : memref<80xi32, #tpu.memory_space<vmem>>) semaphore(%run_scoped3A : memref<!tpu.dma_semaphore, #tpu.memory_space<semaphore_mem>>) {add = true}
        %dma_wait3A_55 = arith.constant 0 : i32
        %dma_wait3A_56 = arith.constant 0 : i32
        %dma_wait3A_57 = tpu.memref_slice %arg8[%dma_wait3A_55, %dma_wait3A_56] : memref<10240x128xf32, #tpu.memory_space<vmem_shared>> -> memref<10240x128xf32, #tpu.memory_space<vmem_shared>>
        tpu.wait_indirect_dma semaphore(%run_scoped3A : memref<!tpu.dma_semaphore, #tpu.memory_space<semaphore_mem>>) src(%arg6 : memref<80x128xf32, #tpu.memory_space<vmem>>) dst(%dma_wait3A_57 : memref<10240x128xf32, #tpu.memory_space<vmem_shared>>)
        tpu.yield
      }) : () -> ()
    }
    %scan3A_24 = arith.constant 62 : i32
    %dma_wait3A = tpu.memref_slice %arg2[%add3A] : memref<320000xi32, #tpu.memory_space<hbm>> -> memref<80xi32, #tpu.memory_space<hbm>>
    %dma_wait3A_25 = tpu.memref_slice %arg2[%add3A] : memref<320000xi32, #tpu.memory_space<hbm>> -> memref<80xi32, #tpu.memory_space<hbm>>
    tpu.wait_dma2 semaphore(%arg9 : memref<!tpu.dma_semaphore, #tpu.memory_space<semaphore_mem>>) src(%dma_wait3A_25 : memref<80xi32, #tpu.memory_space<hbm>>) dst(%arg4 : memref<80xi32, #tpu.memory_space<vmem>>)
    "tpu.region"() ({
      %run_scoped3A = tpu.sem_alloc : memref<!tpu.dma_semaphore, #tpu.memory_space<semaphore_mem>>
      %dma_start3A_27 = arith.constant 0 : i32
      %dma_start3A_28 = arith.constant 0 : i32
      %dma_start3A_29 = tpu.memref_slice %arg8[%dma_start3A_27, %dma_start3A_28] : memref<10240x128xf32, #tpu.memory_space<vmem_shared>> -> memref<10240x128xf32, #tpu.memory_space<vmem_shared>>
      tpu.enqueue_indirect_dma source(%arg6 : memref<80x128xf32, #tpu.memory_space<vmem>>) target(%dma_start3A_29 : memref<10240x128xf32, #tpu.memory_space<vmem_shared>>) offsets(%arg4 : memref<80xi32, #tpu.memory_space<vmem>>) semaphore(%run_scoped3A : memref<!tpu.dma_semaphore, #tpu.memory_space<semaphore_mem>>) {add = true}
      %dma_wait3A_30 = arith.constant 0 : i32
      %dma_wait3A_31 = arith.constant 0 : i32
      %dma_wait3A_32 = tpu.memref_slice %arg8[%dma_wait3A_30, %dma_wait3A_31] : memref<10240x128xf32, #tpu.memory_space<vmem_shared>> -> memref<10240x128xf32, #tpu.memory_space<vmem_shared>>
      tpu.wait_indirect_dma semaphore(%run_scoped3A : memref<!tpu.dma_semaphore, #tpu.memory_space<semaphore_mem>>) src(%arg6 : memref<80x128xf32, #tpu.memory_space<vmem>>) dst(%dma_wait3A_32 : memref<10240x128xf32, #tpu.memory_space<vmem_shared>>)
      tpu.yield
    }) : () -> ()
    %barrier3A_26 = arith.constant 0 : index
    tpu.barrier barrier_id(%barrier3A_26)
    "tpu.region"() ({
      %run_scoped3A = tpu.sem_alloc : memref<!tpu.dma_semaphore, #tpu.memory_space<semaphore_mem>>
      %dma_start3A_27 = arith.constant 0 : i32
      %dma_start3A_28 = tpu.memref_slice %arg3[%arg0, %mul3A_9, %dma_start3A_27] : memref<2x10240x128xf32, #tpu.memory_space<hbm>> -> memref<1x640x128xf32, #tpu.memory_space<hbm>>
      %dma_start3A_29 = tpu.memref_squeeze %dma_start3A_28 : memref<1x640x128xf32, #tpu.memory_space<hbm>> -> memref<640x128xf32, #tpu.memory_space<hbm>>
      %dma_start3A_30 = arith.constant 0 : i32
      %dma_start3A_31 = tpu.memref_slice %arg8[%mul3A_9, %dma_start3A_30] : memref<10240x128xf32, #tpu.memory_space<vmem_shared>> -> memref<640x128xf32, #tpu.memory_space<vmem_shared>>
      tpu.enqueue_dma source(%dma_start3A_31 : memref<640x128xf32, #tpu.memory_space<vmem_shared>>) target(%dma_start3A_29 : memref<640x128xf32, #tpu.memory_space<hbm>>) target_semaphore(%run_scoped3A : memref<!tpu.dma_semaphore, #tpu.memory_space<semaphore_mem>>)
      %dma_wait3A_32 = arith.constant 0 : i32
      %dma_wait3A_33 = tpu.memref_slice %arg3[%arg0, %mul3A_9, %dma_wait3A_32] : memref<2x10240x128xf32, #tpu.memory_space<hbm>> -> memref<1x640x128xf32, #tpu.memory_space<hbm>>
      %dma_wait3A_34 = tpu.memref_squeeze %dma_wait3A_33 : memref<1x640x128xf32, #tpu.memory_space<hbm>> -> memref<640x128xf32, #tpu.memory_space<hbm>>
      %dma_wait3A_35 = arith.constant 0 : i32
      %dma_wait3A_36 = tpu.memref_slice %arg8[%mul3A_9, %dma_wait3A_35] : memref<10240x128xf32, #tpu.memory_space<vmem_shared>> -> memref<640x128xf32, #tpu.memory_space<vmem_shared>>
      tpu.wait_dma2 semaphore(%run_scoped3A : memref<!tpu.dma_semaphore, #tpu.memory_space<semaphore_mem>>) src(%dma_wait3A_36 : memref<640x128xf32, #tpu.memory_space<vmem_shared>>) dst(%dma_wait3A_34 : memref<640x128xf32, #tpu.memory_space<hbm>>)
      tpu.yield
    }) : () -> ()
    return
  }
}

#map = affine_map<(d0, d1) -> (0, 0)>
#map1 = affine_map<(d0, d1) -> (0)>
#map2 = affine_map<(d0, d1) -> (0, 0, 0)>
module attributes {stable_mosaic.version = 14 : i64} {
  func.func @k(%arg0: i32, %arg1: i32, %arg2: memref<10000x128xf32, #tpu.memory_space<hbm>>, %arg3: memref<320000xi32, #tpu.memory_space<hbm>>, %arg4: memref<320000xi32, #tpu.memory_space<hbm>>, %arg5: memref<2x10240x128xf32, #tpu.memory_space<hbm>>, %arg6: memref<10000xi32, #tpu.memory_space<vmem>>, %arg7: memref<40xi32, #tpu.memory_space<vmem>>, %arg8: memref<40xi32, #tpu.memory_space<vmem>>, %arg9: memref<40xi32, #tpu.memory_space<vmem>>, %arg10: memref<40xi32, #tpu.memory_space<vmem>>, %arg11: memref<40xi32, #tpu.memory_space<vmem>>, %arg12: memref<40x128xf32, #tpu.memory_space<vmem>>, %arg13: memref<40x128xf32, #tpu.memory_space<vmem>>, %arg14: memref<40x128xf32, #tpu.memory_space<vmem>>, %arg15: memref<40x128xf32, #tpu.memory_space<vmem>>, %arg16: memref<40x128xf32, #tpu.memory_space<vmem>>, %arg17: memref<10240x128xf32, #tpu.memory_space<vmem_shared>>, %arg18: memref<!tpu.dma_semaphore, #tpu.memory_space<semaphore_mem>>, %arg19: memref<!tpu.dma_semaphore, #tpu.memory_space<semaphore_mem>>, %arg20: memref<!tpu.dma_semaphore, #tpu.memory_space<semaphore_mem>>, %arg21: memref<!tpu.dma_semaphore, #tpu.memory_space<semaphore_mem>>, %arg22: memref<!tpu.dma_semaphore, #tpu.memory_space<semaphore_mem>>, %arg23: memref<!tpu.dma_semaphore, #tpu.memory_space<semaphore_mem>>, %arg24: memref<!tpu.dma_semaphore, #tpu.memory_space<semaphore_mem>>, %arg25: memref<!tpu.dma_semaphore, #tpu.memory_space<semaphore_mem>>, %arg26: memref<!tpu.dma_semaphore, #tpu.memory_space<semaphore_mem>>, %arg27: memref<!tpu.dma_semaphore, #tpu.memory_space<semaphore_mem>>, %arg28: memref<!tpu.dma_semaphore, #tpu.memory_space<semaphore_mem>>, %arg29: memref<!tpu.dma_semaphore, #tpu.memory_space<semaphore_mem>>, %arg30: memref<!tpu.dma_semaphore, #tpu.memory_space<semaphore_mem>>, %arg31: memref<!tpu.dma_semaphore, #tpu.memory_space<semaphore_mem>>, %arg32: memref<!tpu.dma_semaphore, #tpu.memory_space<semaphore_mem>>) attributes {dimension_semantics = [#tpu.dimension_semantics<core_parallel>, #tpu.dimension_semantics<subcore_parallel>], iteration_bounds = array<i64: 2, 16>, scalar_prefetch = 0 : i64, scratch_operands = 27 : i64, tpu.core_type = #tpu.core_type<sc_vector_subcore>, window_params = [{transform_indices = #map}, {transform_indices = #map1}, {transform_indices = #map1}, {transform_indices = #map2}]} {
    %mul3A = arith.constant 640 : i32
    %mul3A_0 = arith.muli %arg1, %mul3A : i32
    %mul3A_1 = arith.constant 160000 : i32
    %mul3A_2 = arith.muli %arg0, %mul3A_1 : i32
    %mul3A_3 = arith.constant 10000 : i32
    %mul3A_4 = arith.muli %arg1, %mul3A_3 : i32
    %add3A = arith.addi %mul3A_2, %mul3A_4 : i32
    %scan3A = arith.constant 0 : i32
    %scan3A_5 = arith.constant 40 : i32
    %scan3A_6 = arith.addi %scan3A, %scan3A_5 : i32
    %scan3A_7 = arith.constant 1 : i32
    scf.for %scan3A_128 = %scan3A to %scan3A_6 step %scan3A_7  : i32 {
      %mul3A_129 = arith.constant 1 : i32
      %mul3A_130 = arith.muli %scan3A_128, %mul3A_129 : i32
      %add3A_131 = arith.constant 0 : i32
      %add3A_132 = arith.addi %add3A_131, %mul3A_130 : i32
      %scan3A_133 = arith.constant 0 : i32
      %scan3A_134 = arith.constant 8 : i32
      %scan3A_135 = arith.addi %scan3A_133, %scan3A_134 : i32
      %scan3A_136 = arith.constant 1 : i32
      scf.for %scan3A_138 = %scan3A_133 to %scan3A_135 step %scan3A_136  : i32 {
        %mul3A_139 = arith.constant 16 : i32
        %mul3A_140 = arith.muli %scan3A_138, %mul3A_139 : i32
        %add3A_141 = arith.constant 0 : i32
        %add3A_142 = arith.addi %add3A_141, %mul3A_140 : i32
        %broadcast_in_dim3A = arith.constant 0.000000e+00 : f32
        %broadcast_in_dim3A_143 = vector.broadcast %broadcast_in_dim3A : f32 to vector<16xf32>
        %swap3A = arith.index_cast %add3A_132 : i32 to index
        %swap3A_144 = arith.index_cast %add3A_142 : i32 to index
        %swap3A_145 = tpu.vector_load %arg12[%swap3A, %swap3A_144] {strides = array<i32>} : memref<40x128xf32, #tpu.memory_space<vmem>>, vector<1x16xf32>,
        %swap3A_146 = vector.shape_cast %swap3A_145 : vector<1x16xf32> to vector<16xf32>
        %swap3A_147 = vector.shape_cast %broadcast_in_dim3A_143 : vector<16xf32> to vector<1x16xf32>
        tpu.vector_store %arg12[%swap3A, %swap3A_144], %swap3A_147 {strides = array<i32>} : memref<40x128xf32, #tpu.memory_space<vmem>>, vector<1x16xf32>,
      }
      %scan3A_137 = arith.constant 8 : i32
    }
    %scan3A_8 = arith.constant 40 : i32
    %scan3A_9 = arith.constant 0 : i32
    %scan3A_10 = arith.constant 16 : i32
    %scan3A_11 = arith.addi %scan3A_9, %scan3A_10 : i32
    %scan3A_12 = arith.constant 1 : i32
    scf.for %scan3A_128 = %scan3A_9 to %scan3A_11 step %scan3A_12  : i32 {
      %mul3A_129 = arith.constant 1 : i32
      %mul3A_130 = arith.muli %scan3A_128, %mul3A_129 : i32
      %add3A_131 = arith.constant 0 : i32
      %add3A_132 = arith.addi %add3A_131, %mul3A_130 : i32
      %mul3A_133 = arith.constant 40 : i32
      %mul3A_134 = arith.muli %add3A_132, %mul3A_133 : i32
      %add3A_135 = arith.addi %mul3A_0, %mul3A_134 : i32
      "tpu.region"() ({
        %run_scoped3A = tpu.sem_alloc : memref<!tpu.dma_semaphore, #tpu.memory_space<semaphore_mem>>
        %dma_start3A_136 = arith.constant 0 : i32
        %dma_start3A_137 = tpu.memref_slice %arg17[%add3A_135, %dma_start3A_136] : memref<10240x128xf32, #tpu.memory_space<vmem_shared>> -> memref<40x128xf32, #tpu.memory_space<vmem_shared>>
        %dma_start3A_138 = arith.constant 0 : i32
        %dma_start3A_139 = tpu.memref_slice %arg17[%add3A_135, %dma_start3A_138] : memref<10240x128xf32, #tpu.memory_space<vmem_shared>> -> memref<40x128xf32, #tpu.memory_space<vmem_shared>>
        tpu.enqueue_dma source(%arg12 : memref<40x128xf32, #tpu.memory_space<vmem>>) target(%dma_start3A_139 : memref<40x128xf32, #tpu.memory_space<vmem_shared>>) target_semaphore(%run_scoped3A : memref<!tpu.dma_semaphore, #tpu.memory_space<semaphore_mem>>)
        %dma_wait3A_140 = arith.constant 0 : i32
        %dma_wait3A_141 = tpu.memref_slice %arg17[%add3A_135, %dma_wait3A_140] : memref<10240x128xf32, #tpu.memory_space<vmem_shared>> -> memref<40x128xf32, #tpu.memory_space<vmem_shared>>
        %dma_wait3A_142 = arith.constant 0 : i32
        %dma_wait3A_143 = tpu.memref_slice %arg17[%add3A_135, %dma_wait3A_142] : memref<10240x128xf32, #tpu.memory_space<vmem_shared>> -> memref<40x128xf32, #tpu.memory_space<vmem_shared>>
        tpu.wait_dma2 semaphore(%run_scoped3A : memref<!tpu.dma_semaphore, #tpu.memory_space<semaphore_mem>>) src(%arg12 : memref<40x128xf32, #tpu.memory_space<vmem>>) dst(%dma_wait3A_143 : memref<40x128xf32, #tpu.memory_space<vmem_shared>>)
        tpu.yield
      }) : () -> ()
    }
    %scan3A_13 = arith.constant 16 : i32
    "tpu.region"() ({
      %run_scoped3A = tpu.sem_alloc : memref<!tpu.dma_semaphore, #tpu.memory_space<semaphore_mem>>
      %dma_start3A_128 = tpu.memref_slice %arg3[%add3A] : memref<320000xi32, #tpu.memory_space<hbm>> -> memref<10000xi32, #tpu.memory_space<hbm>>
      %dma_start3A_129 = tpu.memref_slice %arg3[%add3A] : memref<320000xi32, #tpu.memory_space<hbm>> -> memref<10000xi32, #tpu.memory_space<hbm>>
      tpu.enqueue_dma source(%dma_start3A_129 : memref<10000xi32, #tpu.memory_space<hbm>>) target(%arg6 : memref<10000xi32, #tpu.memory_space<vmem>>) target_semaphore(%run_scoped3A : memref<!tpu.dma_semaphore, #tpu.memory_space<semaphore_mem>>)
      %dma_wait3A_130 = tpu.memref_slice %arg3[%add3A] : memref<320000xi32, #tpu.memory_space<hbm>> -> memref<10000xi32, #tpu.memory_space<hbm>>
      %dma_wait3A_131 = tpu.memref_slice %arg3[%add3A] : memref<320000xi32, #tpu.memory_space<hbm>> -> memref<10000xi32, #tpu.memory_space<hbm>>
      tpu.wait_dma2 semaphore(%run_scoped3A : memref<!tpu.dma_semaphore, #tpu.memory_space<semaphore_mem>>) src(%dma_wait3A_131 : memref<10000xi32, #tpu.memory_space<hbm>>) dst(%arg6 : memref<10000xi32, #tpu.memory_space<vmem>>)
      tpu.yield
    }) : () -> ()
    %add3A_14 = arith.constant 0 : i32
    %add3A_15 = arith.addi %add3A, %add3A_14 : i32
    %dma_start3A = tpu.memref_slice %arg4[%add3A_15] : memref<320000xi32, #tpu.memory_space<hbm>> -> memref<40xi32, #tpu.memory_space<hbm>>
    %dma_start3A_16 = tpu.memref_slice %arg4[%add3A_15] : memref<320000xi32, #tpu.memory_space<hbm>> -> memref<40xi32, #tpu.memory_space<hbm>>
    tpu.enqueue_dma source(%dma_start3A_16 : memref<40xi32, #tpu.memory_space<hbm>>) target(%arg7 : memref<40xi32, #tpu.memory_space<vmem>>) target_semaphore(%arg23 : memref<!tpu.dma_semaphore, #tpu.memory_space<semaphore_mem>>)
    %dma_start3A_17 = arith.constant 0 : i32
    %dma_start3A_18 = tpu.memref_slice %arg6[%dma_start3A_17] : memref<10000xi32, #tpu.memory_space<vmem>> -> memref<40xi32, #tpu.memory_space<vmem>>
    %dma_start3A_19 = arith.constant 0 : i32
    %dma_start3A_20 = arith.constant 0 : i32
    %dma_start3A_21 = tpu.memref_slice %arg2[%dma_start3A_19, %dma_start3A_20] : memref<10000x128xf32, #tpu.memory_space<hbm>> -> memref<10000x128xf32, #tpu.memory_space<hbm>>
    tpu.enqueue_indirect_dma source(%dma_start3A_21 : memref<10000x128xf32, #tpu.memory_space<hbm>>) target(%arg12 : memref<40x128xf32, #tpu.memory_space<vmem>>) offsets(%dma_start3A_18 : memref<40xi32, #tpu.memory_space<vmem>>) semaphore(%arg18 : memref<!tpu.dma_semaphore, #tpu.memory_space<semaphore_mem>>)
    %add3A_22 = arith.constant 40 : i32
    %add3A_23 = arith.addi %add3A, %add3A_22 : i32
    %dma_start3A_24 = tpu.memref_slice %arg4[%add3A_23] : memref<320000xi32, #tpu.memory_space<hbm>> -> memref<40xi32, #tpu.memory_space<hbm>>
    %dma_start3A_25 = tpu.memref_slice %arg4[%add3A_23] : memref<320000xi32, #tpu.memory_space<hbm>> -> memref<40xi32, #tpu.memory_space<hbm>>
    tpu.enqueue_dma source(%dma_start3A_25 : memref<40xi32, #tpu.memory_space<hbm>>) target(%arg8 : memref<40xi32, #tpu.memory_space<vmem>>) target_semaphore(%arg24 : memref<!tpu.dma_semaphore, #tpu.memory_space<semaphore_mem>>)
    %dma_start3A_26 = arith.constant 40 : i32
    %dma_start3A_27 = tpu.memref_slice %arg6[%dma_start3A_26] : memref<10000xi32, #tpu.memory_space<vmem>> -> memref<40xi32, #tpu.memory_space<vmem>>
    %dma_start3A_28 = arith.constant 0 : i32
    %dma_start3A_29 = arith.constant 0 : i32
    %dma_start3A_30 = tpu.memref_slice %arg2[%dma_start3A_28, %dma_start3A_29] : memref<10000x128xf32, #tpu.memory_space<hbm>> -> memref<10000x128xf32, #tpu.memory_space<hbm>>
    tpu.enqueue_indirect_dma source(%dma_start3A_30 : memref<10000x128xf32, #tpu.memory_space<hbm>>) target(%arg13 : memref<40x128xf32, #tpu.memory_space<vmem>>) offsets(%dma_start3A_27 : memref<40xi32, #tpu.memory_space<vmem>>) semaphore(%arg19 : memref<!tpu.dma_semaphore, #tpu.memory_space<semaphore_mem>>)
    %add3A_31 = arith.constant 80 : i32
    %add3A_32 = arith.addi %add3A, %add3A_31 : i32
    %dma_start3A_33 = tpu.memref_slice %arg4[%add3A_32] : memref<320000xi32, #tpu.memory_space<hbm>> -> memref<40xi32, #tpu.memory_space<hbm>>
    %dma_start3A_34 = tpu.memref_slice %arg4[%add3A_32] : memref<320000xi32, #tpu.memory_space<hbm>> -> memref<40xi32, #tpu.memory_space<hbm>>
    tpu.enqueue_dma source(%dma_start3A_34 : memref<40xi32, #tpu.memory_space<hbm>>) target(%arg9 : memref<40xi32, #tpu.memory_space<vmem>>) target_semaphore(%arg25 : memref<!tpu.dma_semaphore, #tpu.memory_space<semaphore_mem>>)
    %dma_start3A_35 = arith.constant 80 : i32
    %dma_start3A_36 = tpu.memref_slice %arg6[%dma_start3A_35] : memref<10000xi32, #tpu.memory_space<vmem>> -> memref<40xi32, #tpu.memory_space<vmem>>
    %dma_start3A_37 = arith.constant 0 : i32
    %dma_start3A_38 = arith.constant 0 : i32
    %dma_start3A_39 = tpu.memref_slice %arg2[%dma_start3A_37, %dma_start3A_38] : memref<10000x128xf32, #tpu.memory_space<hbm>> -> memref<10000x128xf32, #tpu.memory_space<hbm>>
    tpu.enqueue_indirect_dma source(%dma_start3A_39 : memref<10000x128xf32, #tpu.memory_space<hbm>>) target(%arg14 : memref<40x128xf32, #tpu.memory_space<vmem>>) offsets(%dma_start3A_36 : memref<40xi32, #tpu.memory_space<vmem>>) semaphore(%arg20 : memref<!tpu.dma_semaphore, #tpu.memory_space<semaphore_mem>>)
    %add3A_40 = arith.constant 120 : i32
    %add3A_41 = arith.addi %add3A, %add3A_40 : i32
    %dma_start3A_42 = tpu.memref_slice %arg4[%add3A_41] : memref<320000xi32, #tpu.memory_space<hbm>> -> memref<40xi32, #tpu.memory_space<hbm>>
    %dma_start3A_43 = tpu.memref_slice %arg4[%add3A_41] : memref<320000xi32, #tpu.memory_space<hbm>> -> memref<40xi32, #tpu.memory_space<hbm>>
    tpu.enqueue_dma source(%dma_start3A_43 : memref<40xi32, #tpu.memory_space<hbm>>) target(%arg10 : memref<40xi32, #tpu.memory_space<vmem>>) target_semaphore(%arg26 : memref<!tpu.dma_semaphore, #tpu.memory_space<semaphore_mem>>)
    %dma_start3A_44 = arith.constant 120 : i32
    %dma_start3A_45 = tpu.memref_slice %arg6[%dma_start3A_44] : memref<10000xi32, #tpu.memory_space<vmem>> -> memref<40xi32, #tpu.memory_space<vmem>>
    %dma_start3A_46 = arith.constant 0 : i32
    %dma_start3A_47 = arith.constant 0 : i32
    %dma_start3A_48 = tpu.memref_slice %arg2[%dma_start3A_46, %dma_start3A_47] : memref<10000x128xf32, #tpu.memory_space<hbm>> -> memref<10000x128xf32, #tpu.memory_space<hbm>>
    tpu.enqueue_indirect_dma source(%dma_start3A_48 : memref<10000x128xf32, #tpu.memory_space<hbm>>) target(%arg15 : memref<40x128xf32, #tpu.memory_space<vmem>>) offsets(%dma_start3A_45 : memref<40xi32, #tpu.memory_space<vmem>>) semaphore(%arg21 : memref<!tpu.dma_semaphore, #tpu.memory_space<semaphore_mem>>)
    %add3A_49 = arith.constant 160 : i32
    %add3A_50 = arith.addi %add3A, %add3A_49 : i32
    %dma_start3A_51 = tpu.memref_slice %arg4[%add3A_50] : memref<320000xi32, #tpu.memory_space<hbm>> -> memref<40xi32, #tpu.memory_space<hbm>>
    %dma_start3A_52 = tpu.memref_slice %arg4[%add3A_50] : memref<320000xi32, #tpu.memory_space<hbm>> -> memref<40xi32, #tpu.memory_space<hbm>>
    tpu.enqueue_dma source(%dma_start3A_52 : memref<40xi32, #tpu.memory_space<hbm>>) target(%arg11 : memref<40xi32, #tpu.memory_space<vmem>>) target_semaphore(%arg27 : memref<!tpu.dma_semaphore, #tpu.memory_space<semaphore_mem>>)
    %dma_start3A_53 = arith.constant 160 : i32
    %dma_start3A_54 = tpu.memref_slice %arg6[%dma_start3A_53] : memref<10000xi32, #tpu.memory_space<vmem>> -> memref<40xi32, #tpu.memory_space<vmem>>
    %dma_start3A_55 = arith.constant 0 : i32
    %dma_start3A_56 = arith.constant 0 : i32
    %dma_start3A_57 = tpu.memref_slice %arg2[%dma_start3A_55, %dma_start3A_56] : memref<10000x128xf32, #tpu.memory_space<hbm>> -> memref<10000x128xf32, #tpu.memory_space<hbm>>
    tpu.enqueue_indirect_dma source(%dma_start3A_57 : memref<10000x128xf32, #tpu.memory_space<hbm>>) target(%arg16 : memref<40x128xf32, #tpu.memory_space<vmem>>) offsets(%dma_start3A_54 : memref<40xi32, #tpu.memory_space<vmem>>) semaphore(%arg22 : memref<!tpu.dma_semaphore, #tpu.memory_space<semaphore_mem>>)
    %barrier3A = arith.constant 0 : index
    tpu.barrier barrier_id(%barrier3A)
    %scan3A_58 = arith.constant 0 : i32
    %scan3A_59 = arith.constant 49 : i32
    %scan3A_60 = arith.addi %scan3A_58, %scan3A_59 : i32
    %scan3A_61 = arith.constant 1 : i32
    scf.for %scan3A_128 = %scan3A_58 to %scan3A_60 step %scan3A_61  : i32 {
      %mul3A_129 = arith.constant 1 : i32
      %mul3A_130 = arith.muli %scan3A_128, %mul3A_129 : i32
      %add3A_131 = arith.constant 0 : i32
      %add3A_132 = arith.addi %add3A_131, %mul3A_130 : i32
      %dma_wait3A_133 = arith.constant 0 : i32
      %dma_wait3A_134 = tpu.memref_slice %arg6[%dma_wait3A_133] : memref<10000xi32, #tpu.memory_space<vmem>> -> memref<40xi32, #tpu.memory_space<vmem>>
      %dma_wait3A_135 = arith.constant 0 : i32
      %dma_wait3A_136 = arith.constant 0 : i32
      %dma_wait3A_137 = tpu.memref_slice %arg2[%dma_wait3A_135, %dma_wait3A_136] : memref<10000x128xf32, #tpu.memory_space<hbm>> -> memref<10000x128xf32, #tpu.memory_space<hbm>>
      tpu.wait_indirect_dma semaphore(%arg18 : memref<!tpu.dma_semaphore, #tpu.memory_space<semaphore_mem>>) src(%dma_wait3A_137 : memref<10000x128xf32, #tpu.memory_space<hbm>>) dst(%arg12 : memref<40x128xf32, #tpu.memory_space<vmem>>)
      %dma_wait3A_138 = tpu.memref_slice %arg4[%add3A] : memref<320000xi32, #tpu.memory_space<hbm>> -> memref<40xi32, #tpu.memory_space<hbm>>
      %dma_wait3A_139 = tpu.memref_slice %arg4[%add3A] : memref<320000xi32, #tpu.memory_space<hbm>> -> memref<40xi32, #tpu.memory_space<hbm>>
      tpu.wait_dma2 semaphore(%arg23 : memref<!tpu.dma_semaphore, #tpu.memory_space<semaphore_mem>>) src(%dma_wait3A_139 : memref<40xi32, #tpu.memory_space<hbm>>) dst(%arg7 : memref<40xi32, #tpu.memory_space<vmem>>)
      %dma_start3A_140 = arith.constant 0 : i32
      %dma_start3A_141 = arith.constant 0 : i32
      %dma_start3A_142 = tpu.memref_slice %arg17[%dma_start3A_140, %dma_start3A_141] : memref<10240x128xf32, #tpu.memory_space<vmem_shared>> -> memref<10240x128xf32, #tpu.memory_space<vmem_shared>>
      tpu.enqueue_indirect_dma source(%arg12 : memref<40x128xf32, #tpu.memory_space<vmem>>) target(%dma_start3A_142 : memref<10240x128xf32, #tpu.memory_space<vmem_shared>>) offsets(%arg7 : memref<40xi32, #tpu.memory_space<vmem>>) semaphore(%arg28 : memref<!tpu.dma_semaphore, #tpu.memory_space<semaphore_mem>>) {add = true}
      %dma_wait3A_143 = arith.constant 0 : i32
      %dma_wait3A_144 = tpu.memref_slice %arg6[%dma_wait3A_143] : memref<10000xi32, #tpu.memory_space<vmem>> -> memref<40xi32, #tpu.memory_space<vmem>>
      %dma_wait3A_145 = arith.constant 0 : i32
      %dma_wait3A_146 = arith.constant 0 : i32
      %dma_wait3A_147 = tpu.memref_slice %arg2[%dma_wait3A_145, %dma_wait3A_146] : memref<10000x128xf32, #tpu.memory_space<hbm>> -> memref<10000x128xf32, #tpu.memory_space<hbm>>
      tpu.wait_indirect_dma semaphore(%arg19 : memref<!tpu.dma_semaphore, #tpu.memory_space<semaphore_mem>>) src(%dma_wait3A_147 : memref<10000x128xf32, #tpu.memory_space<hbm>>) dst(%arg13 : memref<40x128xf32, #tpu.memory_space<vmem>>)
      %dma_wait3A_148 = tpu.memref_slice %arg4[%add3A] : memref<320000xi32, #tpu.memory_space<hbm>> -> memref<40xi32, #tpu.memory_space<hbm>>
      %dma_wait3A_149 = tpu.memref_slice %arg4[%add3A] : memref<320000xi32, #tpu.memory_space<hbm>> -> memref<40xi32, #tpu.memory_space<hbm>>
      tpu.wait_dma2 semaphore(%arg24 : memref<!tpu.dma_semaphore, #tpu.memory_space<semaphore_mem>>) src(%dma_wait3A_149 : memref<40xi32, #tpu.memory_space<hbm>>) dst(%arg8 : memref<40xi32, #tpu.memory_space<vmem>>)
      %dma_start3A_150 = arith.constant 0 : i32
      %dma_start3A_151 = arith.constant 0 : i32
      %dma_start3A_152 = tpu.memref_slice %arg17[%dma_start3A_150, %dma_start3A_151] : memref<10240x128xf32, #tpu.memory_space<vmem_shared>> -> memref<10240x128xf32, #tpu.memory_space<vmem_shared>>
      tpu.enqueue_indirect_dma source(%arg13 : memref<40x128xf32, #tpu.memory_space<vmem>>) target(%dma_start3A_152 : memref<10240x128xf32, #tpu.memory_space<vmem_shared>>) offsets(%arg8 : memref<40xi32, #tpu.memory_space<vmem>>) semaphore(%arg29 : memref<!tpu.dma_semaphore, #tpu.memory_space<semaphore_mem>>) {add = true}
      %dma_wait3A_153 = arith.constant 0 : i32
      %dma_wait3A_154 = tpu.memref_slice %arg6[%dma_wait3A_153] : memref<10000xi32, #tpu.memory_space<vmem>> -> memref<40xi32, #tpu.memory_space<vmem>>
      %dma_wait3A_155 = arith.constant 0 : i32
      %dma_wait3A_156 = arith.constant 0 : i32
      %dma_wait3A_157 = tpu.memref_slice %arg2[%dma_wait3A_155, %dma_wait3A_156] : memref<10000x128xf32, #tpu.memory_space<hbm>> -> memref<10000x128xf32, #tpu.memory_space<hbm>>
      tpu.wait_indirect_dma semaphore(%arg20 : memref<!tpu.dma_semaphore, #tpu.memory_space<semaphore_mem>>) src(%dma_wait3A_157 : memref<10000x128xf32, #tpu.memory_space<hbm>>) dst(%arg14 : memref<40x128xf32, #tpu.memory_space<vmem>>)
      %dma_wait3A_158 = tpu.memref_slice %arg4[%add3A] : memref<320000xi32, #tpu.memory_space<hbm>> -> memref<40xi32, #tpu.memory_space<hbm>>
      %dma_wait3A_159 = tpu.memref_slice %arg4[%add3A] : memref<320000xi32, #tpu.memory_space<hbm>> -> memref<40xi32, #tpu.memory_space<hbm>>
      tpu.wait_dma2 semaphore(%arg25 : memref<!tpu.dma_semaphore, #tpu.memory_space<semaphore_mem>>) src(%dma_wait3A_159 : memref<40xi32, #tpu.memory_space<hbm>>) dst(%arg9 : memref<40xi32, #tpu.memory_space<vmem>>)
      %dma_start3A_160 = arith.constant 0 : i32
      %dma_start3A_161 = arith.constant 0 : i32
      %dma_start3A_162 = tpu.memref_slice %arg17[%dma_start3A_160, %dma_start3A_161] : memref<10240x128xf32, #tpu.memory_space<vmem_shared>> -> memref<10240x128xf32, #tpu.memory_space<vmem_shared>>
      tpu.enqueue_indirect_dma source(%arg14 : memref<40x128xf32, #tpu.memory_space<vmem>>) target(%dma_start3A_162 : memref<10240x128xf32, #tpu.memory_space<vmem_shared>>) offsets(%arg9 : memref<40xi32, #tpu.memory_space<vmem>>) semaphore(%arg30 : memref<!tpu.dma_semaphore, #tpu.memory_space<semaphore_mem>>) {add = true}
      %dma_wait3A_163 = arith.constant 0 : i32
      %dma_wait3A_164 = tpu.memref_slice %arg6[%dma_wait3A_163] : memref<10000xi32, #tpu.memory_space<vmem>> -> memref<40xi32, #tpu.memory_space<vmem>>
      %dma_wait3A_165 = arith.constant 0 : i32
      %dma_wait3A_166 = arith.constant 0 : i32
      %dma_wait3A_167 = tpu.memref_slice %arg2[%dma_wait3A_165, %dma_wait3A_166] : memref<10000x128xf32, #tpu.memory_space<hbm>> -> memref<10000x128xf32, #tpu.memory_space<hbm>>
      tpu.wait_indirect_dma semaphore(%arg21 : memref<!tpu.dma_semaphore, #tpu.memory_space<semaphore_mem>>) src(%dma_wait3A_167 : memref<10000x128xf32, #tpu.memory_space<hbm>>) dst(%arg15 : memref<40x128xf32, #tpu.memory_space<vmem>>)
      %dma_wait3A_168 = tpu.memref_slice %arg4[%add3A] : memref<320000xi32, #tpu.memory_space<hbm>> -> memref<40xi32, #tpu.memory_space<hbm>>
      %dma_wait3A_169 = tpu.memref_slice %arg4[%add3A] : memref<320000xi32, #tpu.memory_space<hbm>> -> memref<40xi32, #tpu.memory_space<hbm>>
      tpu.wait_dma2 semaphore(%arg26 : memref<!tpu.dma_semaphore, #tpu.memory_space<semaphore_mem>>) src(%dma_wait3A_169 : memref<40xi32, #tpu.memory_space<hbm>>) dst(%arg10 : memref<40xi32, #tpu.memory_space<vmem>>)
      %dma_start3A_170 = arith.constant 0 : i32
      %dma_start3A_171 = arith.constant 0 : i32
      %dma_start3A_172 = tpu.memref_slice %arg17[%dma_start3A_170, %dma_start3A_171] : memref<10240x128xf32, #tpu.memory_space<vmem_shared>> -> memref<10240x128xf32, #tpu.memory_space<vmem_shared>>
      tpu.enqueue_indirect_dma source(%arg15 : memref<40x128xf32, #tpu.memory_space<vmem>>) target(%dma_start3A_172 : memref<10240x128xf32, #tpu.memory_space<vmem_shared>>) offsets(%arg10 : memref<40xi32, #tpu.memory_space<vmem>>) semaphore(%arg31 : memref<!tpu.dma_semaphore, #tpu.memory_space<semaphore_mem>>) {add = true}
      %dma_wait3A_173 = arith.constant 0 : i32
      %dma_wait3A_174 = tpu.memref_slice %arg6[%dma_wait3A_173] : memref<10000xi32, #tpu.memory_space<vmem>> -> memref<40xi32, #tpu.memory_space<vmem>>
      %dma_wait3A_175 = arith.constant 0 : i32
      %dma_wait3A_176 = arith.constant 0 : i32
      %dma_wait3A_177 = tpu.memref_slice %arg2[%dma_wait3A_175, %dma_wait3A_176] : memref<10000x128xf32, #tpu.memory_space<hbm>> -> memref<10000x128xf32, #tpu.memory_space<hbm>>
      tpu.wait_indirect_dma semaphore(%arg22 : memref<!tpu.dma_semaphore, #tpu.memory_space<semaphore_mem>>) src(%dma_wait3A_177 : memref<10000x128xf32, #tpu.memory_space<hbm>>) dst(%arg16 : memref<40x128xf32, #tpu.memory_space<vmem>>)
      %dma_wait3A_178 = tpu.memref_slice %arg4[%add3A] : memref<320000xi32, #tpu.memory_space<hbm>> -> memref<40xi32, #tpu.memory_space<hbm>>
      %dma_wait3A_179 = tpu.memref_slice %arg4[%add3A] : memref<320000xi32, #tpu.memory_space<hbm>> -> memref<40xi32, #tpu.memory_space<hbm>>
      tpu.wait_dma2 semaphore(%arg27 : memref<!tpu.dma_semaphore, #tpu.memory_space<semaphore_mem>>) src(%dma_wait3A_179 : memref<40xi32, #tpu.memory_space<hbm>>) dst(%arg11 : memref<40xi32, #tpu.memory_space<vmem>>)
      %dma_start3A_180 = arith.constant 0 : i32
      %dma_start3A_181 = arith.constant 0 : i32
      %dma_start3A_182 = tpu.memref_slice %arg17[%dma_start3A_180, %dma_start3A_181] : memref<10240x128xf32, #tpu.memory_space<vmem_shared>> -> memref<10240x128xf32, #tpu.memory_space<vmem_shared>>
      tpu.enqueue_indirect_dma source(%arg16 : memref<40x128xf32, #tpu.memory_space<vmem>>) target(%dma_start3A_182 : memref<10240x128xf32, #tpu.memory_space<vmem_shared>>) offsets(%arg11 : memref<40xi32, #tpu.memory_space<vmem>>) semaphore(%arg32 : memref<!tpu.dma_semaphore, #tpu.memory_space<semaphore_mem>>) {add = true}
      %add3A_183 = arith.constant 1 : i32
      %add3A_184 = arith.addi %add3A_132, %add3A_183 : i32
      %mul3A_185 = arith.constant 5 : i32
      %mul3A_186 = arith.muli %mul3A_185, %add3A_184 : i32
      %dma_wait3A_187 = arith.constant 0 : i32
      %dma_wait3A_188 = arith.constant 0 : i32
      %dma_wait3A_189 = tpu.memref_slice %arg17[%dma_wait3A_187, %dma_wait3A_188] : memref<10240x128xf32, #tpu.memory_space<vmem_shared>> -> memref<10240x128xf32, #tpu.memory_space<vmem_shared>>
      tpu.wait_indirect_dma semaphore(%arg28 : memref<!tpu.dma_semaphore, #tpu.memory_space<semaphore_mem>>) src(%arg12 : memref<40x128xf32, #tpu.memory_space<vmem>>) dst(%dma_wait3A_189 : memref<10240x128xf32, #tpu.memory_space<vmem_shared>>)
      %add3A_190 = arith.constant 0 : i32
      %add3A_191 = arith.addi %mul3A_186, %add3A_190 : i32
      %mul3A_192 = arith.constant 40 : i32
      %mul3A_193 = arith.muli %add3A_191, %mul3A_192 : i32
      %add3A_194 = arith.addi %add3A, %mul3A_193 : i32
      %dma_start3A_195 = tpu.memref_slice %arg4[%add3A_194] : memref<320000xi32, #tpu.memory_space<hbm>> -> memref<40xi32, #tpu.memory_space<hbm>>
      %dma_start3A_196 = tpu.memref_slice %arg4[%add3A_194] : memref<320000xi32, #tpu.memory_space<hbm>> -> memref<40xi32, #tpu.memory_space<hbm>>
      tpu.enqueue_dma source(%dma_start3A_196 : memref<40xi32, #tpu.memory_space<hbm>>) target(%arg7 : memref<40xi32, #tpu.memory_space<vmem>>) target_semaphore(%arg23 : memref<!tpu.dma_semaphore, #tpu.memory_space<semaphore_mem>>)
      %add3A_197 = arith.constant 0 : i32
      %add3A_198 = arith.addi %mul3A_186, %add3A_197 : i32
      %mul3A_199 = arith.constant 40 : i32
      %mul3A_200 = arith.muli %add3A_198, %mul3A_199 : i32
      %dma_start3A_201 = tpu.memref_slice %arg6[%mul3A_200] : memref<10000xi32, #tpu.memory_space<vmem>> -> memref<40xi32, #tpu.memory_space<vmem>>
      %dma_start3A_202 = arith.constant 0 : i32
      %dma_start3A_203 = arith.constant 0 : i32
      %dma_start3A_204 = tpu.memref_slice %arg2[%dma_start3A_202, %dma_start3A_203] : memref<10000x128xf32, #tpu.memory_space<hbm>> -> memref<10000x128xf32, #tpu.memory_space<hbm>>
      tpu.enqueue_indirect_dma source(%dma_start3A_204 : memref<10000x128xf32, #tpu.memory_space<hbm>>) target(%arg12 : memref<40x128xf32, #tpu.memory_space<vmem>>) offsets(%dma_start3A_201 : memref<40xi32, #tpu.memory_space<vmem>>) semaphore(%arg18 : memref<!tpu.dma_semaphore, #tpu.memory_space<semaphore_mem>>)
      %dma_wait3A_205 = arith.constant 0 : i32
      %dma_wait3A_206 = arith.constant 0 : i32
      %dma_wait3A_207 = tpu.memref_slice %arg17[%dma_wait3A_205, %dma_wait3A_206] : memref<10240x128xf32, #tpu.memory_space<vmem_shared>> -> memref<10240x128xf32, #tpu.memory_space<vmem_shared>>
      tpu.wait_indirect_dma semaphore(%arg29 : memref<!tpu.dma_semaphore, #tpu.memory_space<semaphore_mem>>) src(%arg13 : memref<40x128xf32, #tpu.memory_space<vmem>>) dst(%dma_wait3A_207 : memref<10240x128xf32, #tpu.memory_space<vmem_shared>>)
      %add3A_208 = arith.constant 1 : i32
      %add3A_209 = arith.addi %mul3A_186, %add3A_208 : i32
      %mul3A_210 = arith.constant 40 : i32
      %mul3A_211 = arith.muli %add3A_209, %mul3A_210 : i32
      %add3A_212 = arith.addi %add3A, %mul3A_211 : i32
      %dma_start3A_213 = tpu.memref_slice %arg4[%add3A_212] : memref<320000xi32, #tpu.memory_space<hbm>> -> memref<40xi32, #tpu.memory_space<hbm>>
      %dma_start3A_214 = tpu.memref_slice %arg4[%add3A_212] : memref<320000xi32, #tpu.memory_space<hbm>> -> memref<40xi32, #tpu.memory_space<hbm>>
      tpu.enqueue_dma source(%dma_start3A_214 : memref<40xi32, #tpu.memory_space<hbm>>) target(%arg8 : memref<40xi32, #tpu.memory_space<vmem>>) target_semaphore(%arg24 : memref<!tpu.dma_semaphore, #tpu.memory_space<semaphore_mem>>)
      %add3A_215 = arith.constant 1 : i32
      %add3A_216 = arith.addi %mul3A_186, %add3A_215 : i32
      %mul3A_217 = arith.constant 40 : i32
      %mul3A_218 = arith.muli %add3A_216, %mul3A_217 : i32
      %dma_start3A_219 = tpu.memref_slice %arg6[%mul3A_218] : memref<10000xi32, #tpu.memory_space<vmem>> -> memref<40xi32, #tpu.memory_space<vmem>>
      %dma_start3A_220 = arith.constant 0 : i32
      %dma_start3A_221 = arith.constant 0 : i32
      %dma_start3A_222 = tpu.memref_slice %arg2[%dma_start3A_220, %dma_start3A_221] : memref<10000x128xf32, #tpu.memory_space<hbm>> -> memref<10000x128xf32, #tpu.memory_space<hbm>>
      tpu.enqueue_indirect_dma source(%dma_start3A_222 : memref<10000x128xf32, #tpu.memory_space<hbm>>) target(%arg13 : memref<40x128xf32, #tpu.memory_space<vmem>>) offsets(%dma_start3A_219 : memref<40xi32, #tpu.memory_space<vmem>>) semaphore(%arg19 : memref<!tpu.dma_semaphore, #tpu.memory_space<semaphore_mem>>)
      %dma_wait3A_223 = arith.constant 0 : i32
      %dma_wait3A_224 = arith.constant 0 : i32
      %dma_wait3A_225 = tpu.memref_slice %arg17[%dma_wait3A_223, %dma_wait3A_224] : memref<10240x128xf32, #tpu.memory_space<vmem_shared>> -> memref<10240x128xf32, #tpu.memory_space<vmem_shared>>
      tpu.wait_indirect_dma semaphore(%arg30 : memref<!tpu.dma_semaphore, #tpu.memory_space<semaphore_mem>>) src(%arg14 : memref<40x128xf32, #tpu.memory_space<vmem>>) dst(%dma_wait3A_225 : memref<10240x128xf32, #tpu.memory_space<vmem_shared>>)
      %add3A_226 = arith.constant 2 : i32
      %add3A_227 = arith.addi %mul3A_186, %add3A_226 : i32
      %mul3A_228 = arith.constant 40 : i32
      %mul3A_229 = arith.muli %add3A_227, %mul3A_228 : i32
      %add3A_230 = arith.addi %add3A, %mul3A_229 : i32
      %dma_start3A_231 = tpu.memref_slice %arg4[%add3A_230] : memref<320000xi32, #tpu.memory_space<hbm>> -> memref<40xi32, #tpu.memory_space<hbm>>
      %dma_start3A_232 = tpu.memref_slice %arg4[%add3A_230] : memref<320000xi32, #tpu.memory_space<hbm>> -> memref<40xi32, #tpu.memory_space<hbm>>
      tpu.enqueue_dma source(%dma_start3A_232 : memref<40xi32, #tpu.memory_space<hbm>>) target(%arg9 : memref<40xi32, #tpu.memory_space<vmem>>) target_semaphore(%arg25 : memref<!tpu.dma_semaphore, #tpu.memory_space<semaphore_mem>>)
      %add3A_233 = arith.constant 2 : i32
      %add3A_234 = arith.addi %mul3A_186, %add3A_233 : i32
      %mul3A_235 = arith.constant 40 : i32
      %mul3A_236 = arith.muli %add3A_234, %mul3A_235 : i32
      %dma_start3A_237 = tpu.memref_slice %arg6[%mul3A_236] : memref<10000xi32, #tpu.memory_space<vmem>> -> memref<40xi32, #tpu.memory_space<vmem>>
      %dma_start3A_238 = arith.constant 0 : i32
      %dma_start3A_239 = arith.constant 0 : i32
      %dma_start3A_240 = tpu.memref_slice %arg2[%dma_start3A_238, %dma_start3A_239] : memref<10000x128xf32, #tpu.memory_space<hbm>> -> memref<10000x128xf32, #tpu.memory_space<hbm>>
      tpu.enqueue_indirect_dma source(%dma_start3A_240 : memref<10000x128xf32, #tpu.memory_space<hbm>>) target(%arg14 : memref<40x128xf32, #tpu.memory_space<vmem>>) offsets(%dma_start3A_237 : memref<40xi32, #tpu.memory_space<vmem>>) semaphore(%arg20 : memref<!tpu.dma_semaphore, #tpu.memory_space<semaphore_mem>>)
      %dma_wait3A_241 = arith.constant 0 : i32
      %dma_wait3A_242 = arith.constant 0 : i32
      %dma_wait3A_243 = tpu.memref_slice %arg17[%dma_wait3A_241, %dma_wait3A_242] : memref<10240x128xf32, #tpu.memory_space<vmem_shared>> -> memref<10240x128xf32, #tpu.memory_space<vmem_shared>>
      tpu.wait_indirect_dma semaphore(%arg31 : memref<!tpu.dma_semaphore, #tpu.memory_space<semaphore_mem>>) src(%arg15 : memref<40x128xf32, #tpu.memory_space<vmem>>) dst(%dma_wait3A_243 : memref<10240x128xf32, #tpu.memory_space<vmem_shared>>)
      %add3A_244 = arith.constant 3 : i32
      %add3A_245 = arith.addi %mul3A_186, %add3A_244 : i32
      %mul3A_246 = arith.constant 40 : i32
      %mul3A_247 = arith.muli %add3A_245, %mul3A_246 : i32
      %add3A_248 = arith.addi %add3A, %mul3A_247 : i32
      %dma_start3A_249 = tpu.memref_slice %arg4[%add3A_248] : memref<320000xi32, #tpu.memory_space<hbm>> -> memref<40xi32, #tpu.memory_space<hbm>>
      %dma_start3A_250 = tpu.memref_slice %arg4[%add3A_248] : memref<320000xi32, #tpu.memory_space<hbm>> -> memref<40xi32, #tpu.memory_space<hbm>>
      tpu.enqueue_dma source(%dma_start3A_250 : memref<40xi32, #tpu.memory_space<hbm>>) target(%arg10 : memref<40xi32, #tpu.memory_space<vmem>>) target_semaphore(%arg26 : memref<!tpu.dma_semaphore, #tpu.memory_space<semaphore_mem>>)
      %add3A_251 = arith.constant 3 : i32
      %add3A_252 = arith.addi %mul3A_186, %add3A_251 : i32
      %mul3A_253 = arith.constant 40 : i32
      %mul3A_254 = arith.muli %add3A_252, %mul3A_253 : i32
      %dma_start3A_255 = tpu.memref_slice %arg6[%mul3A_254] : memref<10000xi32, #tpu.memory_space<vmem>> -> memref<40xi32, #tpu.memory_space<vmem>>
      %dma_start3A_256 = arith.constant 0 : i32
      %dma_start3A_257 = arith.constant 0 : i32
      %dma_start3A_258 = tpu.memref_slice %arg2[%dma_start3A_256, %dma_start3A_257] : memref<10000x128xf32, #tpu.memory_space<hbm>> -> memref<10000x128xf32, #tpu.memory_space<hbm>>
      tpu.enqueue_indirect_dma source(%dma_start3A_258 : memref<10000x128xf32, #tpu.memory_space<hbm>>) target(%arg15 : memref<40x128xf32, #tpu.memory_space<vmem>>) offsets(%dma_start3A_255 : memref<40xi32, #tpu.memory_space<vmem>>) semaphore(%arg21 : memref<!tpu.dma_semaphore, #tpu.memory_space<semaphore_mem>>)
      %dma_wait3A_259 = arith.constant 0 : i32
      %dma_wait3A_260 = arith.constant 0 : i32
      %dma_wait3A_261 = tpu.memref_slice %arg17[%dma_wait3A_259, %dma_wait3A_260] : memref<10240x128xf32, #tpu.memory_space<vmem_shared>> -> memref<10240x128xf32, #tpu.memory_space<vmem_shared>>
      tpu.wait_indirect_dma semaphore(%arg32 : memref<!tpu.dma_semaphore, #tpu.memory_space<semaphore_mem>>) src(%arg16 : memref<40x128xf32, #tpu.memory_space<vmem>>) dst(%dma_wait3A_261 : memref<10240x128xf32, #tpu.memory_space<vmem_shared>>)
      %add3A_262 = arith.constant 4 : i32
      %add3A_263 = arith.addi %mul3A_186, %add3A_262 : i32
      %mul3A_264 = arith.constant 40 : i32
      %mul3A_265 = arith.muli %add3A_263, %mul3A_264 : i32
      %add3A_266 = arith.addi %add3A, %mul3A_265 : i32
      %dma_start3A_267 = tpu.memref_slice %arg4[%add3A_266] : memref<320000xi32, #tpu.memory_space<hbm>> -> memref<40xi32, #tpu.memory_space<hbm>>
      %dma_start3A_268 = tpu.memref_slice %arg4[%add3A_266] : memref<320000xi32, #tpu.memory_space<hbm>> -> memref<40xi32, #tpu.memory_space<hbm>>
      tpu.enqueue_dma source(%dma_start3A_268 : memref<40xi32, #tpu.memory_space<hbm>>) target(%arg11 : memref<40xi32, #tpu.memory_space<vmem>>) target_semaphore(%arg27 : memref<!tpu.dma_semaphore, #tpu.memory_space<semaphore_mem>>)
      %add3A_269 = arith.constant 4 : i32
      %add3A_270 = arith.addi %mul3A_186, %add3A_269 : i32
      %mul3A_271 = arith.constant 40 : i32
      %mul3A_272 = arith.muli %add3A_270, %mul3A_271 : i32
      %dma_start3A_273 = tpu.memref_slice %arg6[%mul3A_272] : memref<10000xi32, #tpu.memory_space<vmem>> -> memref<40xi32, #tpu.memory_space<vmem>>
      %dma_start3A_274 = arith.constant 0 : i32
      %dma_start3A_275 = arith.constant 0 : i32
      %dma_start3A_276 = tpu.memref_slice %arg2[%dma_start3A_274, %dma_start3A_275] : memref<10000x128xf32, #tpu.memory_space<hbm>> -> memref<10000x128xf32, #tpu.memory_space<hbm>>
      tpu.enqueue_indirect_dma source(%dma_start3A_276 : memref<10000x128xf32, #tpu.memory_space<hbm>>) target(%arg16 : memref<40x128xf32, #tpu.memory_space<vmem>>) offsets(%dma_start3A_273 : memref<40xi32, #tpu.memory_space<vmem>>) semaphore(%arg22 : memref<!tpu.dma_semaphore, #tpu.memory_space<semaphore_mem>>)
    }
    %scan3A_62 = arith.constant 49 : i32
    %dma_wait3A = arith.constant 0 : i32
    %dma_wait3A_63 = tpu.memref_slice %arg6[%dma_wait3A] : memref<10000xi32, #tpu.memory_space<vmem>> -> memref<40xi32, #tpu.memory_space<vmem>>
    %dma_wait3A_64 = arith.constant 0 : i32
    %dma_wait3A_65 = arith.constant 0 : i32
    %dma_wait3A_66 = tpu.memref_slice %arg2[%dma_wait3A_64, %dma_wait3A_65] : memref<10000x128xf32, #tpu.memory_space<hbm>> -> memref<10000x128xf32, #tpu.memory_space<hbm>>
    tpu.wait_indirect_dma semaphore(%arg18 : memref<!tpu.dma_semaphore, #tpu.memory_space<semaphore_mem>>) src(%dma_wait3A_66 : memref<10000x128xf32, #tpu.memory_space<hbm>>) dst(%arg12 : memref<40x128xf32, #tpu.memory_space<vmem>>)
    %dma_wait3A_67 = tpu.memref_slice %arg4[%add3A] : memref<320000xi32, #tpu.memory_space<hbm>> -> memref<40xi32, #tpu.memory_space<hbm>>
    %dma_wait3A_68 = tpu.memref_slice %arg4[%add3A] : memref<320000xi32, #tpu.memory_space<hbm>> -> memref<40xi32, #tpu.memory_space<hbm>>
    tpu.wait_dma2 semaphore(%arg23 : memref<!tpu.dma_semaphore, #tpu.memory_space<semaphore_mem>>) src(%dma_wait3A_68 : memref<40xi32, #tpu.memory_space<hbm>>) dst(%arg7 : memref<40xi32, #tpu.memory_space<vmem>>)
    %dma_start3A_69 = arith.constant 0 : i32
    %dma_start3A_70 = arith.constant 0 : i32
    %dma_start3A_71 = tpu.memref_slice %arg17[%dma_start3A_69, %dma_start3A_70] : memref<10240x128xf32, #tpu.memory_space<vmem_shared>> -> memref<10240x128xf32, #tpu.memory_space<vmem_shared>>
    tpu.enqueue_indirect_dma source(%arg12 : memref<40x128xf32, #tpu.memory_space<vmem>>) target(%dma_start3A_71 : memref<10240x128xf32, #tpu.memory_space<vmem_shared>>) offsets(%arg7 : memref<40xi32, #tpu.memory_space<vmem>>) semaphore(%arg28 : memref<!tpu.dma_semaphore, #tpu.memory_space<semaphore_mem>>) {add = true}
    %dma_wait3A_72 = arith.constant 0 : i32
    %dma_wait3A_73 = tpu.memref_slice %arg6[%dma_wait3A_72] : memref<10000xi32, #tpu.memory_space<vmem>> -> memref<40xi32, #tpu.memory_space<vmem>>
    %dma_wait3A_74 = arith.constant 0 : i32
    %dma_wait3A_75 = arith.constant 0 : i32
    %dma_wait3A_76 = tpu.memref_slice %arg2[%dma_wait3A_74, %dma_wait3A_75] : memref<10000x128xf32, #tpu.memory_space<hbm>> -> memref<10000x128xf32, #tpu.memory_space<hbm>>
    tpu.wait_indirect_dma semaphore(%arg19 : memref<!tpu.dma_semaphore, #tpu.memory_space<semaphore_mem>>) src(%dma_wait3A_76 : memref<10000x128xf32, #tpu.memory_space<hbm>>) dst(%arg13 : memref<40x128xf32, #tpu.memory_space<vmem>>)
    %dma_wait3A_77 = tpu.memref_slice %arg4[%add3A] : memref<320000xi32, #tpu.memory_space<hbm>> -> memref<40xi32, #tpu.memory_space<hbm>>
    %dma_wait3A_78 = tpu.memref_slice %arg4[%add3A] : memref<320000xi32, #tpu.memory_space<hbm>> -> memref<40xi32, #tpu.memory_space<hbm>>
    tpu.wait_dma2 semaphore(%arg24 : memref<!tpu.dma_semaphore, #tpu.memory_space<semaphore_mem>>) src(%dma_wait3A_78 : memref<40xi32, #tpu.memory_space<hbm>>) dst(%arg8 : memref<40xi32, #tpu.memory_space<vmem>>)
    %dma_start3A_79 = arith.constant 0 : i32
    %dma_start3A_80 = arith.constant 0 : i32
    %dma_start3A_81 = tpu.memref_slice %arg17[%dma_start3A_79, %dma_start3A_80] : memref<10240x128xf32, #tpu.memory_space<vmem_shared>> -> memref<10240x128xf32, #tpu.memory_space<vmem_shared>>
    tpu.enqueue_indirect_dma source(%arg13 : memref<40x128xf32, #tpu.memory_space<vmem>>) target(%dma_start3A_81 : memref<10240x128xf32, #tpu.memory_space<vmem_shared>>) offsets(%arg8 : memref<40xi32, #tpu.memory_space<vmem>>) semaphore(%arg29 : memref<!tpu.dma_semaphore, #tpu.memory_space<semaphore_mem>>) {add = true}
    %dma_wait3A_82 = arith.constant 0 : i32
    %dma_wait3A_83 = tpu.memref_slice %arg6[%dma_wait3A_82] : memref<10000xi32, #tpu.memory_space<vmem>> -> memref<40xi32, #tpu.memory_space<vmem>>
    %dma_wait3A_84 = arith.constant 0 : i32
    %dma_wait3A_85 = arith.constant 0 : i32
    %dma_wait3A_86 = tpu.memref_slice %arg2[%dma_wait3A_84, %dma_wait3A_85] : memref<10000x128xf32, #tpu.memory_space<hbm>> -> memref<10000x128xf32, #tpu.memory_space<hbm>>
    tpu.wait_indirect_dma semaphore(%arg20 : memref<!tpu.dma_semaphore, #tpu.memory_space<semaphore_mem>>) src(%dma_wait3A_86 : memref<10000x128xf32, #tpu.memory_space<hbm>>) dst(%arg14 : memref<40x128xf32, #tpu.memory_space<vmem>>)
    %dma_wait3A_87 = tpu.memref_slice %arg4[%add3A] : memref<320000xi32, #tpu.memory_space<hbm>> -> memref<40xi32, #tpu.memory_space<hbm>>
    %dma_wait3A_88 = tpu.memref_slice %arg4[%add3A] : memref<320000xi32, #tpu.memory_space<hbm>> -> memref<40xi32, #tpu.memory_space<hbm>>
    tpu.wait_dma2 semaphore(%arg25 : memref<!tpu.dma_semaphore, #tpu.memory_space<semaphore_mem>>) src(%dma_wait3A_88 : memref<40xi32, #tpu.memory_space<hbm>>) dst(%arg9 : memref<40xi32, #tpu.memory_space<vmem>>)
    %dma_start3A_89 = arith.constant 0 : i32
    %dma_start3A_90 = arith.constant 0 : i32
    %dma_start3A_91 = tpu.memref_slice %arg17[%dma_start3A_89, %dma_start3A_90] : memref<10240x128xf32, #tpu.memory_space<vmem_shared>> -> memref<10240x128xf32, #tpu.memory_space<vmem_shared>>
    tpu.enqueue_indirect_dma source(%arg14 : memref<40x128xf32, #tpu.memory_space<vmem>>) target(%dma_start3A_91 : memref<10240x128xf32, #tpu.memory_space<vmem_shared>>) offsets(%arg9 : memref<40xi32, #tpu.memory_space<vmem>>) semaphore(%arg30 : memref<!tpu.dma_semaphore, #tpu.memory_space<semaphore_mem>>) {add = true}
    %dma_wait3A_92 = arith.constant 0 : i32
    %dma_wait3A_93 = tpu.memref_slice %arg6[%dma_wait3A_92] : memref<10000xi32, #tpu.memory_space<vmem>> -> memref<40xi32, #tpu.memory_space<vmem>>
    %dma_wait3A_94 = arith.constant 0 : i32
    %dma_wait3A_95 = arith.constant 0 : i32
    %dma_wait3A_96 = tpu.memref_slice %arg2[%dma_wait3A_94, %dma_wait3A_95] : memref<10000x128xf32, #tpu.memory_space<hbm>> -> memref<10000x128xf32, #tpu.memory_space<hbm>>
    tpu.wait_indirect_dma semaphore(%arg21 : memref<!tpu.dma_semaphore, #tpu.memory_space<semaphore_mem>>) src(%dma_wait3A_96 : memref<10000x128xf32, #tpu.memory_space<hbm>>) dst(%arg15 : memref<40x128xf32, #tpu.memory_space<vmem>>)
    %dma_wait3A_97 = tpu.memref_slice %arg4[%add3A] : memref<320000xi32, #tpu.memory_space<hbm>> -> memref<40xi32, #tpu.memory_space<hbm>>
    %dma_wait3A_98 = tpu.memref_slice %arg4[%add3A] : memref<320000xi32, #tpu.memory_space<hbm>> -> memref<40xi32, #tpu.memory_space<hbm>>
    tpu.wait_dma2 semaphore(%arg26 : memref<!tpu.dma_semaphore, #tpu.memory_space<semaphore_mem>>) src(%dma_wait3A_98 : memref<40xi32, #tpu.memory_space<hbm>>) dst(%arg10 : memref<40xi32, #tpu.memory_space<vmem>>)
    %dma_start3A_99 = arith.constant 0 : i32
    %dma_start3A_100 = arith.constant 0 : i32
    %dma_start3A_101 = tpu.memref_slice %arg17[%dma_start3A_99, %dma_start3A_100] : memref<10240x128xf32, #tpu.memory_space<vmem_shared>> -> memref<10240x128xf32, #tpu.memory_space<vmem_shared>>
    tpu.enqueue_indirect_dma source(%arg15 : memref<40x128xf32, #tpu.memory_space<vmem>>) target(%dma_start3A_101 : memref<10240x128xf32, #tpu.memory_space<vmem_shared>>) offsets(%arg10 : memref<40xi32, #tpu.memory_space<vmem>>) semaphore(%arg31 : memref<!tpu.dma_semaphore, #tpu.memory_space<semaphore_mem>>) {add = true}
    %dma_wait3A_102 = arith.constant 0 : i32
    %dma_wait3A_103 = tpu.memref_slice %arg6[%dma_wait3A_102] : memref<10000xi32, #tpu.memory_space<vmem>> -> memref<40xi32, #tpu.memory_space<vmem>>
    %dma_wait3A_104 = arith.constant 0 : i32
    %dma_wait3A_105 = arith.constant 0 : i32
    %dma_wait3A_106 = tpu.memref_slice %arg2[%dma_wait3A_104, %dma_wait3A_105] : memref<10000x128xf32, #tpu.memory_space<hbm>> -> memref<10000x128xf32, #tpu.memory_space<hbm>>
    tpu.wait_indirect_dma semaphore(%arg22 : memref<!tpu.dma_semaphore, #tpu.memory_space<semaphore_mem>>) src(%dma_wait3A_106 : memref<10000x128xf32, #tpu.memory_space<hbm>>) dst(%arg16 : memref<40x128xf32, #tpu.memory_space<vmem>>)
    %dma_wait3A_107 = tpu.memref_slice %arg4[%add3A] : memref<320000xi32, #tpu.memory_space<hbm>> -> memref<40xi32, #tpu.memory_space<hbm>>
    %dma_wait3A_108 = tpu.memref_slice %arg4[%add3A] : memref<320000xi32, #tpu.memory_space<hbm>> -> memref<40xi32, #tpu.memory_space<hbm>>
    tpu.wait_dma2 semaphore(%arg27 : memref<!tpu.dma_semaphore, #tpu.memory_space<semaphore_mem>>) src(%dma_wait3A_108 : memref<40xi32, #tpu.memory_space<hbm>>) dst(%arg11 : memref<40xi32, #tpu.memory_space<vmem>>)
    %dma_start3A_109 = arith.constant 0 : i32
    %dma_start3A_110 = arith.constant 0 : i32
    %dma_start3A_111 = tpu.memref_slice %arg17[%dma_start3A_109, %dma_start3A_110] : memref<10240x128xf32, #tpu.memory_space<vmem_shared>> -> memref<10240x128xf32, #tpu.memory_space<vmem_shared>>
    tpu.enqueue_indirect_dma source(%arg16 : memref<40x128xf32, #tpu.memory_space<vmem>>) target(%dma_start3A_111 : memref<10240x128xf32, #tpu.memory_space<vmem_shared>>) offsets(%arg11 : memref<40xi32, #tpu.memory_space<vmem>>) semaphore(%arg32 : memref<!tpu.dma_semaphore, #tpu.memory_space<semaphore_mem>>) {add = true}
    %dma_wait3A_112 = arith.constant 0 : i32
    %dma_wait3A_113 = arith.constant 0 : i32
    %dma_wait3A_114 = tpu.memref_slice %arg17[%dma_wait3A_112, %dma_wait3A_113] : memref<10240x128xf32, #tpu.memory_space<vmem_shared>> -> memref<10240x128xf32, #tpu.memory_space<vmem_shared>>
    tpu.wait_indirect_dma semaphore(%arg28 : memref<!tpu.dma_semaphore, #tpu.memory_space<semaphore_mem>>) src(%arg12 : memref<40x128xf32, #tpu.memory_space<vmem>>) dst(%dma_wait3A_114 : memref<10240x128xf32, #tpu.memory_space<vmem_shared>>)
    %dma_wait3A_115 = arith.constant 0 : i32
    %dma_wait3A_116 = arith.constant 0 : i32
    %dma_wait3A_117 = tpu.memref_slice %arg17[%dma_wait3A_115, %dma_wait3A_116] : memref<10240x128xf32, #tpu.memory_space<vmem_shared>> -> memref<10240x128xf32, #tpu.memory_space<vmem_shared>>
    tpu.wait_indirect_dma semaphore(%arg29 : memref<!tpu.dma_semaphore, #tpu.memory_space<semaphore_mem>>) src(%arg13 : memref<40x128xf32, #tpu.memory_space<vmem>>) dst(%dma_wait3A_117 : memref<10240x128xf32, #tpu.memory_space<vmem_shared>>)
    %dma_wait3A_118 = arith.constant 0 : i32
    %dma_wait3A_119 = arith.constant 0 : i32
    %dma_wait3A_120 = tpu.memref_slice %arg17[%dma_wait3A_118, %dma_wait3A_119] : memref<10240x128xf32, #tpu.memory_space<vmem_shared>> -> memref<10240x128xf32, #tpu.memory_space<vmem_shared>>
    tpu.wait_indirect_dma semaphore(%arg30 : memref<!tpu.dma_semaphore, #tpu.memory_space<semaphore_mem>>) src(%arg14 : memref<40x128xf32, #tpu.memory_space<vmem>>) dst(%dma_wait3A_120 : memref<10240x128xf32, #tpu.memory_space<vmem_shared>>)
    %dma_wait3A_121 = arith.constant 0 : i32
    %dma_wait3A_122 = arith.constant 0 : i32
    %dma_wait3A_123 = tpu.memref_slice %arg17[%dma_wait3A_121, %dma_wait3A_122] : memref<10240x128xf32, #tpu.memory_space<vmem_shared>> -> memref<10240x128xf32, #tpu.memory_space<vmem_shared>>
    tpu.wait_indirect_dma semaphore(%arg31 : memref<!tpu.dma_semaphore, #tpu.memory_space<semaphore_mem>>) src(%arg15 : memref<40x128xf32, #tpu.memory_space<vmem>>) dst(%dma_wait3A_123 : memref<10240x128xf32, #tpu.memory_space<vmem_shared>>)
    %dma_wait3A_124 = arith.constant 0 : i32
    %dma_wait3A_125 = arith.constant 0 : i32
    %dma_wait3A_126 = tpu.memref_slice %arg17[%dma_wait3A_124, %dma_wait3A_125] : memref<10240x128xf32, #tpu.memory_space<vmem_shared>> -> memref<10240x128xf32, #tpu.memory_space<vmem_shared>>
    tpu.wait_indirect_dma semaphore(%arg32 : memref<!tpu.dma_semaphore, #tpu.memory_space<semaphore_mem>>) src(%arg16 : memref<40x128xf32, #tpu.memory_space<vmem>>) dst(%dma_wait3A_126 : memref<10240x128xf32, #tpu.memory_space<vmem_shared>>)
    %barrier3A_127 = arith.constant 0 : index
    tpu.barrier barrier_id(%barrier3A_127)
    "tpu.region"() ({
      %run_scoped3A = tpu.sem_alloc : memref<!tpu.dma_semaphore, #tpu.memory_space<semaphore_mem>>
      %dma_start3A_128 = arith.constant 0 : i32
      %dma_start3A_129 = tpu.memref_slice %arg5[%arg0, %mul3A_0, %dma_start3A_128] : memref<2x10240x128xf32, #tpu.memory_space<hbm>> -> memref<1x640x128xf32, #tpu.memory_space<hbm>>
      %dma_start3A_130 = tpu.memref_squeeze %dma_start3A_129 : memref<1x640x128xf32, #tpu.memory_space<hbm>> -> memref<640x128xf32, #tpu.memory_space<hbm>>
      %dma_start3A_131 = arith.constant 0 : i32
      %dma_start3A_132 = tpu.memref_slice %arg17[%mul3A_0, %dma_start3A_131] : memref<10240x128xf32, #tpu.memory_space<vmem_shared>> -> memref<640x128xf32, #tpu.memory_space<vmem_shared>>
      tpu.enqueue_dma source(%dma_start3A_132 : memref<640x128xf32, #tpu.memory_space<vmem_shared>>) target(%dma_start3A_130 : memref<640x128xf32, #tpu.memory_space<hbm>>) target_semaphore(%run_scoped3A : memref<!tpu.dma_semaphore, #tpu.memory_space<semaphore_mem>>)
      %dma_wait3A_133 = arith.constant 0 : i32
      %dma_wait3A_134 = tpu.memref_slice %arg5[%arg0, %mul3A_0, %dma_wait3A_133] : memref<2x10240x128xf32, #tpu.memory_space<hbm>> -> memref<1x640x128xf32, #tpu.memory_space<hbm>>
      %dma_wait3A_135 = tpu.memref_squeeze %dma_wait3A_134 : memref<1x640x128xf32, #tpu.memory_space<hbm>> -> memref<640x128xf32, #tpu.memory_space<hbm>>
      %dma_wait3A_136 = arith.constant 0 : i32
      %dma_wait3A_137 = tpu.memref_slice %arg17[%mul3A_0, %dma_wait3A_136] : memref<10240x128xf32, #tpu.memory_space<vmem_shared>> -> memref<640x128xf32, #tpu.memory_space<vmem_shared>>
      tpu.wait_dma2 semaphore(%run_scoped3A : memref<!tpu.dma_semaphore, #tpu.memory_space<semaphore_mem>>) src(%dma_wait3A_137 : memref<640x128xf32, #tpu.memory_space<vmem_shared>>) dst(%dma_wait3A_135 : memref<640x128xf32, #tpu.memory_space<hbm>>)
      tpu.yield
    }) : () -> ()
    return
  }
}

#map = affine_map<(d0, d1) -> (0, 0)>
#map1 = affine_map<(d0, d1) -> (0)>
#map2 = affine_map<(d0, d1) -> (0, 0, 0)>
module attributes {stable_mosaic.version = 14 : i64} {
  func.func @k(%arg0: i32, %arg1: i32, %arg2: memref<10000x128xf32, #tpu.memory_space<hbm>>, %arg3: memref<320000xi32, #tpu.memory_space<hbm>>, %arg4: memref<320000xi32, #tpu.memory_space<hbm>>, %arg5: memref<2x10240x128xf32, #tpu.memory_space<hbm>>, %arg6: memref<10000xi32, #tpu.memory_space<vmem>>, %arg7: memref<40xi32, #tpu.memory_space<vmem>>, %arg8: memref<40xi32, #tpu.memory_space<vmem>>, %arg9: memref<40xi32, #tpu.memory_space<vmem>>, %arg10: memref<40xi32, #tpu.memory_space<vmem>>, %arg11: memref<40xi32, #tpu.memory_space<vmem>>, %arg12: memref<40x128xf32, #tpu.memory_space<vmem>>, %arg13: memref<40x128xf32, #tpu.memory_space<vmem>>, %arg14: memref<40x128xf32, #tpu.memory_space<vmem>>, %arg15: memref<40x128xf32, #tpu.memory_space<vmem>>, %arg16: memref<40x128xf32, #tpu.memory_space<vmem>>, %arg17: memref<10240x128xf32, #tpu.memory_space<vmem_shared>>, %arg18: memref<!tpu.dma_semaphore, #tpu.memory_space<semaphore_mem>>, %arg19: memref<!tpu.dma_semaphore, #tpu.memory_space<semaphore_mem>>, %arg20: memref<!tpu.dma_semaphore, #tpu.memory_space<semaphore_mem>>, %arg21: memref<!tpu.dma_semaphore, #tpu.memory_space<semaphore_mem>>, %arg22: memref<!tpu.dma_semaphore, #tpu.memory_space<semaphore_mem>>, %arg23: memref<!tpu.dma_semaphore, #tpu.memory_space<semaphore_mem>>, %arg24: memref<!tpu.dma_semaphore, #tpu.memory_space<semaphore_mem>>, %arg25: memref<!tpu.dma_semaphore, #tpu.memory_space<semaphore_mem>>, %arg26: memref<!tpu.dma_semaphore, #tpu.memory_space<semaphore_mem>>, %arg27: memref<!tpu.dma_semaphore, #tpu.memory_space<semaphore_mem>>, %arg28: memref<!tpu.dma_semaphore, #tpu.memory_space<semaphore_mem>>, %arg29: memref<!tpu.dma_semaphore, #tpu.memory_space<semaphore_mem>>, %arg30: memref<!tpu.dma_semaphore, #tpu.memory_space<semaphore_mem>>, %arg31: memref<!tpu.dma_semaphore, #tpu.memory_space<semaphore_mem>>, %arg32: memref<!tpu.dma_semaphore, #tpu.memory_space<semaphore_mem>>) attributes {dimension_semantics = [#tpu.dimension_semantics<core_parallel>, #tpu.dimension_semantics<subcore_parallel>], iteration_bounds = array<i64: 2, 16>, scalar_prefetch = 0 : i64, scratch_operands = 27 : i64, tpu.core_type = #tpu.core_type<sc_vector_subcore>, window_params = [{transform_indices = #map}, {transform_indices = #map1}, {transform_indices = #map1}, {transform_indices = #map2}]} {
    %mul3A = arith.constant 640 : i32
    %mul3A_0 = arith.muli %arg1, %mul3A : i32
    %mul3A_1 = arith.constant 160000 : i32
    %mul3A_2 = arith.muli %arg0, %mul3A_1 : i32
    %mul3A_3 = arith.constant 10000 : i32
    %mul3A_4 = arith.muli %arg1, %mul3A_3 : i32
    %add3A = arith.addi %mul3A_2, %mul3A_4 : i32
    %scan3A = arith.constant 0 : i32
    %scan3A_5 = arith.constant 40 : i32
    %scan3A_6 = arith.addi %scan3A, %scan3A_5 : i32
    %scan3A_7 = arith.constant 1 : i32
    scf.for %scan3A_128 = %scan3A to %scan3A_6 step %scan3A_7  : i32 {
      %mul3A_129 = arith.constant 1 : i32
      %mul3A_130 = arith.muli %scan3A_128, %mul3A_129 : i32
      %add3A_131 = arith.constant 0 : i32
      %add3A_132 = arith.addi %add3A_131, %mul3A_130 : i32
      %scan3A_133 = arith.constant 0 : i32
      %scan3A_134 = arith.constant 8 : i32
      %scan3A_135 = arith.addi %scan3A_133, %scan3A_134 : i32
      %scan3A_136 = arith.constant 1 : i32
      scf.for %scan3A_138 = %scan3A_133 to %scan3A_135 step %scan3A_136  : i32 {
        %mul3A_139 = arith.constant 16 : i32
        %mul3A_140 = arith.muli %scan3A_138, %mul3A_139 : i32
        %add3A_141 = arith.constant 0 : i32
        %add3A_142 = arith.addi %add3A_141, %mul3A_140 : i32
        %broadcast_in_dim3A = arith.constant 0.000000e+00 : f32
        %broadcast_in_dim3A_143 = vector.broadcast %broadcast_in_dim3A : f32 to vector<16xf32>
        %swap3A = arith.index_cast %add3A_132 : i32 to index
        %swap3A_144 = arith.index_cast %add3A_142 : i32 to index
        %swap3A_145 = tpu.vector_load %arg12[%swap3A, %swap3A_144] {strides = array<i32>} : memref<40x128xf32, #tpu.memory_space<vmem>>, vector<1x16xf32>,
        %swap3A_146 = vector.shape_cast %swap3A_145 : vector<1x16xf32> to vector<16xf32>
        %swap3A_147 = vector.shape_cast %broadcast_in_dim3A_143 : vector<16xf32> to vector<1x16xf32>
        tpu.vector_store %arg12[%swap3A, %swap3A_144], %swap3A_147 {strides = array<i32>} : memref<40x128xf32, #tpu.memory_space<vmem>>, vector<1x16xf32>,
      }
      %scan3A_137 = arith.constant 8 : i32
    }
    %scan3A_8 = arith.constant 40 : i32
    %scan3A_9 = arith.constant 0 : i32
    %scan3A_10 = arith.constant 16 : i32
    %scan3A_11 = arith.addi %scan3A_9, %scan3A_10 : i32
    %scan3A_12 = arith.constant 1 : i32
    scf.for %scan3A_128 = %scan3A_9 to %scan3A_11 step %scan3A_12  : i32 {
      %mul3A_129 = arith.constant 1 : i32
      %mul3A_130 = arith.muli %scan3A_128, %mul3A_129 : i32
      %add3A_131 = arith.constant 0 : i32
      %add3A_132 = arith.addi %add3A_131, %mul3A_130 : i32
      %mul3A_133 = arith.constant 40 : i32
      %mul3A_134 = arith.muli %add3A_132, %mul3A_133 : i32
      %add3A_135 = arith.addi %mul3A_0, %mul3A_134 : i32
      "tpu.region"() ({
        %run_scoped3A = tpu.sem_alloc : memref<!tpu.dma_semaphore, #tpu.memory_space<semaphore_mem>>
        %dma_start3A_136 = arith.constant 0 : i32
        %dma_start3A_137 = tpu.memref_slice %arg17[%add3A_135, %dma_start3A_136] : memref<10240x128xf32, #tpu.memory_space<vmem_shared>> -> memref<40x128xf32, #tpu.memory_space<vmem_shared>>
        %dma_start3A_138 = arith.constant 0 : i32
        %dma_start3A_139 = tpu.memref_slice %arg17[%add3A_135, %dma_start3A_138] : memref<10240x128xf32, #tpu.memory_space<vmem_shared>> -> memref<40x128xf32, #tpu.memory_space<vmem_shared>>
        tpu.enqueue_dma source(%arg12 : memref<40x128xf32, #tpu.memory_space<vmem>>) target(%dma_start3A_139 : memref<40x128xf32, #tpu.memory_space<vmem_shared>>) target_semaphore(%run_scoped3A : memref<!tpu.dma_semaphore, #tpu.memory_space<semaphore_mem>>)
        %dma_wait3A_140 = arith.constant 0 : i32
        %dma_wait3A_141 = tpu.memref_slice %arg17[%add3A_135, %dma_wait3A_140] : memref<10240x128xf32, #tpu.memory_space<vmem_shared>> -> memref<40x128xf32, #tpu.memory_space<vmem_shared>>
        %dma_wait3A_142 = arith.constant 0 : i32
        %dma_wait3A_143 = tpu.memref_slice %arg17[%add3A_135, %dma_wait3A_142] : memref<10240x128xf32, #tpu.memory_space<vmem_shared>> -> memref<40x128xf32, #tpu.memory_space<vmem_shared>>
        tpu.wait_dma2 semaphore(%run_scoped3A : memref<!tpu.dma_semaphore, #tpu.memory_space<semaphore_mem>>) src(%arg12 : memref<40x128xf32, #tpu.memory_space<vmem>>) dst(%dma_wait3A_143 : memref<40x128xf32, #tpu.memory_space<vmem_shared>>)
        tpu.yield
      }) : () -> ()
    }
    %scan3A_13 = arith.constant 16 : i32
    "tpu.region"() ({
      %run_scoped3A = tpu.sem_alloc : memref<!tpu.dma_semaphore, #tpu.memory_space<semaphore_mem>>
      %dma_start3A_128 = tpu.memref_slice %arg3[%add3A] : memref<320000xi32, #tpu.memory_space<hbm>> -> memref<10000xi32, #tpu.memory_space<hbm>>
      %dma_start3A_129 = tpu.memref_slice %arg3[%add3A] : memref<320000xi32, #tpu.memory_space<hbm>> -> memref<10000xi32, #tpu.memory_space<hbm>>
      tpu.enqueue_dma source(%dma_start3A_129 : memref<10000xi32, #tpu.memory_space<hbm>>) target(%arg6 : memref<10000xi32, #tpu.memory_space<vmem>>) target_semaphore(%run_scoped3A : memref<!tpu.dma_semaphore, #tpu.memory_space<semaphore_mem>>)
      %dma_wait3A_130 = tpu.memref_slice %arg3[%add3A] : memref<320000xi32, #tpu.memory_space<hbm>> -> memref<10000xi32, #tpu.memory_space<hbm>>
      %dma_wait3A_131 = tpu.memref_slice %arg3[%add3A] : memref<320000xi32, #tpu.memory_space<hbm>> -> memref<10000xi32, #tpu.memory_space<hbm>>
      tpu.wait_dma2 semaphore(%run_scoped3A : memref<!tpu.dma_semaphore, #tpu.memory_space<semaphore_mem>>) src(%dma_wait3A_131 : memref<10000xi32, #tpu.memory_space<hbm>>) dst(%arg6 : memref<10000xi32, #tpu.memory_space<vmem>>)
      tpu.yield
    }) : () -> ()
    %add3A_14 = arith.constant 0 : i32
    %add3A_15 = arith.addi %add3A, %add3A_14 : i32
    %dma_start3A = tpu.memref_slice %arg4[%add3A_15] : memref<320000xi32, #tpu.memory_space<hbm>> -> memref<40xi32, #tpu.memory_space<hbm>>
    %dma_start3A_16 = tpu.memref_slice %arg4[%add3A_15] : memref<320000xi32, #tpu.memory_space<hbm>> -> memref<40xi32, #tpu.memory_space<hbm>>
    tpu.enqueue_dma source(%dma_start3A_16 : memref<40xi32, #tpu.memory_space<hbm>>) target(%arg7 : memref<40xi32, #tpu.memory_space<vmem>>) target_semaphore(%arg23 : memref<!tpu.dma_semaphore, #tpu.memory_space<semaphore_mem>>)
    %dma_start3A_17 = arith.constant 0 : i32
    %dma_start3A_18 = tpu.memref_slice %arg6[%dma_start3A_17] : memref<10000xi32, #tpu.memory_space<vmem>> -> memref<40xi32, #tpu.memory_space<vmem>>
    %dma_start3A_19 = arith.constant 0 : i32
    %dma_start3A_20 = arith.constant 0 : i32
    %dma_start3A_21 = tpu.memref_slice %arg2[%dma_start3A_19, %dma_start3A_20] : memref<10000x128xf32, #tpu.memory_space<hbm>> -> memref<10000x128xf32, #tpu.memory_space<hbm>>
    tpu.enqueue_indirect_dma source(%dma_start3A_21 : memref<10000x128xf32, #tpu.memory_space<hbm>>) target(%arg12 : memref<40x128xf32, #tpu.memory_space<vmem>>) offsets(%dma_start3A_18 : memref<40xi32, #tpu.memory_space<vmem>>) semaphore(%arg18 : memref<!tpu.dma_semaphore, #tpu.memory_space<semaphore_mem>>)
    %add3A_22 = arith.constant 40 : i32
    %add3A_23 = arith.addi %add3A, %add3A_22 : i32
    %dma_start3A_24 = tpu.memref_slice %arg4[%add3A_23] : memref<320000xi32, #tpu.memory_space<hbm>> -> memref<40xi32, #tpu.memory_space<hbm>>
    %dma_start3A_25 = tpu.memref_slice %arg4[%add3A_23] : memref<320000xi32, #tpu.memory_space<hbm>> -> memref<40xi32, #tpu.memory_space<hbm>>
    tpu.enqueue_dma source(%dma_start3A_25 : memref<40xi32, #tpu.memory_space<hbm>>) target(%arg8 : memref<40xi32, #tpu.memory_space<vmem>>) target_semaphore(%arg24 : memref<!tpu.dma_semaphore, #tpu.memory_space<semaphore_mem>>)
    %dma_start3A_26 = arith.constant 40 : i32
    %dma_start3A_27 = tpu.memref_slice %arg6[%dma_start3A_26] : memref<10000xi32, #tpu.memory_space<vmem>> -> memref<40xi32, #tpu.memory_space<vmem>>
    %dma_start3A_28 = arith.constant 0 : i32
    %dma_start3A_29 = arith.constant 0 : i32
    %dma_start3A_30 = tpu.memref_slice %arg2[%dma_start3A_28, %dma_start3A_29] : memref<10000x128xf32, #tpu.memory_space<hbm>> -> memref<10000x128xf32, #tpu.memory_space<hbm>>
    tpu.enqueue_indirect_dma source(%dma_start3A_30 : memref<10000x128xf32, #tpu.memory_space<hbm>>) target(%arg13 : memref<40x128xf32, #tpu.memory_space<vmem>>) offsets(%dma_start3A_27 : memref<40xi32, #tpu.memory_space<vmem>>) semaphore(%arg19 : memref<!tpu.dma_semaphore, #tpu.memory_space<semaphore_mem>>)
    %add3A_31 = arith.constant 80 : i32
    %add3A_32 = arith.addi %add3A, %add3A_31 : i32
    %dma_start3A_33 = tpu.memref_slice %arg4[%add3A_32] : memref<320000xi32, #tpu.memory_space<hbm>> -> memref<40xi32, #tpu.memory_space<hbm>>
    %dma_start3A_34 = tpu.memref_slice %arg4[%add3A_32] : memref<320000xi32, #tpu.memory_space<hbm>> -> memref<40xi32, #tpu.memory_space<hbm>>
    tpu.enqueue_dma source(%dma_start3A_34 : memref<40xi32, #tpu.memory_space<hbm>>) target(%arg9 : memref<40xi32, #tpu.memory_space<vmem>>) target_semaphore(%arg25 : memref<!tpu.dma_semaphore, #tpu.memory_space<semaphore_mem>>)
    %dma_start3A_35 = arith.constant 80 : i32
    %dma_start3A_36 = tpu.memref_slice %arg6[%dma_start3A_35] : memref<10000xi32, #tpu.memory_space<vmem>> -> memref<40xi32, #tpu.memory_space<vmem>>
    %dma_start3A_37 = arith.constant 0 : i32
    %dma_start3A_38 = arith.constant 0 : i32
    %dma_start3A_39 = tpu.memref_slice %arg2[%dma_start3A_37, %dma_start3A_38] : memref<10000x128xf32, #tpu.memory_space<hbm>> -> memref<10000x128xf32, #tpu.memory_space<hbm>>
    tpu.enqueue_indirect_dma source(%dma_start3A_39 : memref<10000x128xf32, #tpu.memory_space<hbm>>) target(%arg14 : memref<40x128xf32, #tpu.memory_space<vmem>>) offsets(%dma_start3A_36 : memref<40xi32, #tpu.memory_space<vmem>>) semaphore(%arg20 : memref<!tpu.dma_semaphore, #tpu.memory_space<semaphore_mem>>)
    %add3A_40 = arith.constant 120 : i32
    %add3A_41 = arith.addi %add3A, %add3A_40 : i32
    %dma_start3A_42 = tpu.memref_slice %arg4[%add3A_41] : memref<320000xi32, #tpu.memory_space<hbm>> -> memref<40xi32, #tpu.memory_space<hbm>>
    %dma_start3A_43 = tpu.memref_slice %arg4[%add3A_41] : memref<320000xi32, #tpu.memory_space<hbm>> -> memref<40xi32, #tpu.memory_space<hbm>>
    tpu.enqueue_dma source(%dma_start3A_43 : memref<40xi32, #tpu.memory_space<hbm>>) target(%arg10 : memref<40xi32, #tpu.memory_space<vmem>>) target_semaphore(%arg26 : memref<!tpu.dma_semaphore, #tpu.memory_space<semaphore_mem>>)
    %dma_start3A_44 = arith.constant 120 : i32
    %dma_start3A_45 = tpu.memref_slice %arg6[%dma_start3A_44] : memref<10000xi32, #tpu.memory_space<vmem>> -> memref<40xi32, #tpu.memory_space<vmem>>
    %dma_start3A_46 = arith.constant 0 : i32
    %dma_start3A_47 = arith.constant 0 : i32
    %dma_start3A_48 = tpu.memref_slice %arg2[%dma_start3A_46, %dma_start3A_47] : memref<10000x128xf32, #tpu.memory_space<hbm>> -> memref<10000x128xf32, #tpu.memory_space<hbm>>
    tpu.enqueue_indirect_dma source(%dma_start3A_48 : memref<10000x128xf32, #tpu.memory_space<hbm>>) target(%arg15 : memref<40x128xf32, #tpu.memory_space<vmem>>) offsets(%dma_start3A_45 : memref<40xi32, #tpu.memory_space<vmem>>) semaphore(%arg21 : memref<!tpu.dma_semaphore, #tpu.memory_space<semaphore_mem>>)
    %add3A_49 = arith.constant 160 : i32
    %add3A_50 = arith.addi %add3A, %add3A_49 : i32
    %dma_start3A_51 = tpu.memref_slice %arg4[%add3A_50] : memref<320000xi32, #tpu.memory_space<hbm>> -> memref<40xi32, #tpu.memory_space<hbm>>
    %dma_start3A_52 = tpu.memref_slice %arg4[%add3A_50] : memref<320000xi32, #tpu.memory_space<hbm>> -> memref<40xi32, #tpu.memory_space<hbm>>
    tpu.enqueue_dma source(%dma_start3A_52 : memref<40xi32, #tpu.memory_space<hbm>>) target(%arg11 : memref<40xi32, #tpu.memory_space<vmem>>) target_semaphore(%arg27 : memref<!tpu.dma_semaphore, #tpu.memory_space<semaphore_mem>>)
    %dma_start3A_53 = arith.constant 160 : i32
    %dma_start3A_54 = tpu.memref_slice %arg6[%dma_start3A_53] : memref<10000xi32, #tpu.memory_space<vmem>> -> memref<40xi32, #tpu.memory_space<vmem>>
    %dma_start3A_55 = arith.constant 0 : i32
    %dma_start3A_56 = arith.constant 0 : i32
    %dma_start3A_57 = tpu.memref_slice %arg2[%dma_start3A_55, %dma_start3A_56] : memref<10000x128xf32, #tpu.memory_space<hbm>> -> memref<10000x128xf32, #tpu.memory_space<hbm>>
    tpu.enqueue_indirect_dma source(%dma_start3A_57 : memref<10000x128xf32, #tpu.memory_space<hbm>>) target(%arg16 : memref<40x128xf32, #tpu.memory_space<vmem>>) offsets(%dma_start3A_54 : memref<40xi32, #tpu.memory_space<vmem>>) semaphore(%arg22 : memref<!tpu.dma_semaphore, #tpu.memory_space<semaphore_mem>>)
    %barrier3A = arith.constant 0 : index
    tpu.barrier barrier_id(%barrier3A)
    %scan3A_58 = arith.constant 0 : i32
    %scan3A_59 = arith.constant 49 : i32
    %scan3A_60 = arith.addi %scan3A_58, %scan3A_59 : i32
    %scan3A_61 = arith.constant 1 : i32
    scf.for %scan3A_128 = %scan3A_58 to %scan3A_60 step %scan3A_61  : i32 {
      %mul3A_129 = arith.constant 1 : i32
      %mul3A_130 = arith.muli %scan3A_128, %mul3A_129 : i32
      %add3A_131 = arith.constant 0 : i32
      %add3A_132 = arith.addi %add3A_131, %mul3A_130 : i32
      %dma_wait3A_133 = arith.constant 0 : i32
      %dma_wait3A_134 = tpu.memref_slice %arg6[%dma_wait3A_133] : memref<10000xi32, #tpu.memory_space<vmem>> -> memref<40xi32, #tpu.memory_space<vmem>>
      %dma_wait3A_135 = arith.constant 0 : i32
      %dma_wait3A_136 = arith.constant 0 : i32
      %dma_wait3A_137 = tpu.memref_slice %arg2[%dma_wait3A_135, %dma_wait3A_136] : memref<10000x128xf32, #tpu.memory_space<hbm>> -> memref<10000x128xf32, #tpu.memory_space<hbm>>
      tpu.wait_indirect_dma semaphore(%arg18 : memref<!tpu.dma_semaphore, #tpu.memory_space<semaphore_mem>>) src(%dma_wait3A_137 : memref<10000x128xf32, #tpu.memory_space<hbm>>) dst(%arg12 : memref<40x128xf32, #tpu.memory_space<vmem>>)
      %dma_wait3A_138 = tpu.memref_slice %arg4[%add3A] : memref<320000xi32, #tpu.memory_space<hbm>> -> memref<40xi32, #tpu.memory_space<hbm>>
      %dma_wait3A_139 = tpu.memref_slice %arg4[%add3A] : memref<320000xi32, #tpu.memory_space<hbm>> -> memref<40xi32, #tpu.memory_space<hbm>>
      tpu.wait_dma2 semaphore(%arg23 : memref<!tpu.dma_semaphore, #tpu.memory_space<semaphore_mem>>) src(%dma_wait3A_139 : memref<40xi32, #tpu.memory_space<hbm>>) dst(%arg7 : memref<40xi32, #tpu.memory_space<vmem>>)
      %dma_start3A_140 = arith.constant 0 : i32
      %dma_start3A_141 = arith.constant 0 : i32
      %dma_start3A_142 = tpu.memref_slice %arg17[%dma_start3A_140, %dma_start3A_141] : memref<10240x128xf32, #tpu.memory_space<vmem_shared>> -> memref<10240x128xf32, #tpu.memory_space<vmem_shared>>
      tpu.enqueue_indirect_dma source(%arg12 : memref<40x128xf32, #tpu.memory_space<vmem>>) target(%dma_start3A_142 : memref<10240x128xf32, #tpu.memory_space<vmem_shared>>) offsets(%arg7 : memref<40xi32, #tpu.memory_space<vmem>>) semaphore(%arg28 : memref<!tpu.dma_semaphore, #tpu.memory_space<semaphore_mem>>) {add = true}
      %dma_wait3A_143 = arith.constant 0 : i32
      %dma_wait3A_144 = tpu.memref_slice %arg6[%dma_wait3A_143] : memref<10000xi32, #tpu.memory_space<vmem>> -> memref<40xi32, #tpu.memory_space<vmem>>
      %dma_wait3A_145 = arith.constant 0 : i32
      %dma_wait3A_146 = arith.constant 0 : i32
      %dma_wait3A_147 = tpu.memref_slice %arg2[%dma_wait3A_145, %dma_wait3A_146] : memref<10000x128xf32, #tpu.memory_space<hbm>> -> memref<10000x128xf32, #tpu.memory_space<hbm>>
      tpu.wait_indirect_dma semaphore(%arg19 : memref<!tpu.dma_semaphore, #tpu.memory_space<semaphore_mem>>) src(%dma_wait3A_147 : memref<10000x128xf32, #tpu.memory_space<hbm>>) dst(%arg13 : memref<40x128xf32, #tpu.memory_space<vmem>>)
      %dma_wait3A_148 = tpu.memref_slice %arg4[%add3A] : memref<320000xi32, #tpu.memory_space<hbm>> -> memref<40xi32, #tpu.memory_space<hbm>>
      %dma_wait3A_149 = tpu.memref_slice %arg4[%add3A] : memref<320000xi32, #tpu.memory_space<hbm>> -> memref<40xi32, #tpu.memory_space<hbm>>
      tpu.wait_dma2 semaphore(%arg24 : memref<!tpu.dma_semaphore, #tpu.memory_space<semaphore_mem>>) src(%dma_wait3A_149 : memref<40xi32, #tpu.memory_space<hbm>>) dst(%arg8 : memref<40xi32, #tpu.memory_space<vmem>>)
      %dma_start3A_150 = arith.constant 0 : i32
      %dma_start3A_151 = arith.constant 0 : i32
      %dma_start3A_152 = tpu.memref_slice %arg17[%dma_start3A_150, %dma_start3A_151] : memref<10240x128xf32, #tpu.memory_space<vmem_shared>> -> memref<10240x128xf32, #tpu.memory_space<vmem_shared>>
      tpu.enqueue_indirect_dma source(%arg13 : memref<40x128xf32, #tpu.memory_space<vmem>>) target(%dma_start3A_152 : memref<10240x128xf32, #tpu.memory_space<vmem_shared>>) offsets(%arg8 : memref<40xi32, #tpu.memory_space<vmem>>) semaphore(%arg29 : memref<!tpu.dma_semaphore, #tpu.memory_space<semaphore_mem>>) {add = true}
      %dma_wait3A_153 = arith.constant 0 : i32
      %dma_wait3A_154 = tpu.memref_slice %arg6[%dma_wait3A_153] : memref<10000xi32, #tpu.memory_space<vmem>> -> memref<40xi32, #tpu.memory_space<vmem>>
      %dma_wait3A_155 = arith.constant 0 : i32
      %dma_wait3A_156 = arith.constant 0 : i32
      %dma_wait3A_157 = tpu.memref_slice %arg2[%dma_wait3A_155, %dma_wait3A_156] : memref<10000x128xf32, #tpu.memory_space<hbm>> -> memref<10000x128xf32, #tpu.memory_space<hbm>>
      tpu.wait_indirect_dma semaphore(%arg20 : memref<!tpu.dma_semaphore, #tpu.memory_space<semaphore_mem>>) src(%dma_wait3A_157 : memref<10000x128xf32, #tpu.memory_space<hbm>>) dst(%arg14 : memref<40x128xf32, #tpu.memory_space<vmem>>)
      %dma_wait3A_158 = tpu.memref_slice %arg4[%add3A] : memref<320000xi32, #tpu.memory_space<hbm>> -> memref<40xi32, #tpu.memory_space<hbm>>
      %dma_wait3A_159 = tpu.memref_slice %arg4[%add3A] : memref<320000xi32, #tpu.memory_space<hbm>> -> memref<40xi32, #tpu.memory_space<hbm>>
      tpu.wait_dma2 semaphore(%arg25 : memref<!tpu.dma_semaphore, #tpu.memory_space<semaphore_mem>>) src(%dma_wait3A_159 : memref<40xi32, #tpu.memory_space<hbm>>) dst(%arg9 : memref<40xi32, #tpu.memory_space<vmem>>)
      %dma_start3A_160 = arith.constant 0 : i32
      %dma_start3A_161 = arith.constant 0 : i32
      %dma_start3A_162 = tpu.memref_slice %arg17[%dma_start3A_160, %dma_start3A_161] : memref<10240x128xf32, #tpu.memory_space<vmem_shared>> -> memref<10240x128xf32, #tpu.memory_space<vmem_shared>>
      tpu.enqueue_indirect_dma source(%arg14 : memref<40x128xf32, #tpu.memory_space<vmem>>) target(%dma_start3A_162 : memref<10240x128xf32, #tpu.memory_space<vmem_shared>>) offsets(%arg9 : memref<40xi32, #tpu.memory_space<vmem>>) semaphore(%arg30 : memref<!tpu.dma_semaphore, #tpu.memory_space<semaphore_mem>>) {add = true}
      %dma_wait3A_163 = arith.constant 0 : i32
      %dma_wait3A_164 = tpu.memref_slice %arg6[%dma_wait3A_163] : memref<10000xi32, #tpu.memory_space<vmem>> -> memref<40xi32, #tpu.memory_space<vmem>>
      %dma_wait3A_165 = arith.constant 0 : i32
      %dma_wait3A_166 = arith.constant 0 : i32
      %dma_wait3A_167 = tpu.memref_slice %arg2[%dma_wait3A_165, %dma_wait3A_166] : memref<10000x128xf32, #tpu.memory_space<hbm>> -> memref<10000x128xf32, #tpu.memory_space<hbm>>
      tpu.wait_indirect_dma semaphore(%arg21 : memref<!tpu.dma_semaphore, #tpu.memory_space<semaphore_mem>>) src(%dma_wait3A_167 : memref<10000x128xf32, #tpu.memory_space<hbm>>) dst(%arg15 : memref<40x128xf32, #tpu.memory_space<vmem>>)
      %dma_wait3A_168 = tpu.memref_slice %arg4[%add3A] : memref<320000xi32, #tpu.memory_space<hbm>> -> memref<40xi32, #tpu.memory_space<hbm>>
      %dma_wait3A_169 = tpu.memref_slice %arg4[%add3A] : memref<320000xi32, #tpu.memory_space<hbm>> -> memref<40xi32, #tpu.memory_space<hbm>>
      tpu.wait_dma2 semaphore(%arg26 : memref<!tpu.dma_semaphore, #tpu.memory_space<semaphore_mem>>) src(%dma_wait3A_169 : memref<40xi32, #tpu.memory_space<hbm>>) dst(%arg10 : memref<40xi32, #tpu.memory_space<vmem>>)
      %dma_start3A_170 = arith.constant 0 : i32
      %dma_start3A_171 = arith.constant 0 : i32
      %dma_start3A_172 = tpu.memref_slice %arg17[%dma_start3A_170, %dma_start3A_171] : memref<10240x128xf32, #tpu.memory_space<vmem_shared>> -> memref<10240x128xf32, #tpu.memory_space<vmem_shared>>
      tpu.enqueue_indirect_dma source(%arg15 : memref<40x128xf32, #tpu.memory_space<vmem>>) target(%dma_start3A_172 : memref<10240x128xf32, #tpu.memory_space<vmem_shared>>) offsets(%arg10 : memref<40xi32, #tpu.memory_space<vmem>>) semaphore(%arg31 : memref<!tpu.dma_semaphore, #tpu.memory_space<semaphore_mem>>) {add = true}
      %dma_wait3A_173 = arith.constant 0 : i32
      %dma_wait3A_174 = tpu.memref_slice %arg6[%dma_wait3A_173] : memref<10000xi32, #tpu.memory_space<vmem>> -> memref<40xi32, #tpu.memory_space<vmem>>
      %dma_wait3A_175 = arith.constant 0 : i32
      %dma_wait3A_176 = arith.constant 0 : i32
      %dma_wait3A_177 = tpu.memref_slice %arg2[%dma_wait3A_175, %dma_wait3A_176] : memref<10000x128xf32, #tpu.memory_space<hbm>> -> memref<10000x128xf32, #tpu.memory_space<hbm>>
      tpu.wait_indirect_dma semaphore(%arg22 : memref<!tpu.dma_semaphore, #tpu.memory_space<semaphore_mem>>) src(%dma_wait3A_177 : memref<10000x128xf32, #tpu.memory_space<hbm>>) dst(%arg16 : memref<40x128xf32, #tpu.memory_space<vmem>>)
      %dma_wait3A_178 = tpu.memref_slice %arg4[%add3A] : memref<320000xi32, #tpu.memory_space<hbm>> -> memref<40xi32, #tpu.memory_space<hbm>>
      %dma_wait3A_179 = tpu.memref_slice %arg4[%add3A] : memref<320000xi32, #tpu.memory_space<hbm>> -> memref<40xi32, #tpu.memory_space<hbm>>
      tpu.wait_dma2 semaphore(%arg27 : memref<!tpu.dma_semaphore, #tpu.memory_space<semaphore_mem>>) src(%dma_wait3A_179 : memref<40xi32, #tpu.memory_space<hbm>>) dst(%arg11 : memref<40xi32, #tpu.memory_space<vmem>>)
      %dma_start3A_180 = arith.constant 0 : i32
      %dma_start3A_181 = arith.constant 0 : i32
      %dma_start3A_182 = tpu.memref_slice %arg17[%dma_start3A_180, %dma_start3A_181] : memref<10240x128xf32, #tpu.memory_space<vmem_shared>> -> memref<10240x128xf32, #tpu.memory_space<vmem_shared>>
      tpu.enqueue_indirect_dma source(%arg16 : memref<40x128xf32, #tpu.memory_space<vmem>>) target(%dma_start3A_182 : memref<10240x128xf32, #tpu.memory_space<vmem_shared>>) offsets(%arg11 : memref<40xi32, #tpu.memory_space<vmem>>) semaphore(%arg32 : memref<!tpu.dma_semaphore, #tpu.memory_space<semaphore_mem>>) {add = true}
      %add3A_183 = arith.constant 1 : i32
      %add3A_184 = arith.addi %add3A_132, %add3A_183 : i32
      %mul3A_185 = arith.constant 5 : i32
      %mul3A_186 = arith.muli %mul3A_185, %add3A_184 : i32
      %dma_wait3A_187 = arith.constant 0 : i32
      %dma_wait3A_188 = arith.constant 0 : i32
      %dma_wait3A_189 = tpu.memref_slice %arg17[%dma_wait3A_187, %dma_wait3A_188] : memref<10240x128xf32, #tpu.memory_space<vmem_shared>> -> memref<10240x128xf32, #tpu.memory_space<vmem_shared>>
      tpu.wait_indirect_dma semaphore(%arg28 : memref<!tpu.dma_semaphore, #tpu.memory_space<semaphore_mem>>) src(%arg12 : memref<40x128xf32, #tpu.memory_space<vmem>>) dst(%dma_wait3A_189 : memref<10240x128xf32, #tpu.memory_space<vmem_shared>>)
      %add3A_190 = arith.constant 0 : i32
      %add3A_191 = arith.addi %mul3A_186, %add3A_190 : i32
      %mul3A_192 = arith.constant 40 : i32
      %mul3A_193 = arith.muli %add3A_191, %mul3A_192 : i32
      %add3A_194 = arith.addi %add3A, %mul3A_193 : i32
      %dma_start3A_195 = tpu.memref_slice %arg4[%add3A_194] : memref<320000xi32, #tpu.memory_space<hbm>> -> memref<40xi32, #tpu.memory_space<hbm>>
      %dma_start3A_196 = tpu.memref_slice %arg4[%add3A_194] : memref<320000xi32, #tpu.memory_space<hbm>> -> memref<40xi32, #tpu.memory_space<hbm>>
      tpu.enqueue_dma source(%dma_start3A_196 : memref<40xi32, #tpu.memory_space<hbm>>) target(%arg7 : memref<40xi32, #tpu.memory_space<vmem>>) target_semaphore(%arg23 : memref<!tpu.dma_semaphore, #tpu.memory_space<semaphore_mem>>)
      %add3A_197 = arith.constant 0 : i32
      %add3A_198 = arith.addi %mul3A_186, %add3A_197 : i32
      %mul3A_199 = arith.constant 40 : i32
      %mul3A_200 = arith.muli %add3A_198, %mul3A_199 : i32
      %dma_start3A_201 = tpu.memref_slice %arg6[%mul3A_200] : memref<10000xi32, #tpu.memory_space<vmem>> -> memref<40xi32, #tpu.memory_space<vmem>>
      %dma_start3A_202 = arith.constant 0 : i32
      %dma_start3A_203 = arith.constant 0 : i32
      %dma_start3A_204 = tpu.memref_slice %arg2[%dma_start3A_202, %dma_start3A_203] : memref<10000x128xf32, #tpu.memory_space<hbm>> -> memref<10000x128xf32, #tpu.memory_space<hbm>>
      tpu.enqueue_indirect_dma source(%dma_start3A_204 : memref<10000x128xf32, #tpu.memory_space<hbm>>) target(%arg12 : memref<40x128xf32, #tpu.memory_space<vmem>>) offsets(%dma_start3A_201 : memref<40xi32, #tpu.memory_space<vmem>>) semaphore(%arg18 : memref<!tpu.dma_semaphore, #tpu.memory_space<semaphore_mem>>)
      %dma_wait3A_205 = arith.constant 0 : i32
      %dma_wait3A_206 = arith.constant 0 : i32
      %dma_wait3A_207 = tpu.memref_slice %arg17[%dma_wait3A_205, %dma_wait3A_206] : memref<10240x128xf32, #tpu.memory_space<vmem_shared>> -> memref<10240x128xf32, #tpu.memory_space<vmem_shared>>
      tpu.wait_indirect_dma semaphore(%arg29 : memref<!tpu.dma_semaphore, #tpu.memory_space<semaphore_mem>>) src(%arg13 : memref<40x128xf32, #tpu.memory_space<vmem>>) dst(%dma_wait3A_207 : memref<10240x128xf32, #tpu.memory_space<vmem_shared>>)
      %add3A_208 = arith.constant 1 : i32
      %add3A_209 = arith.addi %mul3A_186, %add3A_208 : i32
      %mul3A_210 = arith.constant 40 : i32
      %mul3A_211 = arith.muli %add3A_209, %mul3A_210 : i32
      %add3A_212 = arith.addi %add3A, %mul3A_211 : i32
      %dma_start3A_213 = tpu.memref_slice %arg4[%add3A_212] : memref<320000xi32, #tpu.memory_space<hbm>> -> memref<40xi32, #tpu.memory_space<hbm>>
      %dma_start3A_214 = tpu.memref_slice %arg4[%add3A_212] : memref<320000xi32, #tpu.memory_space<hbm>> -> memref<40xi32, #tpu.memory_space<hbm>>
      tpu.enqueue_dma source(%dma_start3A_214 : memref<40xi32, #tpu.memory_space<hbm>>) target(%arg8 : memref<40xi32, #tpu.memory_space<vmem>>) target_semaphore(%arg24 : memref<!tpu.dma_semaphore, #tpu.memory_space<semaphore_mem>>)
      %add3A_215 = arith.constant 1 : i32
      %add3A_216 = arith.addi %mul3A_186, %add3A_215 : i32
      %mul3A_217 = arith.constant 40 : i32
      %mul3A_218 = arith.muli %add3A_216, %mul3A_217 : i32
      %dma_start3A_219 = tpu.memref_slice %arg6[%mul3A_218] : memref<10000xi32, #tpu.memory_space<vmem>> -> memref<40xi32, #tpu.memory_space<vmem>>
      %dma_start3A_220 = arith.constant 0 : i32
      %dma_start3A_221 = arith.constant 0 : i32
      %dma_start3A_222 = tpu.memref_slice %arg2[%dma_start3A_220, %dma_start3A_221] : memref<10000x128xf32, #tpu.memory_space<hbm>> -> memref<10000x128xf32, #tpu.memory_space<hbm>>
      tpu.enqueue_indirect_dma source(%dma_start3A_222 : memref<10000x128xf32, #tpu.memory_space<hbm>>) target(%arg13 : memref<40x128xf32, #tpu.memory_space<vmem>>) offsets(%dma_start3A_219 : memref<40xi32, #tpu.memory_space<vmem>>) semaphore(%arg19 : memref<!tpu.dma_semaphore, #tpu.memory_space<semaphore_mem>>)
      %dma_wait3A_223 = arith.constant 0 : i32
      %dma_wait3A_224 = arith.constant 0 : i32
      %dma_wait3A_225 = tpu.memref_slice %arg17[%dma_wait3A_223, %dma_wait3A_224] : memref<10240x128xf32, #tpu.memory_space<vmem_shared>> -> memref<10240x128xf32, #tpu.memory_space<vmem_shared>>
      tpu.wait_indirect_dma semaphore(%arg30 : memref<!tpu.dma_semaphore, #tpu.memory_space<semaphore_mem>>) src(%arg14 : memref<40x128xf32, #tpu.memory_space<vmem>>) dst(%dma_wait3A_225 : memref<10240x128xf32, #tpu.memory_space<vmem_shared>>)
      %add3A_226 = arith.constant 2 : i32
      %add3A_227 = arith.addi %mul3A_186, %add3A_226 : i32
      %mul3A_228 = arith.constant 40 : i32
      %mul3A_229 = arith.muli %add3A_227, %mul3A_228 : i32
      %add3A_230 = arith.addi %add3A, %mul3A_229 : i32
      %dma_start3A_231 = tpu.memref_slice %arg4[%add3A_230] : memref<320000xi32, #tpu.memory_space<hbm>> -> memref<40xi32, #tpu.memory_space<hbm>>
      %dma_start3A_232 = tpu.memref_slice %arg4[%add3A_230] : memref<320000xi32, #tpu.memory_space<hbm>> -> memref<40xi32, #tpu.memory_space<hbm>>
      tpu.enqueue_dma source(%dma_start3A_232 : memref<40xi32, #tpu.memory_space<hbm>>) target(%arg9 : memref<40xi32, #tpu.memory_space<vmem>>) target_semaphore(%arg25 : memref<!tpu.dma_semaphore, #tpu.memory_space<semaphore_mem>>)
      %add3A_233 = arith.constant 2 : i32
      %add3A_234 = arith.addi %mul3A_186, %add3A_233 : i32
      %mul3A_235 = arith.constant 40 : i32
      %mul3A_236 = arith.muli %add3A_234, %mul3A_235 : i32
      %dma_start3A_237 = tpu.memref_slice %arg6[%mul3A_236] : memref<10000xi32, #tpu.memory_space<vmem>> -> memref<40xi32, #tpu.memory_space<vmem>>
      %dma_start3A_238 = arith.constant 0 : i32
      %dma_start3A_239 = arith.constant 0 : i32
      %dma_start3A_240 = tpu.memref_slice %arg2[%dma_start3A_238, %dma_start3A_239] : memref<10000x128xf32, #tpu.memory_space<hbm>> -> memref<10000x128xf32, #tpu.memory_space<hbm>>
      tpu.enqueue_indirect_dma source(%dma_start3A_240 : memref<10000x128xf32, #tpu.memory_space<hbm>>) target(%arg14 : memref<40x128xf32, #tpu.memory_space<vmem>>) offsets(%dma_start3A_237 : memref<40xi32, #tpu.memory_space<vmem>>) semaphore(%arg20 : memref<!tpu.dma_semaphore, #tpu.memory_space<semaphore_mem>>)
      %dma_wait3A_241 = arith.constant 0 : i32
      %dma_wait3A_242 = arith.constant 0 : i32
      %dma_wait3A_243 = tpu.memref_slice %arg17[%dma_wait3A_241, %dma_wait3A_242] : memref<10240x128xf32, #tpu.memory_space<vmem_shared>> -> memref<10240x128xf32, #tpu.memory_space<vmem_shared>>
      tpu.wait_indirect_dma semaphore(%arg31 : memref<!tpu.dma_semaphore, #tpu.memory_space<semaphore_mem>>) src(%arg15 : memref<40x128xf32, #tpu.memory_space<vmem>>) dst(%dma_wait3A_243 : memref<10240x128xf32, #tpu.memory_space<vmem_shared>>)
      %add3A_244 = arith.constant 3 : i32
      %add3A_245 = arith.addi %mul3A_186, %add3A_244 : i32
      %mul3A_246 = arith.constant 40 : i32
      %mul3A_247 = arith.muli %add3A_245, %mul3A_246 : i32
      %add3A_248 = arith.addi %add3A, %mul3A_247 : i32
      %dma_start3A_249 = tpu.memref_slice %arg4[%add3A_248] : memref<320000xi32, #tpu.memory_space<hbm>> -> memref<40xi32, #tpu.memory_space<hbm>>
      %dma_start3A_250 = tpu.memref_slice %arg4[%add3A_248] : memref<320000xi32, #tpu.memory_space<hbm>> -> memref<40xi32, #tpu.memory_space<hbm>>
      tpu.enqueue_dma source(%dma_start3A_250 : memref<40xi32, #tpu.memory_space<hbm>>) target(%arg10 : memref<40xi32, #tpu.memory_space<vmem>>) target_semaphore(%arg26 : memref<!tpu.dma_semaphore, #tpu.memory_space<semaphore_mem>>)
      %add3A_251 = arith.constant 3 : i32
      %add3A_252 = arith.addi %mul3A_186, %add3A_251 : i32
      %mul3A_253 = arith.constant 40 : i32
      %mul3A_254 = arith.muli %add3A_252, %mul3A_253 : i32
      %dma_start3A_255 = tpu.memref_slice %arg6[%mul3A_254] : memref<10000xi32, #tpu.memory_space<vmem>> -> memref<40xi32, #tpu.memory_space<vmem>>
      %dma_start3A_256 = arith.constant 0 : i32
      %dma_start3A_257 = arith.constant 0 : i32
      %dma_start3A_258 = tpu.memref_slice %arg2[%dma_start3A_256, %dma_start3A_257] : memref<10000x128xf32, #tpu.memory_space<hbm>> -> memref<10000x128xf32, #tpu.memory_space<hbm>>
      tpu.enqueue_indirect_dma source(%dma_start3A_258 : memref<10000x128xf32, #tpu.memory_space<hbm>>) target(%arg15 : memref<40x128xf32, #tpu.memory_space<vmem>>) offsets(%dma_start3A_255 : memref<40xi32, #tpu.memory_space<vmem>>) semaphore(%arg21 : memref<!tpu.dma_semaphore, #tpu.memory_space<semaphore_mem>>)
      %dma_wait3A_259 = arith.constant 0 : i32
      %dma_wait3A_260 = arith.constant 0 : i32
      %dma_wait3A_261 = tpu.memref_slice %arg17[%dma_wait3A_259, %dma_wait3A_260] : memref<10240x128xf32, #tpu.memory_space<vmem_shared>> -> memref<10240x128xf32, #tpu.memory_space<vmem_shared>>
      tpu.wait_indirect_dma semaphore(%arg32 : memref<!tpu.dma_semaphore, #tpu.memory_space<semaphore_mem>>) src(%arg16 : memref<40x128xf32, #tpu.memory_space<vmem>>) dst(%dma_wait3A_261 : memref<10240x128xf32, #tpu.memory_space<vmem_shared>>)
      %add3A_262 = arith.constant 4 : i32
      %add3A_263 = arith.addi %mul3A_186, %add3A_262 : i32
      %mul3A_264 = arith.constant 40 : i32
      %mul3A_265 = arith.muli %add3A_263, %mul3A_264 : i32
      %add3A_266 = arith.addi %add3A, %mul3A_265 : i32
      %dma_start3A_267 = tpu.memref_slice %arg4[%add3A_266] : memref<320000xi32, #tpu.memory_space<hbm>> -> memref<40xi32, #tpu.memory_space<hbm>>
      %dma_start3A_268 = tpu.memref_slice %arg4[%add3A_266] : memref<320000xi32, #tpu.memory_space<hbm>> -> memref<40xi32, #tpu.memory_space<hbm>>
      tpu.enqueue_dma source(%dma_start3A_268 : memref<40xi32, #tpu.memory_space<hbm>>) target(%arg11 : memref<40xi32, #tpu.memory_space<vmem>>) target_semaphore(%arg27 : memref<!tpu.dma_semaphore, #tpu.memory_space<semaphore_mem>>)
      %add3A_269 = arith.constant 4 : i32
      %add3A_270 = arith.addi %mul3A_186, %add3A_269 : i32
      %mul3A_271 = arith.constant 40 : i32
      %mul3A_272 = arith.muli %add3A_270, %mul3A_271 : i32
      %dma_start3A_273 = tpu.memref_slice %arg6[%mul3A_272] : memref<10000xi32, #tpu.memory_space<vmem>> -> memref<40xi32, #tpu.memory_space<vmem>>
      %dma_start3A_274 = arith.constant 0 : i32
      %dma_start3A_275 = arith.constant 0 : i32
      %dma_start3A_276 = tpu.memref_slice %arg2[%dma_start3A_274, %dma_start3A_275] : memref<10000x128xf32, #tpu.memory_space<hbm>> -> memref<10000x128xf32, #tpu.memory_space<hbm>>
      tpu.enqueue_indirect_dma source(%dma_start3A_276 : memref<10000x128xf32, #tpu.memory_space<hbm>>) target(%arg16 : memref<40x128xf32, #tpu.memory_space<vmem>>) offsets(%dma_start3A_273 : memref<40xi32, #tpu.memory_space<vmem>>) semaphore(%arg22 : memref<!tpu.dma_semaphore, #tpu.memory_space<semaphore_mem>>)
    }
    %scan3A_62 = arith.constant 49 : i32
    %dma_wait3A = arith.constant 0 : i32
    %dma_wait3A_63 = tpu.memref_slice %arg6[%dma_wait3A] : memref<10000xi32, #tpu.memory_space<vmem>> -> memref<40xi32, #tpu.memory_space<vmem>>
    %dma_wait3A_64 = arith.constant 0 : i32
    %dma_wait3A_65 = arith.constant 0 : i32
    %dma_wait3A_66 = tpu.memref_slice %arg2[%dma_wait3A_64, %dma_wait3A_65] : memref<10000x128xf32, #tpu.memory_space<hbm>> -> memref<10000x128xf32, #tpu.memory_space<hbm>>
    tpu.wait_indirect_dma semaphore(%arg18 : memref<!tpu.dma_semaphore, #tpu.memory_space<semaphore_mem>>) src(%dma_wait3A_66 : memref<10000x128xf32, #tpu.memory_space<hbm>>) dst(%arg12 : memref<40x128xf32, #tpu.memory_space<vmem>>)
    %dma_wait3A_67 = tpu.memref_slice %arg4[%add3A] : memref<320000xi32, #tpu.memory_space<hbm>> -> memref<40xi32, #tpu.memory_space<hbm>>
    %dma_wait3A_68 = tpu.memref_slice %arg4[%add3A] : memref<320000xi32, #tpu.memory_space<hbm>> -> memref<40xi32, #tpu.memory_space<hbm>>
    tpu.wait_dma2 semaphore(%arg23 : memref<!tpu.dma_semaphore, #tpu.memory_space<semaphore_mem>>) src(%dma_wait3A_68 : memref<40xi32, #tpu.memory_space<hbm>>) dst(%arg7 : memref<40xi32, #tpu.memory_space<vmem>>)
    %dma_start3A_69 = arith.constant 0 : i32
    %dma_start3A_70 = arith.constant 0 : i32
    %dma_start3A_71 = tpu.memref_slice %arg17[%dma_start3A_69, %dma_start3A_70] : memref<10240x128xf32, #tpu.memory_space<vmem_shared>> -> memref<10240x128xf32, #tpu.memory_space<vmem_shared>>
    tpu.enqueue_indirect_dma source(%arg12 : memref<40x128xf32, #tpu.memory_space<vmem>>) target(%dma_start3A_71 : memref<10240x128xf32, #tpu.memory_space<vmem_shared>>) offsets(%arg7 : memref<40xi32, #tpu.memory_space<vmem>>) semaphore(%arg28 : memref<!tpu.dma_semaphore, #tpu.memory_space<semaphore_mem>>) {add = true}
    %dma_wait3A_72 = arith.constant 0 : i32
    %dma_wait3A_73 = tpu.memref_slice %arg6[%dma_wait3A_72] : memref<10000xi32, #tpu.memory_space<vmem>> -> memref<40xi32, #tpu.memory_space<vmem>>
    %dma_wait3A_74 = arith.constant 0 : i32
    %dma_wait3A_75 = arith.constant 0 : i32
    %dma_wait3A_76 = tpu.memref_slice %arg2[%dma_wait3A_74, %dma_wait3A_75] : memref<10000x128xf32, #tpu.memory_space<hbm>> -> memref<10000x128xf32, #tpu.memory_space<hbm>>
    tpu.wait_indirect_dma semaphore(%arg19 : memref<!tpu.dma_semaphore, #tpu.memory_space<semaphore_mem>>) src(%dma_wait3A_76 : memref<10000x128xf32, #tpu.memory_space<hbm>>) dst(%arg13 : memref<40x128xf32, #tpu.memory_space<vmem>>)
    %dma_wait3A_77 = tpu.memref_slice %arg4[%add3A] : memref<320000xi32, #tpu.memory_space<hbm>> -> memref<40xi32, #tpu.memory_space<hbm>>
    %dma_wait3A_78 = tpu.memref_slice %arg4[%add3A] : memref<320000xi32, #tpu.memory_space<hbm>> -> memref<40xi32, #tpu.memory_space<hbm>>
    tpu.wait_dma2 semaphore(%arg24 : memref<!tpu.dma_semaphore, #tpu.memory_space<semaphore_mem>>) src(%dma_wait3A_78 : memref<40xi32, #tpu.memory_space<hbm>>) dst(%arg8 : memref<40xi32, #tpu.memory_space<vmem>>)
    %dma_start3A_79 = arith.constant 0 : i32
    %dma_start3A_80 = arith.constant 0 : i32
    %dma_start3A_81 = tpu.memref_slice %arg17[%dma_start3A_79, %dma_start3A_80] : memref<10240x128xf32, #tpu.memory_space<vmem_shared>> -> memref<10240x128xf32, #tpu.memory_space<vmem_shared>>
    tpu.enqueue_indirect_dma source(%arg13 : memref<40x128xf32, #tpu.memory_space<vmem>>) target(%dma_start3A_81 : memref<10240x128xf32, #tpu.memory_space<vmem_shared>>) offsets(%arg8 : memref<40xi32, #tpu.memory_space<vmem>>) semaphore(%arg29 : memref<!tpu.dma_semaphore, #tpu.memory_space<semaphore_mem>>) {add = true}
    %dma_wait3A_82 = arith.constant 0 : i32
    %dma_wait3A_83 = tpu.memref_slice %arg6[%dma_wait3A_82] : memref<10000xi32, #tpu.memory_space<vmem>> -> memref<40xi32, #tpu.memory_space<vmem>>
    %dma_wait3A_84 = arith.constant 0 : i32
    %dma_wait3A_85 = arith.constant 0 : i32
    %dma_wait3A_86 = tpu.memref_slice %arg2[%dma_wait3A_84, %dma_wait3A_85] : memref<10000x128xf32, #tpu.memory_space<hbm>> -> memref<10000x128xf32, #tpu.memory_space<hbm>>
    tpu.wait_indirect_dma semaphore(%arg20 : memref<!tpu.dma_semaphore, #tpu.memory_space<semaphore_mem>>) src(%dma_wait3A_86 : memref<10000x128xf32, #tpu.memory_space<hbm>>) dst(%arg14 : memref<40x128xf32, #tpu.memory_space<vmem>>)
    %dma_wait3A_87 = tpu.memref_slice %arg4[%add3A] : memref<320000xi32, #tpu.memory_space<hbm>> -> memref<40xi32, #tpu.memory_space<hbm>>
    %dma_wait3A_88 = tpu.memref_slice %arg4[%add3A] : memref<320000xi32, #tpu.memory_space<hbm>> -> memref<40xi32, #tpu.memory_space<hbm>>
    tpu.wait_dma2 semaphore(%arg25 : memref<!tpu.dma_semaphore, #tpu.memory_space<semaphore_mem>>) src(%dma_wait3A_88 : memref<40xi32, #tpu.memory_space<hbm>>) dst(%arg9 : memref<40xi32, #tpu.memory_space<vmem>>)
    %dma_start3A_89 = arith.constant 0 : i32
    %dma_start3A_90 = arith.constant 0 : i32
    %dma_start3A_91 = tpu.memref_slice %arg17[%dma_start3A_89, %dma_start3A_90] : memref<10240x128xf32, #tpu.memory_space<vmem_shared>> -> memref<10240x128xf32, #tpu.memory_space<vmem_shared>>
    tpu.enqueue_indirect_dma source(%arg14 : memref<40x128xf32, #tpu.memory_space<vmem>>) target(%dma_start3A_91 : memref<10240x128xf32, #tpu.memory_space<vmem_shared>>) offsets(%arg9 : memref<40xi32, #tpu.memory_space<vmem>>) semaphore(%arg30 : memref<!tpu.dma_semaphore, #tpu.memory_space<semaphore_mem>>) {add = true}
    %dma_wait3A_92 = arith.constant 0 : i32
    %dma_wait3A_93 = tpu.memref_slice %arg6[%dma_wait3A_92] : memref<10000xi32, #tpu.memory_space<vmem>> -> memref<40xi32, #tpu.memory_space<vmem>>
    %dma_wait3A_94 = arith.constant 0 : i32
    %dma_wait3A_95 = arith.constant 0 : i32
    %dma_wait3A_96 = tpu.memref_slice %arg2[%dma_wait3A_94, %dma_wait3A_95] : memref<10000x128xf32, #tpu.memory_space<hbm>> -> memref<10000x128xf32, #tpu.memory_space<hbm>>
    tpu.wait_indirect_dma semaphore(%arg21 : memref<!tpu.dma_semaphore, #tpu.memory_space<semaphore_mem>>) src(%dma_wait3A_96 : memref<10000x128xf32, #tpu.memory_space<hbm>>) dst(%arg15 : memref<40x128xf32, #tpu.memory_space<vmem>>)
    %dma_wait3A_97 = tpu.memref_slice %arg4[%add3A] : memref<320000xi32, #tpu.memory_space<hbm>> -> memref<40xi32, #tpu.memory_space<hbm>>
    %dma_wait3A_98 = tpu.memref_slice %arg4[%add3A] : memref<320000xi32, #tpu.memory_space<hbm>> -> memref<40xi32, #tpu.memory_space<hbm>>
    tpu.wait_dma2 semaphore(%arg26 : memref<!tpu.dma_semaphore, #tpu.memory_space<semaphore_mem>>) src(%dma_wait3A_98 : memref<40xi32, #tpu.memory_space<hbm>>) dst(%arg10 : memref<40xi32, #tpu.memory_space<vmem>>)
    %dma_start3A_99 = arith.constant 0 : i32
    %dma_start3A_100 = arith.constant 0 : i32
    %dma_start3A_101 = tpu.memref_slice %arg17[%dma_start3A_99, %dma_start3A_100] : memref<10240x128xf32, #tpu.memory_space<vmem_shared>> -> memref<10240x128xf32, #tpu.memory_space<vmem_shared>>
    tpu.enqueue_indirect_dma source(%arg15 : memref<40x128xf32, #tpu.memory_space<vmem>>) target(%dma_start3A_101 : memref<10240x128xf32, #tpu.memory_space<vmem_shared>>) offsets(%arg10 : memref<40xi32, #tpu.memory_space<vmem>>) semaphore(%arg31 : memref<!tpu.dma_semaphore, #tpu.memory_space<semaphore_mem>>) {add = true}
    %dma_wait3A_102 = arith.constant 0 : i32
    %dma_wait3A_103 = tpu.memref_slice %arg6[%dma_wait3A_102] : memref<10000xi32, #tpu.memory_space<vmem>> -> memref<40xi32, #tpu.memory_space<vmem>>
    %dma_wait3A_104 = arith.constant 0 : i32
    %dma_wait3A_105 = arith.constant 0 : i32
    %dma_wait3A_106 = tpu.memref_slice %arg2[%dma_wait3A_104, %dma_wait3A_105] : memref<10000x128xf32, #tpu.memory_space<hbm>> -> memref<10000x128xf32, #tpu.memory_space<hbm>>
    tpu.wait_indirect_dma semaphore(%arg22 : memref<!tpu.dma_semaphore, #tpu.memory_space<semaphore_mem>>) src(%dma_wait3A_106 : memref<10000x128xf32, #tpu.memory_space<hbm>>) dst(%arg16 : memref<40x128xf32, #tpu.memory_space<vmem>>)
    %dma_wait3A_107 = tpu.memref_slice %arg4[%add3A] : memref<320000xi32, #tpu.memory_space<hbm>> -> memref<40xi32, #tpu.memory_space<hbm>>
    %dma_wait3A_108 = tpu.memref_slice %arg4[%add3A] : memref<320000xi32, #tpu.memory_space<hbm>> -> memref<40xi32, #tpu.memory_space<hbm>>
    tpu.wait_dma2 semaphore(%arg27 : memref<!tpu.dma_semaphore, #tpu.memory_space<semaphore_mem>>) src(%dma_wait3A_108 : memref<40xi32, #tpu.memory_space<hbm>>) dst(%arg11 : memref<40xi32, #tpu.memory_space<vmem>>)
    %dma_start3A_109 = arith.constant 0 : i32
    %dma_start3A_110 = arith.constant 0 : i32
    %dma_start3A_111 = tpu.memref_slice %arg17[%dma_start3A_109, %dma_start3A_110] : memref<10240x128xf32, #tpu.memory_space<vmem_shared>> -> memref<10240x128xf32, #tpu.memory_space<vmem_shared>>
    tpu.enqueue_indirect_dma source(%arg16 : memref<40x128xf32, #tpu.memory_space<vmem>>) target(%dma_start3A_111 : memref<10240x128xf32, #tpu.memory_space<vmem_shared>>) offsets(%arg11 : memref<40xi32, #tpu.memory_space<vmem>>) semaphore(%arg32 : memref<!tpu.dma_semaphore, #tpu.memory_space<semaphore_mem>>) {add = true}
    %dma_wait3A_112 = arith.constant 0 : i32
    %dma_wait3A_113 = arith.constant 0 : i32
    %dma_wait3A_114 = tpu.memref_slice %arg17[%dma_wait3A_112, %dma_wait3A_113] : memref<10240x128xf32, #tpu.memory_space<vmem_shared>> -> memref<10240x128xf32, #tpu.memory_space<vmem_shared>>
    tpu.wait_indirect_dma semaphore(%arg28 : memref<!tpu.dma_semaphore, #tpu.memory_space<semaphore_mem>>) src(%arg12 : memref<40x128xf32, #tpu.memory_space<vmem>>) dst(%dma_wait3A_114 : memref<10240x128xf32, #tpu.memory_space<vmem_shared>>)
    %dma_wait3A_115 = arith.constant 0 : i32
    %dma_wait3A_116 = arith.constant 0 : i32
    %dma_wait3A_117 = tpu.memref_slice %arg17[%dma_wait3A_115, %dma_wait3A_116] : memref<10240x128xf32, #tpu.memory_space<vmem_shared>> -> memref<10240x128xf32, #tpu.memory_space<vmem_shared>>
    tpu.wait_indirect_dma semaphore(%arg29 : memref<!tpu.dma_semaphore, #tpu.memory_space<semaphore_mem>>) src(%arg13 : memref<40x128xf32, #tpu.memory_space<vmem>>) dst(%dma_wait3A_117 : memref<10240x128xf32, #tpu.memory_space<vmem_shared>>)
    %dma_wait3A_118 = arith.constant 0 : i32
    %dma_wait3A_119 = arith.constant 0 : i32
    %dma_wait3A_120 = tpu.memref_slice %arg17[%dma_wait3A_118, %dma_wait3A_119] : memref<10240x128xf32, #tpu.memory_space<vmem_shared>> -> memref<10240x128xf32, #tpu.memory_space<vmem_shared>>
    tpu.wait_indirect_dma semaphore(%arg30 : memref<!tpu.dma_semaphore, #tpu.memory_space<semaphore_mem>>) src(%arg14 : memref<40x128xf32, #tpu.memory_space<vmem>>) dst(%dma_wait3A_120 : memref<10240x128xf32, #tpu.memory_space<vmem_shared>>)
    %dma_wait3A_121 = arith.constant 0 : i32
    %dma_wait3A_122 = arith.constant 0 : i32
    %dma_wait3A_123 = tpu.memref_slice %arg17[%dma_wait3A_121, %dma_wait3A_122] : memref<10240x128xf32, #tpu.memory_space<vmem_shared>> -> memref<10240x128xf32, #tpu.memory_space<vmem_shared>>
    tpu.wait_indirect_dma semaphore(%arg31 : memref<!tpu.dma_semaphore, #tpu.memory_space<semaphore_mem>>) src(%arg15 : memref<40x128xf32, #tpu.memory_space<vmem>>) dst(%dma_wait3A_123 : memref<10240x128xf32, #tpu.memory_space<vmem_shared>>)
    %dma_wait3A_124 = arith.constant 0 : i32
    %dma_wait3A_125 = arith.constant 0 : i32
    %dma_wait3A_126 = tpu.memref_slice %arg17[%dma_wait3A_124, %dma_wait3A_125] : memref<10240x128xf32, #tpu.memory_space<vmem_shared>> -> memref<10240x128xf32, #tpu.memory_space<vmem_shared>>
    tpu.wait_indirect_dma semaphore(%arg32 : memref<!tpu.dma_semaphore, #tpu.memory_space<semaphore_mem>>) src(%arg16 : memref<40x128xf32, #tpu.memory_space<vmem>>) dst(%dma_wait3A_126 : memref<10240x128xf32, #tpu.memory_space<vmem_shared>>)
    %barrier3A_127 = arith.constant 0 : index
    tpu.barrier barrier_id(%barrier3A_127)
    "tpu.region"() ({
      %run_scoped3A = tpu.sem_alloc : memref<!tpu.dma_semaphore, #tpu.memory_space<semaphore_mem>>
      %dma_start3A_128 = arith.constant 0 : i32
      %dma_start3A_129 = tpu.memref_slice %arg5[%arg0, %mul3A_0, %dma_start3A_128] : memref<2x10240x128xf32, #tpu.memory_space<hbm>> -> memref<1x640x128xf32, #tpu.memory_space<hbm>>
      %dma_start3A_130 = tpu.memref_squeeze %dma_start3A_129 : memref<1x640x128xf32, #tpu.memory_space<hbm>> -> memref<640x128xf32, #tpu.memory_space<hbm>>
      %dma_start3A_131 = arith.constant 0 : i32
      %dma_start3A_132 = tpu.memref_slice %arg17[%mul3A_0, %dma_start3A_131] : memref<10240x128xf32, #tpu.memory_space<vmem_shared>> -> memref<640x128xf32, #tpu.memory_space<vmem_shared>>
      tpu.enqueue_dma source(%dma_start3A_132 : memref<640x128xf32, #tpu.memory_space<vmem_shared>>) target(%dma_start3A_130 : memref<640x128xf32, #tpu.memory_space<hbm>>) target_semaphore(%run_scoped3A : memref<!tpu.dma_semaphore, #tpu.memory_space<semaphore_mem>>)
      %dma_wait3A_133 = arith.constant 0 : i32
      %dma_wait3A_134 = tpu.memref_slice %arg5[%arg0, %mul3A_0, %dma_wait3A_133] : memref<2x10240x128xf32, #tpu.memory_space<hbm>> -> memref<1x640x128xf32, #tpu.memory_space<hbm>>
      %dma_wait3A_135 = tpu.memref_squeeze %dma_wait3A_134 : memref<1x640x128xf32, #tpu.memory_space<hbm>> -> memref<640x128xf32, #tpu.memory_space<hbm>>
      %dma_wait3A_136 = arith.constant 0 : i32
      %dma_wait3A_137 = tpu.memref_slice %arg17[%mul3A_0, %dma_wait3A_136] : memref<10240x128xf32, #tpu.memory_space<vmem_shared>> -> memref<640x128xf32, #tpu.memory_space<vmem_shared>>
      tpu.wait_dma2 semaphore(%run_scoped3A : memref<!tpu.dma_semaphore, #tpu.memory_space<semaphore_mem>>) src(%dma_wait3A_137 : memref<640x128xf32, #tpu.memory_space<vmem_shared>>) dst(%dma_wait3A_135 : memref<640x128xf32, #tpu.memory_space<hbm>>)
      tpu.yield
    }) : () -> ()
    return
  }
}

module attributes {stable_mosaic.version = 14 : i64} {
  func.func @body(%arg0: i32, %arg1: memref<2x1000x128xf32, #tpu.memory_space<vmem>>, %arg2: memref<1000x128xf32, #tpu.memory_space<vmem>>, %arg3: memref<1000x1xf32, #tpu.memory_space<vmem>>, %arg4: memref<128x128xf32, #tpu.memory_space<vmem>>, %arg5: memref<1x128xf32, #tpu.memory_space<vmem>>, %arg6: memref<128x128xf32, #tpu.memory_space<vmem>>, %arg7: memref<1x128xf32, #tpu.memory_space<vmem>>, %arg8: memref<128x128xf32, #tpu.memory_space<vmem>>, %arg9: memref<1x128xf32, #tpu.memory_space<vmem>>, %arg10: memref<1000x128xf32, #tpu.memory_space<vmem>>, %arg11: memref<1000x128xf32, #tpu.memory_space<vmem>>) attributes {dimension_semantics = [#tpu.dimension_semantics<arbitrary>], iteration_bounds = array<i64: 10>, scalar_prefetch = 0 : i64, scratch_operands = 0 : i64, tpu.core_type = #tpu.core_type<tc>, window_params = [{transform_indices = @transform_0, window_bounds = array<i64: 2, 1000, 128>}, {transform_indices = @transform_1, window_bounds = array<i64: 1000, 128>}, {transform_indices = @transform_2, window_bounds = array<i64: 1000, 1>}, {pipeline_mode = #tpu.pipeline_mode<synchronous>, transform_indices = @transform_3, window_bounds = array<i64: 128, 128>}, {pipeline_mode = #tpu.pipeline_mode<synchronous>, transform_indices = @transform_4, window_bounds = array<i64: 1, 128>}, {pipeline_mode = #tpu.pipeline_mode<synchronous>, transform_indices = @transform_5, window_bounds = array<i64: 128, 128>}, {pipeline_mode = #tpu.pipeline_mode<synchronous>, transform_indices = @transform_6, window_bounds = array<i64: 1, 128>}, {pipeline_mode = #tpu.pipeline_mode<synchronous>, transform_indices = @transform_7, window_bounds = array<i64: 128, 128>}, {pipeline_mode = #tpu.pipeline_mode<synchronous>, transform_indices = @transform_8, window_bounds = array<i64: 1, 128>}, {transform_indices = @transform_9, window_bounds = array<i64: 1000, 128>}, {transform_indices = @transform_10, window_bounds = array<i64: 1000, 128>}]} {
    %get3A = arith.constant 0 : index
    %get3A_0 = arith.constant 0 : index
    %get3A_1 = vector.load %arg3[%get3A, %get3A_0] : memref<1000x1xf32, #tpu.memory_space<vmem>>, vector<1000x1xf32>
    %get3A_2 = arith.constant 0 : index
    %get3A_3 = arith.constant 0 : index
    %get3A_4 = arith.constant 0 : index
    %get3A_5 = vector.load %arg1[%get3A_2, %get3A_3, %get3A_4] : memref<2x1000x128xf32, #tpu.memory_space<vmem>>, vector<1x1000x128xf32>
    %get3A_6 = vector.shape_cast %get3A_5 : vector<1x1000x128xf32> to vector<1000x128xf32>
    %get3A_7 = arith.constant 1 : index
    %get3A_8 = arith.constant 0 : index
    %get3A_9 = arith.constant 0 : index
    %get3A_10 = vector.load %arg1[%get3A_7, %get3A_8, %get3A_9] : memref<2x1000x128xf32, #tpu.memory_space<vmem>>, vector<1x1000x128xf32>
    %get3A_11 = vector.shape_cast %get3A_10 : vector<1x1000x128xf32> to vector<1000x128xf32>
    %add3A = arith.addf %get3A_6, %get3A_11 : vector<1000x128xf32>
    %get3A_12 = arith.constant 0 : index
    %get3A_13 = arith.constant 0 : index
    %get3A_14 = vector.load %arg2[%get3A_12, %get3A_13] : memref<1000x128xf32, #tpu.memory_space<vmem>>, vector<1000x128xf32>
    %add3A_15 = arith.addf %add3A, %get3A_14 : vector<1000x128xf32>
    %mul3A = vector.broadcast %get3A_1 : vector<1000x1xf32> to vector<1000x128xf32>
    %mul3A_16 = arith.mulf %mul3A, %add3A_15 : vector<1000x128xf32>
    %get3A_17 = arith.constant 0 : index
    %get3A_18 = arith.constant 0 : index
    %get3A_19 = vector.load %arg4[%get3A_17, %get3A_18] : memref<128x128xf32, #tpu.memory_space<vmem>>, vector<128x128xf32>
    %dot_general3A = arith.constant dense<0.000000e+00> : vector<1000x128xf32>
    %dot_general3A_20 = tpu.matmul %mul3A_16, %get3A_19, %dot_general3A {dimension_numbers = #tpu.dot_dimension_numbers<[1], [0], [0], [1], [0, 0, 1, 1], [], []>, precision = #tpu.contract_precision<fp32>, transpose_lhs_hint = false} : vector<1000x128xf32>, vector<128x128xf32>, vector<1000x128xf32> -> vector<1000x128xf32>
    %get3A_21 = arith.constant 0 : index
    %get3A_22 = arith.constant 0 : index
    %get3A_23 = vector.load %arg5[%get3A_21, %get3A_22] : memref<1x128xf32, #tpu.memory_space<vmem>>, vector<1x128xf32>
    %add3A_24 = vector.broadcast %get3A_23 : vector<1x128xf32> to vector<1000x128xf32>
    %add3A_25 = arith.addf %dot_general3A_20, %add3A_24 : vector<1000x128xf32>
    %max3A = arith.constant 0.000000e+00 : f32
    %max3A_26 = vector.broadcast %max3A : f32 to vector<1000x128xf32>
    %max3A_27 = arith.maximumf %add3A_25, %max3A_26 : vector<1000x128xf32>
    %get3A_28 = arith.constant 0 : index
    %get3A_29 = arith.constant 0 : index
    %get3A_30 = vector.load %arg8[%get3A_28, %get3A_29] : memref<128x128xf32, #tpu.memory_space<vmem>>, vector<128x128xf32>
    %dot_general3A_31 = arith.constant dense<0.000000e+00> : vector<1000x128xf32>
    %dot_general3A_32 = tpu.matmul %max3A_27, %get3A_30, %dot_general3A_31 {dimension_numbers = #tpu.dot_dimension_numbers<[1], [0], [0], [1], [0, 0, 1, 1], [], []>, precision = #tpu.contract_precision<fp32>, transpose_lhs_hint = false} : vector<1000x128xf32>, vector<128x128xf32>, vector<1000x128xf32> -> vector<1000x128xf32>
    %get3A_33 = arith.constant 0 : index
    %get3A_34 = arith.constant 0 : index
    %get3A_35 = vector.load %arg9[%get3A_33, %get3A_34] : memref<1x128xf32, #tpu.memory_space<vmem>>, vector<1x128xf32>
    %add3A_36 = vector.broadcast %get3A_35 : vector<1x128xf32> to vector<1000x128xf32>
    %add3A_37 = arith.addf %dot_general3A_32, %add3A_36 : vector<1000x128xf32>
    %swap3A = arith.constant 0 : index
    %swap3A_38 = arith.constant 0 : index
    %swap3A_39 = vector.load %arg10[%swap3A, %swap3A_38] : memref<1000x128xf32, #tpu.memory_space<vmem>>, vector<1000x128xf32>
    tpu.vector_store %arg10[%swap3A, %swap3A_38], %add3A_37 {strides = array<i32>} : memref<1000x128xf32, #tpu.memory_space<vmem>>, vector<1000x128xf32>,
    %get3A_40 = arith.constant 0 : index
    %get3A_41 = arith.constant 0 : index
    %get3A_42 = vector.load %arg6[%get3A_40, %get3A_41] : memref<128x128xf32, #tpu.memory_space<vmem>>, vector<128x128xf32>
    %dot_general3A_43 = arith.constant dense<0.000000e+00> : vector<1000x128xf32>
    %dot_general3A_44 = tpu.matmul %mul3A_16, %get3A_42, %dot_general3A_43 {dimension_numbers = #tpu.dot_dimension_numbers<[1], [0], [0], [1], [0, 0, 1, 1], [], []>, precision = #tpu.contract_precision<fp32>, transpose_lhs_hint = false} : vector<1000x128xf32>, vector<128x128xf32>, vector<1000x128xf32> -> vector<1000x128xf32>
    %get3A_45 = arith.constant 0 : index
    %get3A_46 = arith.constant 0 : index
    %get3A_47 = vector.load %arg7[%get3A_45, %get3A_46] : memref<1x128xf32, #tpu.memory_space<vmem>>, vector<1x128xf32>
    %add3A_48 = vector.broadcast %get3A_47 : vector<1x128xf32> to vector<1000x128xf32>
    %add3A_49 = arith.addf %dot_general3A_44, %add3A_48 : vector<1000x128xf32>
    %max3A_50 = arith.constant 0.000000e+00 : f32
    %max3A_51 = vector.broadcast %max3A_50 : f32 to vector<1000x128xf32>
    %max3A_52 = arith.maximumf %add3A_49, %max3A_51 : vector<1000x128xf32>
    %get3A_53 = arith.constant 0 : index
    %get3A_54 = arith.constant 0 : index
    %get3A_55 = vector.load %arg3[%get3A_53, %get3A_54] : memref<1000x1xf32, #tpu.memory_space<vmem>>, vector<1000x1xf32>
    %mul3A_56 = vector.broadcast %get3A_55 : vector<1000x1xf32> to vector<1000x128xf32>
    %mul3A_57 = arith.mulf %mul3A_56, %max3A_52 : vector<1000x128xf32>
    %swap3A_58 = arith.constant 0 : index
    %swap3A_59 = arith.constant 0 : index
    %swap3A_60 = vector.load %arg11[%swap3A_58, %swap3A_59] : memref<1000x128xf32, #tpu.memory_space<vmem>>, vector<1000x128xf32>
    tpu.vector_store %arg11[%swap3A_58, %swap3A_59], %mul3A_57 {strides = array<i32>} : memref<1000x128xf32, #tpu.memory_space<vmem>>, vector<1000x128xf32>,
    return
  }
  func.func @transform_0(%arg0: i32) -> (i32, i32, i32) {
    %c0_i32 = arith.constant 0 : i32
    %c0_i32_0 = arith.constant 0 : i32
    %c0_i32_1 = arith.constant 0 : i32
    return %c0_i32, %arg0, %c0_i32_0 : i32, i32, i32
  }
  func.func @transform_1(%arg0: i32) -> (i32, i32) {
    %c0_i32 = arith.constant 0 : i32
    %c0_i32_0 = arith.constant 0 : i32
    return %arg0, %c0_i32 : i32, i32
  }
  func.func @transform_2(%arg0: i32) -> (i32, i32) {
    %c0_i32 = arith.constant 0 : i32
    %c0_i32_0 = arith.constant 0 : i32
    return %arg0, %c0_i32 : i32, i32
  }
  func.func @transform_3(%arg0: i32) -> (i32, i32) {
    %c0_i32 = arith.constant 0 : i32
    %c0_i32_0 = arith.constant 0 : i32
    %c0_i32_1 = arith.constant 0 : i32
    return %c0_i32, %c0_i32_0 : i32, i32
  }
  func.func @transform_4(%arg0: i32) -> (i32, i32) {
    %c0_i32 = arith.constant 0 : i32
    %c0_i32_0 = arith.constant 0 : i32
    %c0_i32_1 = arith.constant 0 : i32
    return %c0_i32, %c0_i32_0 : i32, i32
  }
  func.func @transform_5(%arg0: i32) -> (i32, i32) {
    %c0_i32 = arith.constant 0 : i32
    %c0_i32_0 = arith.constant 0 : i32
    %c0_i32_1 = arith.constant 0 : i32
    return %c0_i32, %c0_i32_0 : i32, i32
  }
  func.func @transform_6(%arg0: i32) -> (i32, i32) {
    %c0_i32 = arith.constant 0 : i32
    %c0_i32_0 = arith.constant 0 : i32
    %c0_i32_1 = arith.constant 0 : i32
    return %c0_i32, %c0_i32_0 : i32, i32
  }
  func.func @transform_7(%arg0: i32) -> (i32, i32) {
    %c0_i32 = arith.constant 0 : i32
    %c0_i32_0 = arith.constant 0 : i32
    %c0_i32_1 = arith.constant 0 : i32
    return %c0_i32, %c0_i32_0 : i32, i32
  }
  func.func @transform_8(%arg0: i32) -> (i32, i32) {
    %c0_i32 = arith.constant 0 : i32
    %c0_i32_0 = arith.constant 0 : i32
    %c0_i32_1 = arith.constant 0 : i32
    return %c0_i32, %c0_i32_0 : i32, i32
  }
  func.func @transform_9(%arg0: i32) -> (i32, i32) {
    %c0_i32 = arith.constant 0 : i32
    %c0_i32_0 = arith.constant 0 : i32
    return %arg0, %c0_i32 : i32, i32
  }
  func.func @transform_10(%arg0: i32) -> (i32, i32) {
    %c0_i32 = arith.constant 0 : i32
    %c0_i32_0 = arith.constant 0 : i32
    return %arg0, %c0_i32 : i32, i32
  }
}

module attributes {stable_mosaic.version = 14 : i64} {
  func.func @body(%arg0: i32, %arg1: memref<2x1000x128xf32, #tpu.memory_space<vmem>>, %arg2: memref<1000x128xf32, #tpu.memory_space<vmem>>, %arg3: memref<1000x1xf32, #tpu.memory_space<vmem>>, %arg4: memref<1000x128xf32, #tpu.memory_space<vmem>>) attributes {dimension_semantics = [#tpu.dimension_semantics<arbitrary>], iteration_bounds = array<i64: 10>, scalar_prefetch = 0 : i64, scratch_operands = 0 : i64, tpu.core_type = #tpu.core_type<tc>, window_params = [{transform_indices = @transform_0, window_bounds = array<i64: 2, 1000, 128>}, {transform_indices = @transform_1, window_bounds = array<i64: 1000, 128>}, {transform_indices = @transform_2, window_bounds = array<i64: 1000, 1>}, {transform_indices = @transform_3, window_bounds = array<i64: 1000, 128>}]} {
    %get3A = arith.constant 0 : index
    %get3A_0 = arith.constant 0 : index
    %get3A_1 = arith.constant 0 : index
    %get3A_2 = vector.load %arg1[%get3A, %get3A_0, %get3A_1] : memref<2x1000x128xf32, #tpu.memory_space<vmem>>, vector<1x1000x1xf32>
    %get3A_3 = vector.shape_cast %get3A_2 : vector<1x1000x1xf32> to vector<1000x1xf32>
    %get3A_4 = arith.constant 1 : index
    %get3A_5 = arith.constant 0 : index
    %get3A_6 = arith.constant 0 : index
    %get3A_7 = vector.load %arg1[%get3A_4, %get3A_5, %get3A_6] : memref<2x1000x128xf32, #tpu.memory_space<vmem>>, vector<1x1000x1xf32>
    %get3A_8 = vector.shape_cast %get3A_7 : vector<1x1000x1xf32> to vector<1000x1xf32>
    %add3A = arith.addf %get3A_3, %get3A_8 : vector<1000x1xf32>
    %add3A_9 = arith.constant 1.000000e+00 : f32
    %add3A_10 = vector.broadcast %add3A_9 : f32 to vector<1000x1xf32>
    %add3A_11 = arith.addf %add3A, %add3A_10 : vector<1000x1xf32>
    %rsqrt3A = math.rsqrt %add3A_11 : vector<1000x1xf32>
    %swap3A = arith.constant 0 : index
    %swap3A_12 = arith.constant 0 : index
    %swap3A_13 = vector.load %arg3[%swap3A, %swap3A_12] : memref<1000x1xf32, #tpu.memory_space<vmem>>, vector<1000x1xf32>
    tpu.vector_store %arg3[%swap3A, %swap3A_12], %rsqrt3A {strides = array<i32>} : memref<1000x1xf32, #tpu.memory_space<vmem>>, vector<1000x1xf32>,
    %get3A_14 = arith.constant 0 : index
    %get3A_15 = arith.constant 0 : index
    %get3A_16 = vector.load %arg2[%get3A_14, %get3A_15] : memref<1000x128xf32, #tpu.memory_space<vmem>>, vector<1000x128xf32>
    %mul3A = vector.broadcast %rsqrt3A : vector<1000x1xf32> to vector<1000x128xf32>
    %mul3A_17 = arith.mulf %get3A_16, %mul3A : vector<1000x128xf32>
    %swap3A_18 = arith.constant 0 : index
    %swap3A_19 = arith.constant 0 : index
    %swap3A_20 = vector.load %arg4[%swap3A_18, %swap3A_19] : memref<1000x128xf32, #tpu.memory_space<vmem>>, vector<1000x128xf32>
    tpu.vector_store %arg4[%swap3A_18, %swap3A_19], %mul3A_17 {strides = array<i32>} : memref<1000x128xf32, #tpu.memory_space<vmem>>, vector<1000x128xf32>,
    return
  }
  func.func @transform_0(%arg0: i32) -> (i32, i32, i32) {
    %c0_i32 = arith.constant 0 : i32
    %c0_i32_0 = arith.constant 0 : i32
    %c0_i32_1 = arith.constant 0 : i32
    return %c0_i32, %arg0, %c0_i32_0 : i32, i32, i32
  }
  func.func @transform_1(%arg0: i32) -> (i32, i32) {
    %c0_i32 = arith.constant 0 : i32
    %c0_i32_0 = arith.constant 0 : i32
    return %arg0, %c0_i32 : i32, i32
  }
  func.func @transform_2(%arg0: i32) -> (i32, i32) {
    %c0_i32 = arith.constant 0 : i32
    %c0_i32_0 = arith.constant 0 : i32
    return %arg0, %c0_i32 : i32, i32
  }
  func.func @transform_3(%arg0: i32) -> (i32, i32) {
    %c0_i32 = arith.constant 0 : i32
    %c0_i32_0 = arith.constant 0 : i32
    return %arg0, %c0_i32 : i32, i32
  }
}

module attributes {stable_mosaic.version = 14 : i64} {
  func.func @body(%arg0: i32, %arg1: memref<2x1000x128xf32, #tpu.memory_space<vmem>>, %arg2: memref<1000x128xf32, #tpu.memory_space<vmem>>, %arg3: memref<1000x1xf32, #tpu.memory_space<vmem>>, %arg4: memref<128x128xf32, #tpu.memory_space<vmem>>, %arg5: memref<1x128xf32, #tpu.memory_space<vmem>>, %arg6: memref<128x128xf32, #tpu.memory_space<vmem>>, %arg7: memref<1000x128xf32, #tpu.memory_space<vmem>>, %arg8: memref<1000x128xf32, #tpu.memory_space<vmem>>) attributes {dimension_semantics = [#tpu.dimension_semantics<arbitrary>], iteration_bounds = array<i64: 10>, scalar_prefetch = 0 : i64, scratch_operands = 0 : i64, tpu.core_type = #tpu.core_type<tc>, window_params = [{transform_indices = @transform_0, window_bounds = array<i64: 2, 1000, 128>}, {transform_indices = @transform_1, window_bounds = array<i64: 1000, 128>}, {transform_indices = @transform_2, window_bounds = array<i64: 1000, 1>}, {pipeline_mode = #tpu.pipeline_mode<synchronous>, transform_indices = @transform_3, window_bounds = array<i64: 128, 128>}, {pipeline_mode = #tpu.pipeline_mode<synchronous>, transform_indices = @transform_4, window_bounds = array<i64: 1, 128>}, {pipeline_mode = #tpu.pipeline_mode<synchronous>, transform_indices = @transform_5, window_bounds = array<i64: 128, 128>}, {transform_indices = @transform_6, window_bounds = array<i64: 1000, 128>}, {transform_indices = @transform_7, window_bounds = array<i64: 1000, 128>}]} {
    %get3A = arith.constant 0 : index
    %get3A_0 = arith.constant 0 : index
    %get3A_1 = vector.load %arg3[%get3A, %get3A_0] : memref<1000x1xf32, #tpu.memory_space<vmem>>, vector<1000x1xf32>
    %get3A_2 = arith.constant 0 : index
    %get3A_3 = arith.constant 0 : index
    %get3A_4 = arith.constant 0 : index
    %get3A_5 = vector.load %arg1[%get3A_2, %get3A_3, %get3A_4] : memref<2x1000x128xf32, #tpu.memory_space<vmem>>, vector<1x1000x128xf32>
    %get3A_6 = vector.shape_cast %get3A_5 : vector<1x1000x128xf32> to vector<1000x128xf32>
    %get3A_7 = arith.constant 1 : index
    %get3A_8 = arith.constant 0 : index
    %get3A_9 = arith.constant 0 : index
    %get3A_10 = vector.load %arg1[%get3A_7, %get3A_8, %get3A_9] : memref<2x1000x128xf32, #tpu.memory_space<vmem>>, vector<1x1000x128xf32>
    %get3A_11 = vector.shape_cast %get3A_10 : vector<1x1000x128xf32> to vector<1000x128xf32>
    %add3A = arith.addf %get3A_6, %get3A_11 : vector<1000x128xf32>
    %get3A_12 = arith.constant 0 : index
    %get3A_13 = arith.constant 0 : index
    %get3A_14 = vector.load %arg2[%get3A_12, %get3A_13] : memref<1000x128xf32, #tpu.memory_space<vmem>>, vector<1000x128xf32>
    %add3A_15 = arith.addf %add3A, %get3A_14 : vector<1000x128xf32>
    %mul3A = vector.broadcast %get3A_1 : vector<1000x1xf32> to vector<1000x128xf32>
    %mul3A_16 = arith.mulf %mul3A, %add3A_15 : vector<1000x128xf32>
    %get3A_17 = arith.constant 0 : index
    %get3A_18 = arith.constant 0 : index
    %get3A_19 = vector.load %arg4[%get3A_17, %get3A_18] : memref<128x128xf32, #tpu.memory_space<vmem>>, vector<128x128xf32>
    %dot_general3A = arith.constant dense<0.000000e+00> : vector<1000x128xf32>
    %dot_general3A_20 = tpu.matmul %mul3A_16, %get3A_19, %dot_general3A {dimension_numbers = #tpu.dot_dimension_numbers<[1], [0], [0], [1], [0, 0, 1, 1], [], []>, precision = #tpu.contract_precision<fp32>, transpose_lhs_hint = false} : vector<1000x128xf32>, vector<128x128xf32>, vector<1000x128xf32> -> vector<1000x128xf32>
    %get3A_21 = arith.constant 0 : index
    %get3A_22 = arith.constant 0 : index
    %get3A_23 = vector.load %arg5[%get3A_21, %get3A_22] : memref<1x128xf32, #tpu.memory_space<vmem>>, vector<1x128xf32>
    %add3A_24 = vector.broadcast %get3A_23 : vector<1x128xf32> to vector<1000x128xf32>
    %add3A_25 = arith.addf %dot_general3A_20, %add3A_24 : vector<1000x128xf32>
    %max3A = arith.constant 0.000000e+00 : f32
    %max3A_26 = vector.broadcast %max3A : f32 to vector<1000x128xf32>
    %max3A_27 = arith.maximumf %add3A_25, %max3A_26 : vector<1000x128xf32>
    %get3A_28 = arith.constant 0 : index
    %get3A_29 = arith.constant 0 : index
    %get3A_30 = vector.load %arg7[%get3A_28, %get3A_29] : memref<1000x128xf32, #tpu.memory_space<vmem>>, vector<1000x128xf32>
    %get3A_31 = arith.constant 0 : index
    %get3A_32 = arith.constant 0 : index
    %get3A_33 = vector.load %arg6[%get3A_31, %get3A_32] : memref<128x128xf32, #tpu.memory_space<vmem>>, vector<128x128xf32>
    %dot_general3A_34 = arith.constant dense<0.000000e+00> : vector<1000x128xf32>
    %dot_general3A_35 = tpu.matmul %max3A_27, %get3A_33, %dot_general3A_34 {dimension_numbers = #tpu.dot_dimension_numbers<[1], [0], [0], [1], [0, 0, 1, 1], [], []>, precision = #tpu.contract_precision<fp32>, transpose_lhs_hint = false} : vector<1000x128xf32>, vector<128x128xf32>, vector<1000x128xf32> -> vector<1000x128xf32>
    %add3A_36 = arith.addf %get3A_30, %dot_general3A_35 : vector<1000x128xf32>
    %swap3A = arith.constant 0 : index
    %swap3A_37 = arith.constant 0 : index
    %swap3A_38 = vector.load %arg8[%swap3A, %swap3A_37] : memref<1000x128xf32, #tpu.memory_space<vmem>>, vector<1000x128xf32>
    tpu.vector_store %arg8[%swap3A, %swap3A_37], %add3A_36 {strides = array<i32>} : memref<1000x128xf32, #tpu.memory_space<vmem>>, vector<1000x128xf32>,
    return
  }
  func.func @transform_0(%arg0: i32) -> (i32, i32, i32) {
    %c0_i32 = arith.constant 0 : i32
    %c0_i32_0 = arith.constant 0 : i32
    %c0_i32_1 = arith.constant 0 : i32
    return %c0_i32, %arg0, %c0_i32_0 : i32, i32, i32
  }
  func.func @transform_1(%arg0: i32) -> (i32, i32) {
    %c0_i32 = arith.constant 0 : i32
    %c0_i32_0 = arith.constant 0 : i32
    return %arg0, %c0_i32 : i32, i32
  }
  func.func @transform_2(%arg0: i32) -> (i32, i32) {
    %c0_i32 = arith.constant 0 : i32
    %c0_i32_0 = arith.constant 0 : i32
    return %arg0, %c0_i32 : i32, i32
  }
  func.func @transform_3(%arg0: i32) -> (i32, i32) {
    %c0_i32 = arith.constant 0 : i32
    %c0_i32_0 = arith.constant 0 : i32
    %c0_i32_1 = arith.constant 0 : i32
    return %c0_i32, %c0_i32_0 : i32, i32
  }
  func.func @transform_4(%arg0: i32) -> (i32, i32) {
    %c0_i32 = arith.constant 0 : i32
    %c0_i32_0 = arith.constant 0 : i32
    %c0_i32_1 = arith.constant 0 : i32
    return %c0_i32, %c0_i32_0 : i32, i32
  }
  func.func @transform_5(%arg0: i32) -> (i32, i32) {
    %c0_i32 = arith.constant 0 : i32
    %c0_i32_0 = arith.constant 0 : i32
    %c0_i32_1 = arith.constant 0 : i32
    return %c0_i32, %c0_i32_0 : i32, i32
  }
  func.func @transform_6(%arg0: i32) -> (i32, i32) {
    %c0_i32 = arith.constant 0 : i32
    %c0_i32_0 = arith.constant 0 : i32
    return %arg0, %c0_i32 : i32, i32
  }
  func.func @transform_7(%arg0: i32) -> (i32, i32) {
    %c0_i32 = arith.constant 0 : i32
    %c0_i32_0 = arith.constant 0 : i32
    return %arg0, %c0_i32 : i32, i32
  }
}

</mosaic_0001>

<sc_bundles>
// kernel: kernel.11.cloned.1.call-start
scs
__scs_entry_jumppad:
0x0: {  	(pc) =	sbr.rel $0x88, $3  }
0x1: {  	(tag) =	ssettag $0x0;
	lr =	simm.s32 $0x1  }
0x2: {  	[smem:$0x3F97] =	sst lr;
	_ =	strace $0xD0000000  }
0x3: {  	_ = 	snop  }
0x4: {  	_ = 	snop  }
0x5: {  	_ = 	snop  }
0x6: {  	_ = 	snop  }
0x7: {  	_ = 	snop  }
__scs_overlays_trampoline_lowered:
0x8: {  	[smem:$0x3FA6] =	sst s0  }
0x9: {  	[smem:$0x3FA7] =	sst s1  }
0xa: {  	[smem:$0x3FA8] =	sst s2  }
0xb: {  	[smem:$0x3FA9] =	sst s3  }
0xc: {  	[smem:$0x3FAA] =	sst s4  }
0xd: {  	[smem:$0x3FAB] =	sst s5  }
0xe: {  	[smem:$0x3FAC] =	sst s6  }
0xf: {  	[smem:$0x3FAD] =	sst s7  }
0x10: {  	[smem:$0x3FAE] =	sst s8  }
0x11: {  	[smem:$0x3FAF] =	sst s9;
	s0 =	simm.s32 @!p0 $0x0  }
0x12: {  	s1 =	sld [smem:$0x3F95];
	s0 =	simm.s32 @p0 $0x1  }
0x13: {  	[smem:$0x3FB0] =	sst s0;
	s0 =	simm.s32 @!p1 $0x0  }
0x14: {  	s2 =	sld [smem:$0x3F94];
	s0 =	simm.s32 @p1 $0x1  }
0x15: {  	[smem:$0x3FB1] =	sst s0;
	s0 =	simm.s32 @!p2 $0x0  }
0x16: {  	s3 =	sld [smem:$0x3FDB];
	s0 =	simm.s32 @p2 $0x1  }
0x17: {  	s4 =	simm.s32 $0x1BF5;
	[smem:$0x3FB3] =	sst s0  }
0x18: {  	s0 =	sld [smem:$0x3F96];
	_ =	swait.ge [sflag:s4], $0x0  }
0x19: {  	s7 =	sld [smem:$0x3F97]  }
0x1a: {  	s8 =	sadd.s32 $0xFFFFE003, lr  }
0x1b: {  	s9 =	sadd.s32 $0xFFFFFEF7, lr;
	s5 =	simm.s32 $0xFFFFFFFF;
	p2 =	slt.u32 s8, $0xFFFFF086  }
0x1c: {  	p1 =	slt.u32 s9, $0xF7A;
	s5 =	simm.s32 @!p2 $0x0  }
0x1d: {  	s5 =	simm.s32 @p1 $0x1;
	p0 =	seq.s32 s7, s2  }
0x1e: {  	s7 =	smul.u32 @!p0 $0xF7A, s2;
	p2 =	seq.s32 @!p0 s5, $0x0  }
0x1f: {  	s9 =	smul.u32 $0xF7A, s1;
	s8 =	simm.s32 @!p0 $0x1BF5;
	p2 =	por !p2, p0  }
0x20: {  	[sflag:s8] =	ssyncset.s32 @!p0 $0xFFFFF086;
	s6 =	sadd.s32 @!p0 s3, s7;
	s7 =	simm.s32 @!p0 $0x108  }
0x21: {  	s3 =	sadd.s32 s3, s9;
	s6 =	sadd.s32 @!p0 $0x88, s6;
	s7 =	simm.s32 @p2 $0x1082  }
0x22: {  	[simem:s7], [sflag:s8] =	dma.local @!p0 [hbm:s6], $0xF7A  }
0x23: {  	s9 =	sor.u32 $0xD0000000, s2;
	s6 =	simm.s32 $0x108;
	_ =	swait.ge @!p0 [sflag:s8], $0x0  }
0x24: {  	s3 =	sadd.s32 $0x88, s3;
	s6 =	simm.s32 @!p1 $0x1082;
	[sflag:s4] =	ssyncset.s32 $0xFFFFF086  }
0x25: {  	[simem:s6], [sflag:s4] =	dma.local [hbm:s3], $0xF7A  }
0x26: {  	[smem:$0x3F97] =	sst s1;
	(tag) =	ssettag s2;
	_ =	strace s9  }
0x27: {  	s1 =	sld [smem:$0x3FA7]  }
0x28: {  	s2 =	sld [smem:$0x3FA8]  }
0x29: {  	s4 =	sld [smem:$0x3FAA]  }
0x2a: {  	p0 =	seq.s32 s5, $0x0;
	s5 =	sld [smem:$0x3FAB]  }
0x2b: {  	s6 =	sld [smem:$0x3FAC]  }
0x2c: {  	s7 =	sld [smem:$0x3FAD]  }
0x2d: {  	s3 =	simm.s32 $0x108;
	s8 =	sld [smem:$0x3FAE]  }
0x2e: {  	s3 =	simm.s32 @!p0 $0x1082;
	s9 =	sld [smem:$0x3FAF]  }
0x2f: {  	lr =	sadd.s32 s0, s3;
	s0 =	sld [smem:$0x3FA6]  }
0x30: {  	s3 =	sld [smem:$0x3FA9]  }
0x31: {  	[smem:$0x3FB2] =	sst s10  }
0x32: {  	s10 =	sld [smem:$0x3FB0];
	_ =	sdelay $0x3  }
0x33: {  	p0 =	seq.s32 s10, $0x1;
	s10 =	sld [smem:$0x3FB2];
	_ =	sdelay $0x3  }
0x34: {  	[smem:$0x3FB2] =	sst s10  }
0x35: {  	s10 =	sld [smem:$0x3FB1];
	_ =	sdelay $0x3  }
0x36: {  	p1 =	seq.s32 s10, $0x1;
	s10 =	sld [smem:$0x3FB2];
	_ =	sdelay $0x3  }
0x37: {  	[smem:$0x3FB2] =	sst s10  }
0x38: {  	s10 =	sld [smem:$0x3FB3]  }
0x39: {  	_ = 	snop;
	(pc) =	sbr.ind lr, $3  }
0x3a: {  	_ = 	snop  }
0x3b: {  	_ = 	snop  }
0x3c: {  	p2 =	seq.s32 s10, $0x1;
	s10 =	sld [smem:$0x3FB2]  }
0x3d: {  	_ =	shalt  }
0x3e: {  	_ =	shalt  }
0x3f: {  	_ =	shalt  }
0x40: {  	_ =	shalt  }
0x41: {  	_ =	shalt  }
0x42: {  	_ =	shalt  }
0x43: {  	_ =	shalt  }
0x44: {  	_ =	shalt  }
0x45: {  	_ =	shalt  }
0x46: {  	_ =	shalt  }
0x47: {  	_ =	shalt  }
0x48: {  	_ =	shalt  }
0x49: {  	_ =	shalt  }
0x4a: {  	_ =	shalt  }
0x4b: {  	_ =	shalt  }
0x4c: {  	_ =	shalt  }
0x4d: {  	_ =	shalt  }
0x4e: {  	_ =	shalt  }
0x4f: {  	_ =	shalt  }
0x50: {  	_ =	shalt  }
0x51: {  	_ =	shalt  }
0x52: {  	_ =	shalt  }
0x53: {  	_ =	shalt  }
0x54: {  	_ =	shalt  }
0x55: {  	_ =	shalt  }
0x56: {  	_ =	shalt  }
0x57: {  	_ =	shalt  }
0x58: {  	_ =	shalt  }
0x59: {  	_ =	shalt  }
0x5a: {  	_ =	shalt  }
0x5b: {  	_ =	shalt  }
0x5c: {  	_ =	shalt  }
0x5d: {  	_ =	shalt  }
0x5e: {  	_ =	shalt  }
0x5f: {  	_ =	shalt  }
0x60: {  	_ =	shalt  }
0x61: {  	_ =	shalt  }
0x62: {  	_ =	shalt  }
0x63: {  	_ =	shalt  }
0x64: {  	_ =	shalt  }
0x65: {  	_ =	shalt  }
0x66: {  	_ =	shalt  }
0x67: {  	_ =	shalt  }
0x68: {  	_ =	shalt  }
0x69: {  	_ =	shalt  }
0x6a: {  	_ =	shalt  }
0x6b: {  	_ =	shalt  }
0x6c: {  	_ =	shalt  }
0x6d: {  	_ =	shalt  }
0x6e: {  	_ =	shalt  }
0x6f: {  	_ =	shalt  }
0x70: {  	_ =	shalt  }
0x71: {  	_ =	shalt  }
0x72: {  	_ =	shalt  }
0x73: {  	_ =	shalt  }
0x74: {  	_ =	shalt  }
0x75: {  	_ =	shalt  }
0x76: {  	_ =	shalt  }
0x77: {  	_ =	shalt  }
0x78: {  	_ =	shalt  }
0x79: {  	_ =	shalt  }
0x7a: {  	_ =	shalt  }
0x7b: {  	_ =	shalt  }
0x7c: {  	_ =	shalt  }
0x7d: {  	_ =	shalt  }
0x7e: {  	_ =	shalt  }
0x7f: {  	_ =	shalt  }
0x80: {  	_ =	shalt  }
0x81: {  	_ =	shalt  }
0x82: {  	_ =	shalt  }
0x83: {  	_ =	shalt  }
0x84: {  	_ =	shalt  }
0x85: {  	_ =	shalt  }
0x86: {  	_ =	shalt  }
0x87: {  	_ =	shalt  }
.Lfunc_end0:
.L_simem_size_0:
called_computation.1_lowered:
.L_overlay_start_0:
0x88: {  	s2 =	sld [smem:$0x3FD9]  }
0x89: {  	s3 =	sld [smem:$0x3FFE];
	_ =	sdelay $0x1  }
0x8a: {  	s1 =	srdreg.scid  }
0x8b: {  	s0 =	sand.u32 $0x1, s1  }
0x8c: {  	s17 =	sshll.u32 s0, $0xA;
	s2 =	sadd.s32 s3, s2  }
0x8d: {  	s2 =	sadd.s32 s2, s17  }
0x8e: {  	[smem:$0x3FBE] =	sst s2  }
0x8f: {  	_ = 	snop  }
0x90: {  	s2 =	sld [smem:$0x3FD0];
	(tm) =	ssettm $0x1  }
0x91: {  	s18 =	sld [smem:$0x3FFB];
	_ =	sdelay $0x3  }
0x92: {  	_ =	strace s18  }
0x93: {  	s3 =	sld [smem:$0x3FFC];
	_ =	sdelay $0x3  }
0x94: {  	_ =	strace s3  }
0x95: {  	s3 =	sld [smem:$0x3FFD];
	_ =	sdelay $0x3  }
0x96: {  	_ =	strace s3  }
0x97: {  	_ =	strace $0x8FFFFFFF  }
0x98: {  	s19 =	sld [smem:$0x3FDB];
	_ =	sdelay $0x1  }
0x99: {  	s4 =	simm.s32 $_scs_section_size  }
0x9a: {  	s5 =	simm.s32 $_size__tile_overlayer_lowered;
	s6 =	simm.s32 $_tile_overlayer_lowered  }
0x9b: {  	s22 =	simm.s32 $0x1BFF;
	s21 =	sshll.u32 s6, $0x1;
	s3 =	sadd.s32 s4, s19  }
0x9c: {  	s7 =	simm.s32 $0x0;
	s20 =	sshll.u32 s5, $0x1;
	s5 =	sadd.s32 s21, s3  }
0x9d: {  	[timem:s7], [sflag:s22] =	dma.local [hbm:s5], s20  }
0x9e: {  	_ =	swait.ge [sflag:s22], s20  }
0x9f: {  	s4 =	ssub.s32 $0x0, s20;
	[sflag:s22] =	ssyncset.done $0x0  }
0xa0: {  	[sflag:s22] =	ssyncadd.s32 s4;
	_ =	sdelay $0x1  }
0xa1: {  	s23 =	simm.s32 $0x1B8B  }
0xa2: {  	_ =	swait.ge [sflag:s23], $0x1  }
0xa3: {  	[sflag:s23] =	ssyncset.done $0x0  }
0xa4: {  	s25 =	simm.s32 $0x1B8E;
	s24 =	sld [smem:$0x3FFE];
	[sflag:s23] =	ssyncadd.s32 $0xFFFFFFFF  }
0xa5: {  	s26 =	simm.s32 $execute0_lowered;
	[smem:$0x3FD2] =	sst s25  }
0xa6: {  	s5 =	sshll.u32 s26, $0x1;
	_ =	strace $0x80000049;
	[dreg:$0x1] =	wrdreg $0xFFFFFFFF  }
0xa7: {  	s28 =	simm.s32 $_size_execute0_lowered;
	s3 =	sadd.s32 s3, s5;
	[dreg:$0x0] =	wrdreg $0x0  }
0xa8: {  	s5 =	sshll.u32 s28, $0x1;
	[dreg:$0x2] =	wrdreg s3  }
0xa9: {  	[dreg:$0x3] =	wrdreg s5  }
0xaa: {  	[dreg:$0x4] =	wrdreg $0xC0  }
0xab: {  	_ =	task [dreg:s7], $0x5FFFF  }
0xac: {  	[dreg:$0x1] =	wrdreg $0xFFFFFFFF  }
0xad: {  	[dreg:$0x0] =	wrdreg $0x60  }
0xae: {  	[dreg:$0x2] =	wrdreg s2  }
0xaf: {  	[dreg:$0x3] =	wrdreg s24  }
0xb0: {  	[dreg:$0x4] =	wrdreg $0x8E000  }
0xb1: {  	[dreg:$0x5] =	wrdreg $0x9  }
0xb2: {  	_ =	task.clear_ibuf [dreg:s7], $0x6FFFF;
	_ =	strace $0x90000049  }
0xb3: {  	s29 =	simm.s32 $0x9;
	_ =	strace $0x8000004B  }
0xb4: {  	_ =	swait.ge [sflag:s29], $0x1  }
0xb5: {  	[sflag:s29] =	ssyncadd.s32 $0xFFFFFFFF  }
0xb6: {  	_ =	strace $0x9000004B  }
0xb7: {  	_ =	sfence  }
0xb8: {  	s30 =	sld [smem:$0x0];
	_ =	sdelay $0x2  }
0xb9: {  	s31 =	sshll.u32 s1, $0xD;
	s1 =	sshrl.u32 s1, $0x2  }
0xba: {  	s3 =	sand.u32 $0x4000, s31;
	s1 =	sadd.s32 s1, s30  }
0xbb: {  	s0 =	sor.u32 s3, s0;
	s1 =	sshll.u32 s1, $0x11  }
0xbc: {  	s0 =	sor.u32 s1, s0  }
0xbd: {  	s0 =	sadd.s32 $0x8F2B, s0  }
0xbe: {  	[sflag:s0] =	ssyncadd.remote.s32 $0x1  }
0xbf: {  	_ =	sfence.sel $0xFFFF  }
0xc0: {  	[dreg:$0x0] =	wrdreg $0xFFFFFFFF;
	(pc) =	sbr.abs _section_cstart, $3  }
0xc1: {  	[dreg:$0x1] =	wrdreg $0xFFFFFFFF  }
0xc2: {  	_ =	task.clear_ibuf [dreg:s7], $0x2FFFF;
	_ =	strace $0x9FFFFFFF  }
0xc3: {  	(tm) =	ssettm $0x7FFFFFFF  }
tec
execute0_lowered:
.L_overlay_start_1:
0x0: {  	(tag) =	ssettag $0x1  }
0x1: {  	s9 =	stileid.u32  }
0x2: {  	s0 =	srdreg.scid;
	s6 =	smul.u32 $0x2710, s9  }
0x3: {  	s5 =	rddreg [dreg:$0x1];
	s0 =	sand.u32 $0x1, s0;
	s8 =	smul.u32 $0x14000, s9  }
0x4: {  	s20 =	rddreg [dreg:$0x2];
	s4 =	simm.s32 $0x0;
	s2 =	smul.u32 $0x27100, s0  }
0x5: {  	[smem:$0x7FF] =	sst s4;
	s29 =	sadd.s32 $0xC800, s5;
	s7 =	smul.u32 $0x140000, s0  }
0x6: {  	_ =	strace $0x8000004A;
	s0 =	ssub.s32 $0x2, s0;
	[dreg:$0x4] =	wrdreg s29  }
0x7: {  	s17 =	sshrl.u32 s0, $0x1;
	s2 =	sadd.s32 s6, s2;
	s7 =	sadd.s32 s8, s7  }
0x8: {  	s0 =	ssub.s32 s0, s17;
	s6 =	sshrl.u32 s2, $0x3;
	s7 =	sshrl.u32 s7, $0x3  }
0x9: {  	s19 =	sadd.s32 $0x28, s2;
	s0 =	smax.u32 s0, $0x1;
	s16 =	sadd.s32 s6, s5  }
0xa: {  	s5 =	sadd.s32 s7, s5;
	s11 =	sadd.s32 s29, s6;
	[dreg:$0xd] =	wrdreg s0  }
0xb: {  	s7 =	sshrl.u32 s19, $0x3;
	s18 =	sadd.s32 $0x2A00, s16;
	[dreg:$0x6] =	wrdreg s11  }
0xc: {  	s21 =	sadd.s32 $0x78, s2;
	s22 =	sadd.s32 s29, s7;
	[dreg:$0x5] =	wrdreg s18  }
0xd: {  	s23 =	sshrl.u32 s21, $0x3;
	s24 =	sadd.s32 $0xA, s11;
	[dreg:$0x7] =	wrdreg s22  }
0xe: {  	s6 =	sadd.s32 s29, s23;
	[dreg:$0x8] =	wrdreg s24  }
0xf: {  	s9 =	smul.u32 $0x50000, s9;
	s26 =	sadd.s32 $0x14, s11;
	[dreg:$0x9] =	wrdreg s6  }
0x10: {  	s5 =	sadd.s32 $0x16600, s5;
	[dreg:$0xa] =	wrdreg s26  }
0x11: {  	s25 =	sshrl.u32 s9, $0x2;
	s16 =	sadd.s32 $0xC8, s2;
	[dreg:$0xb] =	wrdreg s5  }
0x12: {  	s11 =	sadd.s32 s25, s20;
	[dreg:$0x18] =	wrdreg s16  }
0x13: {  	s1 =	sadd.s32 $0x1400, s11;
	[dreg:$0xc] =	wrdreg s11  }
0x14: {  	s28 =	simm.s32 $0x6600;
	s3 =	sadd.s32 $0x2800, s11;
	[dreg:$0xe] =	wrdreg s1  }
0x15: {  	s30 =	simm.s32 $0xB;
	s5 =	sadd.s32 $0x3C00, s11;
	[dreg:$0xf] =	wrdreg s3  }
0x16: {  	s31 =	simm.s32 $0xD;
	s6 =	sadd.s32 $0x5000, s11;
	[dreg:$0x10] =	wrdreg s5  }
0x17: {  	s10 =	sadd.s32 $0x140, s2;
	s8 =	sadd.s32 $0x6400, s11;
	[dreg:$0x11] =	wrdreg s6  }
0x18: {  	s12 =	sadd.s32 $0x118, s2;
	s9 =	sadd.s32 $0x7800, s11;
	[dreg:$0x12] =	wrdreg s8  }
0x19: {  	s13 =	sadd.s32 $0xF0, s2;
	s17 =	sadd.s32 $0x8C00, s11;
	[dreg:$0x13] =	wrdreg s9  }
0x1a: {  	s15 =	sshrl.u32 s13, $0x3;
	s18 =	sadd.s32 $0xA000, s11;
	[dreg:$0x19] =	wrdreg s17  }
0x1b: {  	s13 =	simm.s32 $0x9;
	s19 =	sadd.s32 $0xB400, s11;
	[dreg:$0x1a] =	wrdreg s18  }
0x1c: {  	s7 =	sadd.s32 $0x168, s2;
	s21 =	sadd.s32 $0xC800, s11;
	[dreg:$0x1b] =	wrdreg s19  }
0x1d: {  	s2 =	simm.s32 $0x2980;
	s22 =	sadd.s32 $0xDC00, s11;
	[dreg:$0x1c] =	wrdreg s21  }
0x1e: {  	s0 =	sshrl.u32 s7, $0x3;
	s23 =	sadd.s32 $0xF000, s11;
	[dreg:$0x1d] =	wrdreg s22  }
0x1f: {  	s24 =	sadd.s32 $0x10400, s11;
	s25 =	sadd.s32 $0x11800, s11;
	[dreg:$0x1e] =	wrdreg s23  }
0x20: {  	s26 =	sadd.s32 $0x12C00, s11;
	s16 =	simm.s32 $0x2780;
	[dreg:$0x1f] =	wrdreg s24  }
0x21: {  	s7 =	simm.s32 $0x3E00;
	s0 =	sadd.s32 s0, s29;
	[smem:$0x7FC] =	sst s25  }
0x22: {  	s5 =	sshrl.u32 s12, $0x3;
	[smem:$0x7FD] =	sst s26;
	s12 =	simm.s32 $0x28  }
0x23: {  	s17 =	simm.s32 $0x2800;
	s19 =	simm.s32 $0x5200;
	s26 =	simm.s32 $0x2900  }
0x24: {  	s3 =	simm.s32 $0x2;
	s21 =	simm.s32 $0x7;
	s22 =	simm.s32 $0x3  }
0x25: {  	s23 =	simm.s32 $0x8;
	s24 =	simm.s32 $0x4;
	s18 =	simm.s32 $0x5  }
0x26: {  	s25 =	simm.s32 $0xA;
	s1 =	simm.s32 $0xC;
	s6 =	simm.s32 $0x0  }
0x27: {  	[dreg:$0x14] =	wrdreg s0;
	s0 =	sshrl.u32 s10, $0x3;
	s14 =	sadd.s32 s5, s29  }
0x28: {  	s10 =	simm.s32 $0x2880;
	s0 =	sadd.s32 s0, s29;
	[dreg:$0x16] =	wrdreg s14  }
0x29: {  	s14 =	simm.s32 $0x2A00;
	[dreg:$0x15] =	wrdreg s0;
	s0 =	sadd.s32 s15, s29  }
0x2a: {  	v0 =	vimm.f32 $0.0e+00;
	s15 =	simm.s32 $0x10;
	[dreg:$0x17] =	wrdreg s0;
	s0 =	simm.s32 $0x7A00  }
.LBB2_1:
0x2b: {  	[smem:$0x7FB] =	sst s6;
	s5 =	simm.s32 $0x70;
	s9 =	simm.s32 $0x3C0  }
.LBB2_2:
0x2c: {  	p0 =	sne.s32 s9, $0x4FC0;
	[tilespmem:s5+$0x2A00] =	vst v0  }
0x2d: {  	[tilespmem:s5+$0x2990] =	vst v0  }
0x2e: {  	[tilespmem:s5+$0x29A0] =	vst v0  }
.Ltmp0:
0x2f: {  	[tilespmem:s5+$0x29B0] =	vst v0;
	(pc) =	sbr.rel @p0 .LBB2_2-.Ltmp0, $4  }
0x30: {  	[tilespmem:s5+$0x29C0] =	vst v0  }
0x31: {  	[tilespmem:s5+$0x29D0] =	vst v0  }
0x32: {  	[tilespmem:s5+$0x29E0] =	vst v0  }
0x33: {  	[tilespmem:s5+$0x29F0] =	vst v0;
	s5 =	sshra.s32 s9, $0x2;
	s9 =	sadd.s32 $0x200, s9  }
0x34: {  	[tilespmem:s5+$0x2A00] =	vst v0  }
0x35: {  	[tilespmem:s5+$0x2990] =	vst v0  }
0x36: {  	[tilespmem:s5+$0x29A0] =	vst v0  }
0x37: {  	[tilespmem:s5+$0x29B0] =	vst v0  }
0x38: {  	[tilespmem:s5+$0x29C0] =	vst v0  }
0x39: {  	[tilespmem:s5+$0x29D0] =	vst v0  }
0x3a: {  	[tilespmem:s5+$0x29E0] =	vst v0  }
0x3b: {  	[tilespmem:s5+$0x29F0] =	vst v0  }
0x3c: {  	[spmem:s11] =	stream.linear.scatter [tilespmem:s14], [sflag:$0x10], $0x1400, $0x38;
	[tilespmem:$0x1CE00] =	vst v63  }
0x3d: {  	_ =	swait.ge [sflag:s15], $0x1400  }
0x3e: {  	[sflag:s15] =	ssyncset.done $0x0  }
0x3f: {  	s8 =	rddreg [dreg:$0xe];
	[sflag:s15] =	ssyncadd.s32 $0xFFFFEC00  }
0x40: {  	[spmem:s8] =	stream.linear.scatter [tilespmem:s14], [sflag:$0x10], $0x1400, $0x38;
	[tilespmem:$0x1CE00] =	vst v63  }
0x41: {  	_ =	swait.ge [sflag:s15], $0x1400  }
0x42: {  	[sflag:s15] =	ssyncset.done $0x0  }
0x43: {  	s9 =	rddreg [dreg:$0xf];
	[sflag:s15] =	ssyncadd.s32 $0xFFFFEC00  }
0x44: {  	[spmem:s9] =	stream.linear.scatter [tilespmem:s14], [sflag:$0x10], $0x1400, $0x38;
	[tilespmem:$0x1CE00] =	vst v63  }
0x45: {  	_ =	swait.ge [sflag:s15], $0x1400  }
0x46: {  	[sflag:s15] =	ssyncset.done $0x0  }
0x47: {  	s11 =	rddreg [dreg:$0x10];
	[sflag:s15] =	ssyncadd.s32 $0xFFFFEC00  }
0x48: {  	[spmem:s11] =	stream.linear.scatter [tilespmem:s14], [sflag:$0x10], $0x1400, $0x38;
	[tilespmem:$0x1CE00] =	vst v63  }
0x49: {  	_ =	swait.ge [sflag:s15], $0x1400  }
0x4a: {  	[sflag:s15] =	ssyncset.done $0x0  }
0x4b: {  	s6 =	rddreg [dreg:$0x11];
	[sflag:s15] =	ssyncadd.s32 $0xFFFFEC00  }
0x4c: {  	[spmem:s6] =	stream.linear.scatter [tilespmem:s14], [sflag:$0x10], $0x1400, $0x38;
	[tilespmem:$0x1CE00] =	vst v63  }
0x4d: {  	_ =	swait.ge [sflag:s15], $0x1400  }
0x4e: {  	[sflag:s15] =	ssyncset.done $0x0  }
0x4f: {  	s8 =	rddreg [dreg:$0x12];
	[sflag:s15] =	ssyncadd.s32 $0xFFFFEC00  }
0x50: {  	[spmem:s8] =	stream.linear.scatter [tilespmem:s14], [sflag:$0x10], $0x1400, $0x38;
	[tilespmem:$0x1CE00] =	vst v63  }
0x51: {  	_ =	swait.ge [sflag:s15], $0x1400  }
0x52: {  	[sflag:s15] =	ssyncset.done $0x0  }
0x53: {  	s9 =	rddreg [dreg:$0x13];
	[sflag:s15] =	ssyncadd.s32 $0xFFFFEC00  }
0x54: {  	[spmem:s9] =	stream.linear.scatter [tilespmem:s14], [sflag:$0x10], $0x1400, $0x38;
	[tilespmem:$0x1CE00] =	vst v63  }
0x55: {  	_ =	swait.ge [sflag:s15], $0x1400  }
0x56: {  	[sflag:s15] =	ssyncset.done $0x0  }
0x57: {  	s11 =	rddreg [dreg:$0x19];
	[sflag:s15] =	ssyncadd.s32 $0xFFFFEC00  }
0x58: {  	[spmem:s11] =	stream.linear.scatter [tilespmem:s14], [sflag:$0x10], $0x1400, $0x38;
	[tilespmem:$0x1CE00] =	vst v63  }
0x59: {  	_ =	swait.ge [sflag:s15], $0x1400  }
0x5a: {  	[sflag:s15] =	ssyncset.done $0x0  }
0x5b: {  	s6 =	rddreg [dreg:$0x1a];
	[sflag:s15] =	ssyncadd.s32 $0xFFFFEC00  }
0x5c: {  	[spmem:s6] =	stream.linear.scatter [tilespmem:s14], [sflag:$0x10], $0x1400, $0x38;
	[tilespmem:$0x1CE00] =	vst v63  }
0x5d: {  	_ =	swait.ge [sflag:s15], $0x1400  }
0x5e: {  	[sflag:s15] =	ssyncset.done $0x0  }
0x5f: {  	s8 =	rddreg [dreg:$0x1b];
	[sflag:s15] =	ssyncadd.s32 $0xFFFFEC00  }
0x60: {  	[spmem:s8] =	stream.linear.scatter [tilespmem:s14], [sflag:$0x10], $0x1400, $0x38;
	[tilespmem:$0x1CE00] =	vst v63  }
0x61: {  	_ =	swait.ge [sflag:s15], $0x1400  }
0x62: {  	[sflag:s15] =	ssyncset.done $0x0  }
0x63: {  	s9 =	rddreg [dreg:$0x1c];
	[sflag:s15] =	ssyncadd.s32 $0xFFFFEC00  }
0x64: {  	[spmem:s9] =	stream.linear.scatter [tilespmem:s14], [sflag:$0x10], $0x1400, $0x38;
	[tilespmem:$0x1CE00] =	vst v63  }
0x65: {  	_ =	swait.ge [sflag:s15], $0x1400  }
0x66: {  	[sflag:s15] =	ssyncset.done $0x0  }
0x67: {  	s11 =	rddreg [dreg:$0x1d];
	[sflag:s15] =	ssyncadd.s32 $0xFFFFEC00  }
0x68: {  	[spmem:s11] =	stream.linear.scatter [tilespmem:s14], [sflag:$0x10], $0x1400, $0x38;
	[tilespmem:$0x1CE00] =	vst v63  }
0x69: {  	_ =	swait.ge [sflag:s15], $0x1400  }
0x6a: {  	[sflag:s15] =	ssyncset.done $0x0  }
0x6b: {  	s6 =	rddreg [dreg:$0x1e];
	[sflag:s15] =	ssyncadd.s32 $0xFFFFEC00  }
0x6c: {  	[spmem:s6] =	stream.linear.scatter [tilespmem:s14], [sflag:$0x10], $0x1400, $0x38;
	[tilespmem:$0x1CE00] =	vst v63  }
0x6d: {  	_ =	swait.ge [sflag:s15], $0x1400  }
0x6e: {  	[sflag:s15] =	ssyncset.done $0x0  }
0x6f: {  	s8 =	rddreg [dreg:$0x1f];
	[sflag:s15] =	ssyncadd.s32 $0xFFFFEC00  }
0x70: {  	[spmem:s8] =	stream.linear.scatter [tilespmem:s14], [sflag:$0x10], $0x1400, $0x38;
	[tilespmem:$0x1CE00] =	vst v63  }
0x71: {  	_ =	swait.ge [sflag:s15], $0x1400  }
0x72: {  	s9 =	sld [smem:$0x7FC]  }
0x73: {  	[sflag:s15] =	ssyncset.done $0x0  }
0x74: {  	[sflag:s15] =	ssyncadd.s32 $0xFFFFEC00  }
0x75: {  	[spmem:s9] =	stream.linear.scatter [tilespmem:s14], [sflag:$0x10], $0x1400, $0x38;
	[tilespmem:$0x1CE00] =	vst v63  }
0x76: {  	_ =	swait.ge [sflag:s15], $0x1400  }
0x77: {  	s11 =	sld [smem:$0x7FD]  }
0x78: {  	[sflag:s15] =	ssyncset.done $0x0  }
0x79: {  	[sflag:s15] =	ssyncadd.s32 $0xFFFFEC00  }
0x7a: {  	[spmem:s11] =	stream.linear.scatter [tilespmem:s14], [sflag:$0x10], $0x1400, $0x38;
	[tilespmem:$0x1CE00] =	vst v63  }
0x7b: {  	_ =	swait.ge [sflag:s15], $0x1400  }
0x7c: {  	[sflag:s15] =	ssyncset.done $0x0  }
0x7d: {  	s5 =	simm.s32 $0x0;
	s9 =	rddreg [dreg:$0x5];
	[sflag:s15] =	ssyncadd.s32 $0xFFFFEC00  }
0x7e: {  	[tilespmem:s5], [sflag:$0x10] =	stream.linear.gather [hbm4b:s9+s5], $0x2710, $0x38;
	[tilespmem:$0x1CE00] =	vst v63  }
0x7f: {  	_ =	swait.ge [sflag:s15], $0x2710  }
0x80: {  	[sflag:s15] =	ssyncset.done $0x0  }
0x81: {  	s6 =	rddreg [dreg:$0x6];
	[sflag:s15] =	ssyncadd.s32 $0xFFFFD8F0  }
0x82: {  	[tilespmem:s16], [sflag:$0x6] =	stream.linear.gather [hbm4b:s6+s5], $0x28, $0x38;
	[tilespmem:$0x1CE00] =	vst v63  }
0x83: {  	s15 =	rddreg [dreg:$0x0]  }
0x84: {  	[tilespmem:s14], [sflag:$0x1] =	stream.indirect.gather [hbm4b:s15+s12], $0x80, s5, s12, $0xb8;
	[tilespmem:$0x1CE00] =	vst v63  }
0x85: {  	s8 =	rddreg [dreg:$0x7]  }
0x86: {  	[tilespmem:s17], [sflag:$0x7] =	stream.linear.gather [hbm4b:s8+s5], $0x28, $0x38;
	[tilespmem:$0x1CE00] =	vst v63  }
0x87: {  	_ = 	snop  }
0x88: {  	[tilespmem:s7], [sflag:$0x2] =	stream.indirect.gather [hbm4b:s15+s12], $0x80, s12, s12, $0xb8;
	[tilespmem:$0x1CE00] =	vst v63  }
0x89: {  	s11 =	rddreg [dreg:$0x8]  }
0x8a: {  	[tilespmem:s10], [sflag:$0x8] =	stream.linear.gather [hbm4b:s11+s5], $0x28, $0x38;
	[tilespmem:$0x1CE00] =	vst v63  }
0x8b: {  	s6 =	simm.s32 $0x50  }
0x8c: {  	[tilespmem:s19], [sflag:$0x3] =	stream.indirect.gather [hbm4b:s15+s12], $0x80, s6, s12, $0xb8;
	[tilespmem:$0x1CE00] =	vst v63  }
0x8d: {  	s8 =	rddreg [dreg:$0x9]  }
0x8e: {  	[tilespmem:s26], [sflag:$0x9] =	stream.linear.gather [hbm4b:s8+s5], $0x28, $0x38;
	[tilespmem:$0x1CE00] =	vst v63  }
0x8f: {  	s11 =	simm.s32 $0x78  }
0x90: {  	[tilespmem:s28], [sflag:$0x4] =	stream.indirect.gather [hbm4b:s15+s12], $0x80, s11, s12, $0xb8;
	[tilespmem:$0x1CE00] =	vst v63  }
0x91: {  	s6 =	rddreg [dreg:$0xa]  }
0x92: {  	[tilespmem:s2], [sflag:$0xA] =	stream.linear.gather [hbm4b:s6+s5], $0x28, $0x38;
	[tilespmem:$0x1CE00] =	vst v63  }
0x93: {  	s8 =	simm.s32 $0xA0  }
0x94: {  	[tilespmem:s0], [sflag:$0x5] =	stream.indirect.gather [hbm4b:s15+s12], $0x80, s8, s12, $0xb8;
	[tilespmem:$0x1CE00] =	vst v63  }
0x95: {  	s9 =	simm.s32 $0x1;
	[bflag:$0x0] =	sbarrier.arrive $0xFFFF  }
0x96: {  	_ =	swait.ge [sflag:s9], $0x1400  }
0x97: {  	[sflag:s9] =	ssyncset.done $0x0  }
0x98: {  	s11 =	simm.s32 $0x6;
	[sflag:s9] =	ssyncadd.s32 $0xFFFFEC00  }
0x99: {  	_ =	swait.ge [sflag:s11], $0x28  }
0x9a: {  	[sflag:s11] =	ssyncset.done $0x0  }
0x9b: {  	[sflag:s11] =	ssyncadd.s32 $0xFFFFFFD8  }
0x9c: {  	[spmem:s20] =	stream.indirect.scatter.add.f32 [tilespmem:s14], [sflag:$0xB], $0x80, s16, s12, $0xb8;
	[tilespmem:$0x1CE00] =	vst v63  }
0x9d: {  	_ =	swait.ge [sflag:s3], $0x1400  }
0x9e: {  	[sflag:s3] =	ssyncset.done $0x0  }
0x9f: {  	[sflag:s3] =	ssyncadd.s32 $0xFFFFEC00  }
0xa0: {  	_ =	swait.ge [sflag:s21], $0x28  }
0xa1: {  	[sflag:s21] =	ssyncset.done $0x0  }
0xa2: {  	[sflag:s21] =	ssyncadd.s32 $0xFFFFFFD8  }
0xa3: {  	[spmem:s20] =	stream.indirect.scatter.add.f32 [tilespmem:s7], [sflag:$0xC], $0x80, s17, s12, $0xb8;
	[tilespmem:$0x1CE00] =	vst v63  }
0xa4: {  	_ =	swait.ge [sflag:s22], $0x1400  }
0xa5: {  	[sflag:s22] =	ssyncset.done $0x0  }
0xa6: {  	[sflag:s22] =	ssyncadd.s32 $0xFFFFEC00  }
0xa7: {  	_ =	swait.ge [sflag:s23], $0x28  }
0xa8: {  	[sflag:s23] =	ssyncset.done $0x0  }
0xa9: {  	[sflag:s23] =	ssyncadd.s32 $0xFFFFFFD8  }
0xaa: {  	[spmem:s20] =	stream.indirect.scatter.add.f32 [tilespmem:s19], [sflag:$0xD], $0x80, s10, s12, $0xb8;
	[tilespmem:$0x1CE00] =	vst v63  }
0xab: {  	_ =	swait.ge [sflag:s24], $0x1400  }
0xac: {  	[sflag:s24] =	ssyncset.done $0x0  }
0xad: {  	[sflag:s24] =	ssyncadd.s32 $0xFFFFEC00  }
0xae: {  	_ =	swait.ge [sflag:s13], $0x28  }
0xaf: {  	[sflag:s13] =	ssyncset.done $0x0  }
0xb0: {  	[sflag:s13] =	ssyncadd.s32 $0xFFFFFFD8  }
0xb1: {  	[spmem:s20] =	stream.indirect.scatter.add.f32 [tilespmem:s28], [sflag:$0xE], $0x80, s26, s12, $0xb8;
	[tilespmem:$0x1CE00] =	vst v63  }
0xb2: {  	_ =	swait.ge [sflag:s18], $0x1400  }
0xb3: {  	[sflag:s18] =	ssyncset.done $0x0  }
0xb4: {  	[sflag:s18] =	ssyncadd.s32 $0xFFFFEC00  }
0xb5: {  	_ =	swait.ge [sflag:s25], $0x28  }
0xb6: {  	[sflag:s25] =	ssyncset.done $0x0  }
0xb7: {  	[sflag:s25] =	ssyncadd.s32 $0xFFFFFFD8  }
0xb8: {  	[spmem:s20] =	stream.indirect.scatter.add.f32 [tilespmem:s0], [sflag:$0xF], $0x80, s2, s12, $0xb8;
	[tilespmem:$0x1CE00] =	vst v63  }
0xb9: {  	_ =	swait.ge [sflag:s30], $0x1400  }
0xba: {  	s2 =	rddreg [dreg:$0x18]  }
0xbb: {  	[sflag:s30] =	ssyncset.done $0x0;
	s3 =	sshrl.u32 s2, $0x3  }
0xbc: {  	[sflag:s30] =	ssyncadd.s32 $0xFFFFEC00;
	s5 =	sadd.s32 s29, s3  }
0xbd: {  	[tilespmem:s16], [sflag:$0x6] =	stream.linear.gather [hbm4b:s5+s4], $0x28, $0x38;
	[tilespmem:$0x1CE00] =	vst v63  }
0xbe: {  	s4 =	simm.s32 $0xC8  }
0xbf: {  	[tilespmem:s14], [sflag:$0x1] =	stream.indirect.gather [hbm4b:s15+s12], $0x80, s4, s12, $0xb8;
	[tilespmem:$0x1CE00] =	vst v63  }
0xc0: {  	_ =	swait.ge [sflag:s1], $0x1400  }
0xc1: {  	[sflag:s1] =	ssyncset.done $0x0  }
0xc2: {  	s29 =	simm.s32 $0x0;
	s8 =	rddreg [dreg:$0x17];
	[sflag:s1] =	ssyncadd.s32 $0xFFFFEC00  }
0xc3: {  	[tilespmem:s17], [sflag:$0x7] =	stream.linear.gather [hbm4b:s8+s29], $0x28, $0x38;
	[tilespmem:$0x1CE00] =	vst v63  }
0xc4: {  	s13 =	simm.s32 $0xF0  }
0xc5: {  	[tilespmem:s7], [sflag:$0x2] =	stream.indirect.gather [hbm4b:s15+s12], $0x80, s13, s12, $0xb8;
	[tilespmem:$0x1CE00] =	vst v63  }
0xc6: {  	_ =	swait.ge [sflag:s31], $0x1400  }
0xc7: {  	[sflag:s31] =	ssyncset.done $0x0  }
0xc8: {  	s14 =	rddreg [dreg:$0x16];
	[sflag:s31] =	ssyncadd.s32 $0xFFFFEC00  }
0xc9: {  	[tilespmem:s10], [sflag:$0x8] =	stream.linear.gather [hbm4b:s14+s29], $0x28, $0x38;
	[tilespmem:$0x1CE00] =	vst v63  }
0xca: {  	s6 =	simm.s32 $0x2980;
	s21 =	simm.s32 $0x2;
	s18 =	simm.s32 $0x118  }
0xcb: {  	[tilespmem:s19], [sflag:$0x3] =	stream.indirect.gather [hbm4b:s15+s12], $0x80, s18, s12, $0xb8;
	[tilespmem:$0x1CE00] =	vst v63  }
0xcc: {  	s22 =	simm.s32 $0x7;
	s23 =	simm.s32 $0x3;
	s19 =	simm.s32 $0xE  }
0xcd: {  	s24 =	simm.s32 $0x8;
	s0 =	simm.s32 $0xB;
	_ =	swait.ge [sflag:s19], $0x1400  }
0xce: {  	s30 =	simm.s32 $0xF;
	s5 =	sadd.s32 $0xC8, s2;
	[sflag:s19] =	ssyncset.done $0x0  }
0xcf: {  	s16 =	simm.s32 $0x168;
	s25 =	rddreg [dreg:$0x15];
	[sflag:s19] =	ssyncadd.s32 $0xFFFFEC00  }
0xd0: {  	[tilespmem:s26], [sflag:$0x9] =	stream.linear.gather [hbm4b:s25+s29], $0x28, $0x38;
	[tilespmem:$0x1CE00] =	vst v63  }
0xd1: {  	s1 =	simm.s32 $0xC;
	s17 =	smov.u32 s15;
	s26 =	simm.s32 $0x140  }
0xd2: {  	[tilespmem:s28], [sflag:$0x4] =	stream.indirect.gather [hbm4b:s17+s12], $0x80, s26, s12, $0xb8;
	[tilespmem:$0x1CE00] =	vst v63  }
0xd3: {  	s9 =	sadd.s32 $0x19, s8;
	s11 =	sadd.s32 $0x19, s14;
	_ =	swait.ge [sflag:s30], $0x1400  }
0xd4: {  	s10 =	simm.s32 $0x320;
	[sflag:s30] =	ssyncset.done $0x0;
	s31 =	rddreg [dreg:$0x14]  }
0xd5: {  	s15 =	sadd.s32 $0x19, s25;
	[sflag:s30] =	ssyncadd.s32 $0xFFFFEC00;
	s14 =	sadd.s32 $0x19, s31  }
0xd6: {  	[tilespmem:s6], [sflag:$0xA] =	stream.linear.gather [hbm4b:s31+s29], $0x28, $0x38;
	[tilespmem:$0x1CE00] =	vst v63  }
.LBB2_4:
0xd7: {  	s4 =	simm.s32 $0x7A00;
	s6 =	simm.s32 $0x1  }
0xd8: {  	[tilespmem:s4], [sflag:$0x5] =	stream.indirect.gather [hbm4b:s17+s12], $0x80, s16, s12, $0xb8;
	[tilespmem:$0x1CE00] =	vst v63  }
0xd9: {  	_ =	swait.ge [sflag:s6], $0x1400  }
0xda: {  	[sflag:s6] =	ssyncset.done $0x0  }
0xdb: {  	s3 =	simm.s32 $0x6;
	[sflag:s6] =	ssyncadd.s32 $0xFFFFEC00  }
0xdc: {  	_ =	swait.ge [sflag:s3], $0x28  }
0xdd: {  	[sflag:s3] =	ssyncset.done $0x0  }
0xde: {  	s26 =	simm.s32 $0x2780;
	s25 =	simm.s32 $0x2A00;
	[sflag:s3] =	ssyncadd.s32 $0xFFFFFFD8  }
0xdf: {  	[spmem:s20] =	stream.indirect.scatter.add.f32 [tilespmem:s25], [sflag:$0xB], $0x80, s26, s12, $0xb8;
	[tilespmem:$0x1CE00] =	vst v63  }
0xe0: {  	_ =	swait.ge [sflag:s21], $0x1400  }
0xe1: {  	[sflag:s21] =	ssyncset.done $0x0  }
0xe2: {  	[sflag:s21] =	ssyncadd.s32 $0xFFFFEC00  }
0xe3: {  	_ =	swait.ge [sflag:s22], $0x28  }
0xe4: {  	[sflag:s22] =	ssyncset.done $0x0  }
0xe5: {  	s18 =	simm.s32 $0x3E00;
	s13 =	simm.s32 $0x2800;
	[sflag:s22] =	ssyncadd.s32 $0xFFFFFFD8  }
0xe6: {  	[spmem:s20] =	stream.indirect.scatter.add.f32 [tilespmem:s18], [sflag:$0xC], $0x80, s13, s12, $0xb8;
	[tilespmem:$0x1CE00] =	vst v63  }
0xe7: {  	_ =	swait.ge [sflag:s23], $0x1400  }
0xe8: {  	[sflag:s23] =	ssyncset.done $0x0  }
0xe9: {  	[sflag:s23] =	ssyncadd.s32 $0xFFFFEC00  }
0xea: {  	_ =	swait.ge [sflag:s24], $0x28  }
0xeb: {  	s8 =	simm.s32 $0x2880;
	[sflag:s24] =	ssyncset.done $0x0  }
0xec: {  	s2 =	simm.s32 $0x5200;
	s6 =	simm.s32 $0x4;
	[sflag:s24] =	ssyncadd.s32 $0xFFFFFFD8  }
0xed: {  	[spmem:s20] =	stream.indirect.scatter.add.f32 [tilespmem:s2], [sflag:$0xD], $0x80, s8, s12, $0xb8;
	[tilespmem:$0x1CE00] =	vst v63  }
0xee: {  	_ =	swait.ge [sflag:s6], $0x1400  }
0xef: {  	[sflag:s6] =	ssyncset.done $0x0  }
0xf0: {  	s7 =	simm.s32 $0x9;
	[sflag:s6] =	ssyncadd.s32 $0xFFFFEC00  }
0xf1: {  	_ =	swait.ge [sflag:s7], $0x28  }
0xf2: {  	s19 =	simm.s32 $0x6600;
	[sflag:s7] =	ssyncset.done $0x0  }
0xf3: {  	s17 =	simm.s32 $0x5;
	[sflag:s7] =	ssyncadd.s32 $0xFFFFFFD8;
	s7 =	simm.s32 $0x2900  }
0xf4: {  	[spmem:s20] =	stream.indirect.scatter.add.f32 [tilespmem:s19], [sflag:$0xE], $0x80, s7, s12, $0xb8;
	[tilespmem:$0x1CE00] =	vst v63  }
0xf5: {  	_ =	swait.ge [sflag:s17], $0x1400  }
0xf6: {  	[sflag:s17] =	ssyncset.done $0x0  }
0xf7: {  	s28 =	simm.s32 $0xA;
	[sflag:s17] =	ssyncadd.s32 $0xFFFFEC00  }
0xf8: {  	_ =	swait.ge [sflag:s28], $0x28  }
0xf9: {  	[sflag:s28] =	ssyncset.done $0x0  }
0xfa: {  	[sflag:s28] =	ssyncadd.s32 $0xFFFFFFD8;
	s28 =	simm.s32 $0x2980  }
0xfb: {  	[spmem:s20] =	stream.indirect.scatter.add.f32 [tilespmem:s4], [sflag:$0xF], $0x80, s28, s12, $0xb8;
	[tilespmem:$0x1CE00] =	vst v63  }
0xfc: {  	s16 =	smov.u32 s10;
	_ =	swait.ge [sflag:s0], $0x1400  }
0xfd: {  	s6 =	sshrl.u32 s5, $0x3;
	[sflag:s0] =	ssyncset.done $0x0;
	s30 =	rddreg [dreg:$0x4]  }
0xfe: {  	s16 =	sshra.s32 s16, $0x2;
	[sflag:s0] =	ssyncadd.s32 $0xFFFFEC00;
	s17 =	sadd.s32 s30, s6  }
0xff: {  	[tilespmem:s26], [sflag:$0x6] =	stream.linear.gather [hbm4b:s17+s29], $0x28, $0x38;
	[tilespmem:$0x1CE00] =	vst v63  }
0x100: {  	s3 =	sadd.s32 $0xC8, s16;
	s30 =	rddreg [dreg:$0x0]  }
0x101: {  	[tilespmem:s25], [sflag:$0x1] =	stream.indirect.gather [hbm4b:s30+s12], $0x80, s3, s12, $0xb8;
	[tilespmem:$0x1CE00] =	vst v63  }
0x102: {  	_ =	swait.ge [sflag:s1], $0x1400  }
0x103: {  	[sflag:s1] =	ssyncset.done $0x0  }
0x104: {  	[sflag:s1] =	ssyncadd.s32 $0xFFFFEC00  }
0x105: {  	[tilespmem:s13], [sflag:$0x7] =	stream.linear.gather [hbm4b:s9+s29], $0x28, $0x38;
	[tilespmem:$0x1CE00] =	vst v63  }
0x106: {  	s4 =	sadd.s32 $0xF0, s16;
	s26 =	simm.s32 $0xD;
	s30 =	rddreg [dreg:$0x0]  }
0x107: {  	[tilespmem:s18], [sflag:$0x2] =	stream.indirect.gather [hbm4b:s30+s12], $0x80, s4, s12, $0xb8;
	[tilespmem:$0x1CE00] =	vst v63  }
0x108: {  	_ =	swait.ge [sflag:s26], $0x1400  }
0x109: {  	[sflag:s26] =	ssyncset.done $0x0  }
0x10a: {  	p0 =	sne.s32 s10, $0x9600;
	[sflag:s26] =	ssyncadd.s32 $0xFFFFEC00  }
0x10b: {  	[tilespmem:s8], [sflag:$0x8] =	stream.linear.gather [hbm4b:s11+s29], $0x28, $0x38;
	[tilespmem:$0x1CE00] =	vst v63  }
0x10c: {  	s17 =	simm.s32 $0xE;
	s4 =	sadd.s32 $0x118, s16;
	s30 =	rddreg [dreg:$0x0]  }
0x10d: {  	[tilespmem:s2], [sflag:$0x3] =	stream.indirect.gather [hbm4b:s30+s12], $0x80, s4, s12, $0xb8;
	[tilespmem:$0x1CE00] =	vst v63  }
0x10e: {  	s31 =	simm.s32 $0x2A00;
	s10 =	sadd.s32 $0x320, s10;
	_ =	swait.ge [sflag:s17], $0x1400  }
0x10f: {  	s5 =	sadd.s32 $0xC8, s5;
	s6 =	simm.s32 $0x2780;
	[sflag:s17] =	ssyncset.done $0x0  }
0x110: {  	s25 =	simm.s32 $0x2800;
	s3 =	simm.s32 $0x2880;
	[sflag:s17] =	ssyncadd.s32 $0xFFFFEC00  }
0x111: {  	[tilespmem:s7], [sflag:$0x9] =	stream.linear.gather [hbm4b:s15+s29], $0x28, $0x38;
	[tilespmem:$0x1CE00] =	vst v63  }
0x112: {  	s13 =	simm.s32 $0x3E00;
	s18 =	sadd.s32 $0x140, s16;
	s30 =	rddreg [dreg:$0x0]  }
0x113: {  	[tilespmem:s19], [sflag:$0x4] =	stream.indirect.gather [hbm4b:s30+s12], $0x80, s18, s12, $0xb8;
	[tilespmem:$0x1CE00] =	vst v63  }
0x114: {  	s9 =	sadd.s32 $0x19, s9;
	s16 =	sadd.s32 $0x168, s16;
	s30 =	simm.s32 $0xF  }
.Ltmp1:
0x115: {  	s17 =	rddreg [dreg:$0x0];
	_ =	swait.ge [sflag:s30], $0x1400;
	(pc) =	sbr.rel @p0 .LBB2_4-.Ltmp1, $4  }
0x116: {  	s26 =	simm.s32 $0x2900;
	s8 =	simm.s32 $0x5200;
	[sflag:s30] =	ssyncset.done $0x0  }
0x117: {  	s11 =	sadd.s32 $0x19, s11;
	s4 =	simm.s32 $0x2980;
	[sflag:s30] =	ssyncadd.s32 $0xFFFFEC00  }
0x118: {  	[tilespmem:s28], [sflag:$0xA] =	stream.linear.gather [hbm4b:s14+s29], $0x28, $0x38;
	[tilespmem:$0x1CE00] =	vst v63  }
0x119: {  	s7 =	simm.s32 $0x6600;
	s15 =	sadd.s32 $0x19, s15;
	s14 =	sadd.s32 $0x19, s14  }
0x11a: {  	s5 =	simm.s32 $0x7A00;
	s9 =	simm.s32 $0x1  }
0x11b: {  	[tilespmem:s5], [sflag:$0x5] =	stream.indirect.gather [hbm4b:s17+s12], $0x80, s16, s12, $0xb8;
	[tilespmem:$0x1CE00] =	vst v63  }
0x11c: {  	_ =	swait.ge [sflag:s9], $0x1400  }
0x11d: {  	[sflag:s9] =	ssyncset.done $0x0  }
0x11e: {  	s2 =	simm.s32 $0x6;
	[sflag:s9] =	ssyncadd.s32 $0xFFFFEC00  }
0x11f: {  	_ =	swait.ge [sflag:s2], $0x28  }
0x120: {  	[sflag:s2] =	ssyncset.done $0x0  }
0x121: {  	[sflag:s2] =	ssyncadd.s32 $0xFFFFFFD8  }
0x122: {  	[spmem:s20] =	stream.indirect.scatter.add.f32 [tilespmem:s31], [sflag:$0xB], $0x80, s6, s12, $0xb8;
	[tilespmem:$0x1CE00] =	vst v63  }
0x123: {  	_ =	swait.ge [sflag:s21], $0x1400  }
0x124: {  	[sflag:s21] =	ssyncset.done $0x0  }
0x125: {  	[sflag:s21] =	ssyncadd.s32 $0xFFFFEC00  }
0x126: {  	_ =	swait.ge [sflag:s22], $0x28  }
0x127: {  	[sflag:s22] =	ssyncset.done $0x0  }
0x128: {  	[sflag:s22] =	ssyncadd.s32 $0xFFFFFFD8  }
0x129: {  	[spmem:s20] =	stream.indirect.scatter.add.f32 [tilespmem:s13], [sflag:$0xC], $0x80, s25, s12, $0xb8;
	[tilespmem:$0x1CE00] =	vst v63  }
0x12a: {  	_ =	swait.ge [sflag:s23], $0x1400  }
0x12b: {  	[sflag:s23] =	ssyncset.done $0x0  }
0x12c: {  	[sflag:s23] =	ssyncadd.s32 $0xFFFFEC00  }
0x12d: {  	_ =	swait.ge [sflag:s24], $0x28  }
0x12e: {  	[sflag:s24] =	ssyncset.done $0x0  }
0x12f: {  	s16 =	simm.s32 $0x4;
	[sflag:s24] =	ssyncadd.s32 $0xFFFFFFD8  }
0x130: {  	[spmem:s20] =	stream.indirect.scatter.add.f32 [tilespmem:s8], [sflag:$0xD], $0x80, s3, s12, $0xb8;
	[tilespmem:$0x1CE00] =	vst v63  }
0x131: {  	_ =	swait.ge [sflag:s16], $0x1400  }
0x132: {  	[sflag:s16] =	ssyncset.done $0x0  }
0x133: {  	s17 =	simm.s32 $0x9;
	[sflag:s16] =	ssyncadd.s32 $0xFFFFEC00  }
0x134: {  	_ =	swait.ge [sflag:s17], $0x28  }
0x135: {  	[sflag:s17] =	ssyncset.done $0x0  }
0x136: {  	s18 =	simm.s32 $0x5;
	[sflag:s17] =	ssyncadd.s32 $0xFFFFFFD8  }
0x137: {  	[spmem:s20] =	stream.indirect.scatter.add.f32 [tilespmem:s7], [sflag:$0xE], $0x80, s26, s12, $0xb8;
	[tilespmem:$0x1CE00] =	vst v63  }
0x138: {  	_ =	swait.ge [sflag:s18], $0x1400  }
0x139: {  	[sflag:s18] =	ssyncset.done $0x0  }
0x13a: {  	s19 =	simm.s32 $0xA;
	[sflag:s18] =	ssyncadd.s32 $0xFFFFEC00  }
0x13b: {  	_ =	swait.ge [sflag:s19], $0x28  }
0x13c: {  	[sflag:s19] =	ssyncset.done $0x0  }
0x13d: {  	[sflag:s19] =	ssyncadd.s32 $0xFFFFFFD8  }
0x13e: {  	[spmem:s20] =	stream.indirect.scatter.add.f32 [tilespmem:s5], [sflag:$0xF], $0x80, s4, s12, $0xb8;
	[tilespmem:$0x1CE00] =	vst v63  }
0x13f: {  	_ =	swait.ge [sflag:s0], $0x1400  }
0x140: {  	[sflag:s0] =	ssyncset.done $0x0  }
0x141: {  	[sflag:s0] =	ssyncadd.s32 $0xFFFFEC00  }
0x142: {  	_ =	swait.ge [sflag:s1], $0x1400  }
0x143: {  	[sflag:s1] =	ssyncset.done $0x0  }
0x144: {  	s21 =	simm.s32 $0xD;
	[sflag:s1] =	ssyncadd.s32 $0xFFFFEC00  }
0x145: {  	_ =	swait.ge [sflag:s21], $0x1400  }
0x146: {  	[sflag:s21] =	ssyncset.done $0x0  }
0x147: {  	s22 =	simm.s32 $0xE;
	[sflag:s21] =	ssyncadd.s32 $0xFFFFEC00  }
0x148: {  	_ =	swait.ge [sflag:s22], $0x1400  }
0x149: {  	[sflag:s22] =	ssyncset.done $0x0  }
0x14a: {  	[sflag:s22] =	ssyncadd.s32 $0xFFFFEC00  }
0x14b: {  	_ =	swait.ge [sflag:s30], $0x1400  }
0x14c: {  	[sflag:s30] =	ssyncset.done $0x0  }
0x14d: {  	[sflag:s30] =	ssyncadd.s32 $0xFFFFEC00  }
0x14e: {  	s23 =	stileid.u32;
	[bflag:$0x0] =	sbarrier.arrive $0xFFFF  }
0x14f: {  	s15 =	simm.s32 $0x10;
	s5 =	sshll.u32 s23, $0x6;
	s11 =	rddreg [dreg:$0xc]  }
0x150: {  	s5 =	sor.u32 $0x1C10, s5;
	s10 =	rddreg [dreg:$0xb];
	s24 =	sshrl.u32 s11, $0x3  }
0x151: {  	[hbm:s10], [sflag:s5] =	dma.local [spmem:s24], $0x2800  }
0x152: {  	_ =	swait.ge [sflag:s15], $0x2800  }
0x153: {  	s14 =	simm.s32 $0x2A00;
	s28 =	simm.s32 $0x6600;
	s25 =	sld [smem:$0x7FB]  }
0x154: {  	s2 =	simm.s32 $0x2980;
	s31 =	simm.s32 $0xD;
	s13 =	simm.s32 $0x9  }
0x155: {  	s3 =	simm.s32 $0x2;
	s16 =	simm.s32 $0x2780;
	s17 =	simm.s32 $0x2800  }
0x156: {  	s7 =	simm.s32 $0x3E00;
	s26 =	rddreg [dreg:$0xd];
	s6 =	sadd.s32 $0x1, s25  }
0x157: {  	s18 =	simm.s32 $0x5;
	s19 =	simm.s32 $0x5200;
	p0 =	sne.s32 s6, s26  }
.Ltmp2:
0x158: {  	s23 =	simm.s32 $0x8;
	s4 =	simm.s32 $0x0;
	(pc) =	sbr.rel @p0 .LBB2_1-.Ltmp2, $4  }
0x159: {  	s0 =	simm.s32 $0x7A00;
	s1 =	simm.s32 $0xC;
	s21 =	simm.s32 $0x7  }
0x15a: {  	s22 =	simm.s32 $0x3;
	s30 =	simm.s32 $0xB;
	s10 =	simm.s32 $0x2880  }
0x15b: {  	s24 =	simm.s32 $0x4;
	[sflag:s15] =	ssyncset.done $0x0;
	s29 =	rddreg [dreg:$0x4]  }
0x15c: {  	[sflag:s15] =	ssyncadd.s32 $0xFFFFD800;
	s25 =	simm.s32 $0xA;
	s26 =	simm.s32 $0x2900  }
0x15d: {  	_ =	sfence.sel $0x180000  }
0x15e: {  	[bflag:$0x0] =	sbarrier.arrive $0xFFFF  }
0x15f: {  	_ =	strace $0x9000004A  }
0x160: {  	s0 =	stileid.u32;
	[bflag:$0x2] =	sbarrier.arrive $0xFFFF  }
0x161: {  	p0 =	sne.s32 s0, $0x0;
	s0 =	rddreg [dreg:$0x3]  }
0x162: {  	s0 =	sadd.s32 @!p0 $0x100000, s0  }
0x163: {  	[sflag:s0] =	ssyncadd.tile.s32 @!p0 $0x1;
	_ =	shalt  }
.Lfunc_end2:
_tile_overlayer_lowered:
.L_overlay_start_2:
0x164: {  	(tag) =	ssettag $0x2  }
0x165: {  	s0 =	rddreg [dreg:$0x0];
	s2 =	stileid.u32  }
0x166: {  	s1 =	rddreg [dreg:$0x1];
	p0 =	sne.s32 s2, $0x0  }
0x167: {  	s3 =	rddreg [dreg:$0x2];
	[bflag:$0x3] =	sbarrier.arrive $0xFFFF;
	s2 =	simm.s32 @!p0 $0x1C10  }
0x168: {  	[timem:s3], [sflag:s2] =	dma.local @!p0 [hbm:s0], s1  }
0x169: {  	s0 =	simm.s32 @!p0 $0x10  }
0x16a: {  	_ =	swait.ge @!p0 [sflag:s0], s1  }
0x16b: {  	s1 =	ssub.s32 @!p0 $0x0, s1;
	[sflag:s0] =	ssyncset.done @!p0 $0x0  }
0x16c: {  	[sflag:s0] =	ssyncadd.s32 @!p0 s1  }
0x16d: {  	[bflag:$0x3] =	sbarrier.arrive $0xFFFF  }
0x16e: {  	_ =	shalt  }

// kernel: kernel.14.cloned.1.call-start
scs
__scs_entry_jumppad:
0x0: {  	(pc) =	sbr.rel $0x88, $3  }
0x1: {  	(tag) =	ssettag $0x0;
	lr =	simm.s32 $0x1  }
0x2: {  	[smem:$0x3F97] =	sst lr;
	_ =	strace $0xD0000000  }
0x3: {  	_ = 	snop  }
0x4: {  	_ = 	snop  }
0x5: {  	_ = 	snop  }
0x6: {  	_ = 	snop  }
0x7: {  	_ = 	snop  }
__scs_overlays_trampoline_lowered:
0x8: {  	[smem:$0x3FA6] =	sst s0  }
0x9: {  	[smem:$0x3FA7] =	sst s1  }
0xa: {  	[smem:$0x3FA8] =	sst s2  }
0xb: {  	[smem:$0x3FA9] =	sst s3  }
0xc: {  	[smem:$0x3FAA] =	sst s4  }
0xd: {  	[smem:$0x3FAB] =	sst s5  }
0xe: {  	[smem:$0x3FAC] =	sst s6  }
0xf: {  	[smem:$0x3FAD] =	sst s7  }
0x10: {  	[smem:$0x3FAE] =	sst s8  }
0x11: {  	[smem:$0x3FAF] =	sst s9;
	s0 =	simm.s32 @!p0 $0x0  }
0x12: {  	s1 =	sld [smem:$0x3F95];
	s0 =	simm.s32 @p0 $0x1  }
0x13: {  	[smem:$0x3FB0] =	sst s0;
	s0 =	simm.s32 @!p1 $0x0  }
0x14: {  	s2 =	sld [smem:$0x3F94];
	s0 =	simm.s32 @p1 $0x1  }
0x15: {  	[smem:$0x3FB1] =	sst s0;
	s0 =	simm.s32 @!p2 $0x0  }
0x16: {  	s3 =	sld [smem:$0x3FDB];
	s0 =	simm.s32 @p2 $0x1  }
0x17: {  	s4 =	simm.s32 $0x1BF5;
	[smem:$0x3FB3] =	sst s0  }
0x18: {  	s0 =	sld [smem:$0x3F96];
	_ =	swait.ge [sflag:s4], $0x0  }
0x19: {  	s7 =	sld [smem:$0x3F97]  }
0x1a: {  	s8 =	sadd.s32 $0xFFFFE003, lr  }
0x1b: {  	s9 =	sadd.s32 $0xFFFFFEF7, lr;
	s5 =	simm.s32 $0xFFFFFFFF;
	p2 =	slt.u32 s8, $0xFFFFF086  }
0x1c: {  	p1 =	slt.u32 s9, $0xF7A;
	s5 =	simm.s32 @!p2 $0x0  }
0x1d: {  	s5 =	simm.s32 @p1 $0x1;
	p0 =	seq.s32 s7, s2  }
0x1e: {  	s7 =	smul.u32 @!p0 $0xF7A, s2;
	p2 =	seq.s32 @!p0 s5, $0x0  }
0x1f: {  	s9 =	smul.u32 $0xF7A, s1;
	s8 =	simm.s32 @!p0 $0x1BF5;
	p2 =	por !p2, p0  }
0x20: {  	[sflag:s8] =	ssyncset.s32 @!p0 $0xFFFFF086;
	s6 =	sadd.s32 @!p0 s3, s7;
	s7 =	simm.s32 @!p0 $0x108  }
0x21: {  	s3 =	sadd.s32 s3, s9;
	s6 =	sadd.s32 @!p0 $0x88, s6;
	s7 =	simm.s32 @p2 $0x1082  }
0x22: {  	[simem:s7], [sflag:s8] =	dma.local @!p0 [hbm:s6], $0xF7A  }
0x23: {  	s9 =	sor.u32 $0xD0000000, s2;
	s6 =	simm.s32 $0x108;
	_ =	swait.ge @!p0 [sflag:s8], $0x0  }
0x24: {  	s3 =	sadd.s32 $0x88, s3;
	s6 =	simm.s32 @!p1 $0x1082;
	[sflag:s4] =	ssyncset.s32 $0xFFFFF086  }
0x25: {  	[simem:s6], [sflag:s4] =	dma.local [hbm:s3], $0xF7A  }
0x26: {  	[smem:$0x3F97] =	sst s1;
	(tag) =	ssettag s2;
	_ =	strace s9  }
0x27: {  	s1 =	sld [smem:$0x3FA7]  }
0x28: {  	s2 =	sld [smem:$0x3FA8]  }
0x29: {  	s4 =	sld [smem:$0x3FAA]  }
0x2a: {  	p0 =	seq.s32 s5, $0x0;
	s5 =	sld [smem:$0x3FAB]  }
0x2b: {  	s6 =	sld [smem:$0x3FAC]  }
0x2c: {  	s7 =	sld [smem:$0x3FAD]  }
0x2d: {  	s3 =	simm.s32 $0x108;
	s8 =	sld [smem:$0x3FAE]  }
0x2e: {  	s3 =	simm.s32 @!p0 $0x1082;
	s9 =	sld [smem:$0x3FAF]  }
0x2f: {  	lr =	sadd.s32 s0, s3;
	s0 =	sld [smem:$0x3FA6]  }
0x30: {  	s3 =	sld [smem:$0x3FA9]  }
0x31: {  	[smem:$0x3FB2] =	sst s10  }
0x32: {  	s10 =	sld [smem:$0x3FB0];
	_ =	sdelay $0x3  }
0x33: {  	p0 =	seq.s32 s10, $0x1;
	s10 =	sld [smem:$0x3FB2];
	_ =	sdelay $0x3  }
0x34: {  	[smem:$0x3FB2] =	sst s10  }
0x35: {  	s10 =	sld [smem:$0x3FB1];
	_ =	sdelay $0x3  }
0x36: {  	p1 =	seq.s32 s10, $0x1;
	s10 =	sld [smem:$0x3FB2];
	_ =	sdelay $0x3  }
0x37: {  	[smem:$0x3FB2] =	sst s10  }
0x38: {  	s10 =	sld [smem:$0x3FB3]  }
0x39: {  	_ = 	snop;
	(pc) =	sbr.ind lr, $3  }
0x3a: {  	_ = 	snop  }
0x3b: {  	_ = 	snop  }
0x3c: {  	p2 =	seq.s32 s10, $0x1;
	s10 =	sld [smem:$0x3FB2]  }
0x3d: {  	_ =	shalt  }
0x3e: {  	_ =	shalt  }
0x3f: {  	_ =	shalt  }
0x40: {  	_ =	shalt  }
0x41: {  	_ =	shalt  }
0x42: {  	_ =	shalt  }
0x43: {  	_ =	shalt  }
0x44: {  	_ =	shalt  }
0x45: {  	_ =	shalt  }
0x46: {  	_ =	shalt  }
0x47: {  	_ =	shalt  }
0x48: {  	_ =	shalt  }
0x49: {  	_ =	shalt  }
0x4a: {  	_ =	shalt  }
0x4b: {  	_ =	shalt  }
0x4c: {  	_ =	shalt  }
0x4d: {  	_ =	shalt  }
0x4e: {  	_ =	shalt  }
0x4f: {  	_ =	shalt  }
0x50: {  	_ =	shalt  }
0x51: {  	_ =	shalt  }
0x52: {  	_ =	shalt  }
0x53: {  	_ =	shalt  }
0x54: {  	_ =	shalt  }
0x55: {  	_ =	shalt  }
0x56: {  	_ =	shalt  }
0x57: {  	_ =	shalt  }
0x58: {  	_ =	shalt  }
0x59: {  	_ =	shalt  }
0x5a: {  	_ =	shalt  }
0x5b: {  	_ =	shalt  }
0x5c: {  	_ =	shalt  }
0x5d: {  	_ =	shalt  }
0x5e: {  	_ =	shalt  }
0x5f: {  	_ =	shalt  }
0x60: {  	_ =	shalt  }
0x61: {  	_ =	shalt  }
0x62: {  	_ =	shalt  }
0x63: {  	_ =	shalt  }
0x64: {  	_ =	shalt  }
0x65: {  	_ =	shalt  }
0x66: {  	_ =	shalt  }
0x67: {  	_ =	shalt  }
0x68: {  	_ =	shalt  }
0x69: {  	_ =	shalt  }
0x6a: {  	_ =	shalt  }
0x6b: {  	_ =	shalt  }
0x6c: {  	_ =	shalt  }
0x6d: {  	_ =	shalt  }
0x6e: {  	_ =	shalt  }
0x6f: {  	_ =	shalt  }
0x70: {  	_ =	shalt  }
0x71: {  	_ =	shalt  }
0x72: {  	_ =	shalt  }
0x73: {  	_ =	shalt  }
0x74: {  	_ =	shalt  }
0x75: {  	_ =	shalt  }
0x76: {  	_ =	shalt  }
0x77: {  	_ =	shalt  }
0x78: {  	_ =	shalt  }
0x79: {  	_ =	shalt  }
0x7a: {  	_ =	shalt  }
0x7b: {  	_ =	shalt  }
0x7c: {  	_ =	shalt  }
0x7d: {  	_ =	shalt  }
0x7e: {  	_ =	shalt  }
0x7f: {  	_ =	shalt  }
0x80: {  	_ =	shalt  }
0x81: {  	_ =	shalt  }
0x82: {  	_ =	shalt  }
0x83: {  	_ =	shalt  }
0x84: {  	_ =	shalt  }
0x85: {  	_ =	shalt  }
0x86: {  	_ =	shalt  }
0x87: {  	_ =	shalt  }
.Lfunc_end0:
.L_simem_size_0:
called_computation.2_lowered:
.L_overlay_start_0:
0x88: {  	s2 =	sld [smem:$0x3FD9]  }
0x89: {  	s3 =	sld [smem:$0x3FFE];
	_ =	sdelay $0x1  }
0x8a: {  	s1 =	srdreg.scid  }
0x8b: {  	s0 =	sand.u32 $0x1, s1  }
0x8c: {  	s17 =	sshll.u32 s0, $0xA;
	s2 =	sadd.s32 s3, s2  }
0x8d: {  	s2 =	sadd.s32 s2, s17  }
0x8e: {  	[smem:$0x3FBE] =	sst s2  }
0x8f: {  	_ = 	snop  }
0x90: {  	s2 =	sld [smem:$0x3FD0];
	(tm) =	ssettm $0x1  }
0x91: {  	s18 =	sld [smem:$0x3FFB];
	_ =	sdelay $0x3  }
0x92: {  	_ =	strace s18  }
0x93: {  	s3 =	sld [smem:$0x3FFC];
	_ =	sdelay $0x3  }
0x94: {  	_ =	strace s3  }
0x95: {  	s3 =	sld [smem:$0x3FFD];
	_ =	sdelay $0x3  }
0x96: {  	_ =	strace s3  }
0x97: {  	_ =	strace $0x8FFFFFFF  }
0x98: {  	s19 =	sld [smem:$0x3FDB];
	_ =	sdelay $0x1  }
0x99: {  	s4 =	simm.s32 $_scs_section_size  }
0x9a: {  	s5 =	simm.s32 $_size__tile_overlayer_lowered;
	s6 =	simm.s32 $_tile_overlayer_lowered  }
0x9b: {  	s22 =	simm.s32 $0x1BFF;
	s21 =	sshll.u32 s6, $0x1;
	s3 =	sadd.s32 s4, s19  }
0x9c: {  	s7 =	simm.s32 $0x0;
	s20 =	sshll.u32 s5, $0x1;
	s5 =	sadd.s32 s21, s3  }
0x9d: {  	[timem:s7], [sflag:s22] =	dma.local [hbm:s5], s20  }
0x9e: {  	_ =	swait.ge [sflag:s22], s20  }
0x9f: {  	s4 =	ssub.s32 $0x0, s20;
	[sflag:s22] =	ssyncset.done $0x0  }
0xa0: {  	[sflag:s22] =	ssyncadd.s32 s4;
	_ =	sdelay $0x1  }
0xa1: {  	s23 =	simm.s32 $0x1B8B  }
0xa2: {  	_ =	swait.ge [sflag:s23], $0x1  }
0xa3: {  	[sflag:s23] =	ssyncset.done $0x0  }
0xa4: {  	s25 =	simm.s32 $0x1B8E;
	s24 =	sld [smem:$0x3FFE];
	[sflag:s23] =	ssyncadd.s32 $0xFFFFFFFF  }
0xa5: {  	s26 =	simm.s32 $execute0_lowered;
	[smem:$0x3FD2] =	sst s25  }
0xa6: {  	s5 =	sshll.u32 s26, $0x1;
	_ =	strace $0x8000004C;
	[dreg:$0x1] =	wrdreg $0xFFFFFFFF  }
0xa7: {  	s28 =	simm.s32 $_size_execute0_lowered;
	s3 =	sadd.s32 s3, s5;
	[dreg:$0x0] =	wrdreg $0x0  }
0xa8: {  	s5 =	sshll.u32 s28, $0x1;
	[dreg:$0x2] =	wrdreg s3  }
0xa9: {  	[dreg:$0x3] =	wrdreg s5  }
0xaa: {  	[dreg:$0x4] =	wrdreg $0xC0  }
0xab: {  	_ =	task [dreg:s7], $0x5FFFF  }
0xac: {  	[dreg:$0x1] =	wrdreg $0xFFFFFFFF  }
0xad: {  	[dreg:$0x0] =	wrdreg $0x60  }
0xae: {  	[dreg:$0x2] =	wrdreg s2  }
0xaf: {  	[dreg:$0x3] =	wrdreg s24  }
0xb0: {  	[dreg:$0x4] =	wrdreg $0x8E000  }
0xb1: {  	[dreg:$0x5] =	wrdreg $0x9  }
0xb2: {  	_ =	task.clear_ibuf [dreg:s7], $0x6FFFF;
	_ =	strace $0x9000004C  }
0xb3: {  	s29 =	simm.s32 $0x9;
	_ =	strace $0x8000004E  }
0xb4: {  	_ =	swait.ge [sflag:s29], $0x1  }
0xb5: {  	[sflag:s29] =	ssyncadd.s32 $0xFFFFFFFF  }
0xb6: {  	_ =	strace $0x9000004E  }
0xb7: {  	_ =	sfence  }
0xb8: {  	s30 =	sld [smem:$0x0];
	_ =	sdelay $0x2  }
0xb9: {  	s31 =	sshll.u32 s1, $0xD;
	s1 =	sshrl.u32 s1, $0x2  }
0xba: {  	s3 =	sand.u32 $0x4000, s31;
	s1 =	sadd.s32 s1, s30  }
0xbb: {  	s0 =	sor.u32 s3, s0;
	s1 =	sshll.u32 s1, $0x11  }
0xbc: {  	s0 =	sor.u32 s1, s0  }
0xbd: {  	s0 =	sadd.s32 $0x8F2B, s0  }
0xbe: {  	[sflag:s0] =	ssyncadd.remote.s32 $0x1  }
0xbf: {  	_ =	sfence.sel $0xFFFF  }
0xc0: {  	[dreg:$0x0] =	wrdreg $0xFFFFFFFF;
	(pc) =	sbr.abs _section_cstart, $3  }
0xc1: {  	[dreg:$0x1] =	wrdreg $0xFFFFFFFF  }
0xc2: {  	_ =	task.clear_ibuf [dreg:s7], $0x2FFFF;
	_ =	strace $0x9FFFFFFF  }
0xc3: {  	(tm) =	ssettm $0x7FFFFFFF  }
tec
execute0_lowered:
.L_overlay_start_1:
0x0: {  	(tag) =	ssettag $0x1  }
0x1: {  	s9 =	stileid.u32  }
0x2: {  	s0 =	srdreg.scid;
	s6 =	smul.u32 $0x2710, s9  }
0x3: {  	s5 =	rddreg [dreg:$0x1];
	s0 =	sand.u32 $0x1, s0;
	s8 =	smul.u32 $0x14000, s9  }
0x4: {  	s20 =	rddreg [dreg:$0x2];
	s4 =	simm.s32 $0x0;
	s2 =	smul.u32 $0x27100, s0  }
0x5: {  	[smem:$0x7FF] =	sst s4;
	s29 =	sadd.s32 $0xC800, s5;
	s7 =	smul.u32 $0x140000, s0  }
0x6: {  	_ =	strace $0x8000004D;
	s0 =	ssub.s32 $0x2, s0;
	[dreg:$0x4] =	wrdreg s29  }
0x7: {  	s17 =	sshrl.u32 s0, $0x1;
	s2 =	sadd.s32 s6, s2;
	s7 =	sadd.s32 s8, s7  }
0x8: {  	s0 =	ssub.s32 s0, s17;
	s6 =	sshrl.u32 s2, $0x3;
	s7 =	sshrl.u32 s7, $0x3  }
0x9: {  	s19 =	sadd.s32 $0x28, s2;
	s0 =	smax.u32 s0, $0x1;
	s16 =	sadd.s32 s6, s5  }
0xa: {  	s5 =	sadd.s32 s7, s5;
	s11 =	sadd.s32 s29, s6;
	[dreg:$0xd] =	wrdreg s0  }
0xb: {  	s7 =	sshrl.u32 s19, $0x3;
	s18 =	sadd.s32 $0x2A00, s16;
	[dreg:$0x6] =	wrdreg s11  }
0xc: {  	s21 =	sadd.s32 $0x78, s2;
	s22 =	sadd.s32 s29, s7;
	[dreg:$0x5] =	wrdreg s18  }
0xd: {  	s23 =	sshrl.u32 s21, $0x3;
	s24 =	sadd.s32 $0xA, s11;
	[dreg:$0x7] =	wrdreg s22  }
0xe: {  	s6 =	sadd.s32 s29, s23;
	[dreg:$0x8] =	wrdreg s24  }
0xf: {  	s9 =	smul.u32 $0x50000, s9;
	s26 =	sadd.s32 $0x14, s11;
	[dreg:$0x9] =	wrdreg s6  }
0x10: {  	s5 =	sadd.s32 $0x16600, s5;
	[dreg:$0xa] =	wrdreg s26  }
0x11: {  	s25 =	sshrl.u32 s9, $0x2;
	s16 =	sadd.s32 $0xC8, s2;
	[dreg:$0xb] =	wrdreg s5  }
0x12: {  	s11 =	sadd.s32 s25, s20;
	[dreg:$0x18] =	wrdreg s16  }
0x13: {  	s1 =	sadd.s32 $0x1400, s11;
	[dreg:$0xc] =	wrdreg s11  }
0x14: {  	s28 =	simm.s32 $0x6600;
	s3 =	sadd.s32 $0x2800, s11;
	[dreg:$0xe] =	wrdreg s1  }
0x15: {  	s30 =	simm.s32 $0xB;
	s5 =	sadd.s32 $0x3C00, s11;
	[dreg:$0xf] =	wrdreg s3  }
0x16: {  	s31 =	simm.s32 $0xD;
	s6 =	sadd.s32 $0x5000, s11;
	[dreg:$0x10] =	wrdreg s5  }
0x17: {  	s10 =	sadd.s32 $0x140, s2;
	s8 =	sadd.s32 $0x6400, s11;
	[dreg:$0x11] =	wrdreg s6  }
0x18: {  	s12 =	sadd.s32 $0x118, s2;
	s9 =	sadd.s32 $0x7800, s11;
	[dreg:$0x12] =	wrdreg s8  }
0x19: {  	s13 =	sadd.s32 $0xF0, s2;
	s17 =	sadd.s32 $0x8C00, s11;
	[dreg:$0x13] =	wrdreg s9  }
0x1a: {  	s15 =	sshrl.u32 s13, $0x3;
	s18 =	sadd.s32 $0xA000, s11;
	[dreg:$0x19] =	wrdreg s17  }
0x1b: {  	s13 =	simm.s32 $0x9;
	s19 =	sadd.s32 $0xB400, s11;
	[dreg:$0x1a] =	wrdreg s18  }
0x1c: {  	s7 =	sadd.s32 $0x168, s2;
	s21 =	sadd.s32 $0xC800, s11;
	[dreg:$0x1b] =	wrdreg s19  }
0x1d: {  	s2 =	simm.s32 $0x2980;
	s22 =	sadd.s32 $0xDC00, s11;
	[dreg:$0x1c] =	wrdreg s21  }
0x1e: {  	s0 =	sshrl.u32 s7, $0x3;
	s23 =	sadd.s32 $0xF000, s11;
	[dreg:$0x1d] =	wrdreg s22  }
0x1f: {  	s24 =	sadd.s32 $0x10400, s11;
	s25 =	sadd.s32 $0x11800, s11;
	[dreg:$0x1e] =	wrdreg s23  }
0x20: {  	s26 =	sadd.s32 $0x12C00, s11;
	s16 =	simm.s32 $0x2780;
	[dreg:$0x1f] =	wrdreg s24  }
0x21: {  	s7 =	simm.s32 $0x3E00;
	s0 =	sadd.s32 s0, s29;
	[smem:$0x7FC] =	sst s25  }
0x22: {  	s5 =	sshrl.u32 s12, $0x3;
	[smem:$0x7FD] =	sst s26;
	s12 =	simm.s32 $0x28  }
0x23: {  	s17 =	simm.s32 $0x2800;
	s19 =	simm.s32 $0x5200;
	s26 =	simm.s32 $0x2900  }
0x24: {  	s3 =	simm.s32 $0x2;
	s21 =	simm.s32 $0x7;
	s22 =	simm.s32 $0x3  }
0x25: {  	s23 =	simm.s32 $0x8;
	s24 =	simm.s32 $0x4;
	s18 =	simm.s32 $0x5  }
0x26: {  	s25 =	simm.s32 $0xA;
	s1 =	simm.s32 $0xC;
	s6 =	simm.s32 $0x0  }
0x27: {  	[dreg:$0x14] =	wrdreg s0;
	s0 =	sshrl.u32 s10, $0x3;
	s14 =	sadd.s32 s5, s29  }
0x28: {  	s10 =	simm.s32 $0x2880;
	s0 =	sadd.s32 s0, s29;
	[dreg:$0x16] =	wrdreg s14  }
0x29: {  	s14 =	simm.s32 $0x2A00;
	[dreg:$0x15] =	wrdreg s0;
	s0 =	sadd.s32 s15, s29  }
0x2a: {  	v0 =	vimm.f32 $0.0e+00;
	s15 =	simm.s32 $0x10;
	[dreg:$0x17] =	wrdreg s0;
	s0 =	simm.s32 $0x7A00  }
.LBB2_1:
0x2b: {  	[smem:$0x7FB] =	sst s6;
	s5 =	simm.s32 $0x70;
	s9 =	simm.s32 $0x3C0  }
.LBB2_2:
0x2c: {  	p0 =	sne.s32 s9, $0x4FC0;
	[tilespmem:s5+$0x2A00] =	vst v0  }
0x2d: {  	[tilespmem:s5+$0x2990] =	vst v0  }
0x2e: {  	[tilespmem:s5+$0x29A0] =	vst v0  }
.Ltmp0:
0x2f: {  	[tilespmem:s5+$0x29B0] =	vst v0;
	(pc) =	sbr.rel @p0 .LBB2_2-.Ltmp0, $4  }
0x30: {  	[tilespmem:s5+$0x29C0] =	vst v0  }
0x31: {  	[tilespmem:s5+$0x29D0] =	vst v0  }
0x32: {  	[tilespmem:s5+$0x29E0] =	vst v0  }
0x33: {  	[tilespmem:s5+$0x29F0] =	vst v0;
	s5 =	sshra.s32 s9, $0x2;
	s9 =	sadd.s32 $0x200, s9  }
0x34: {  	[tilespmem:s5+$0x2A00] =	vst v0  }
0x35: {  	[tilespmem:s5+$0x2990] =	vst v0  }
0x36: {  	[tilespmem:s5+$0x29A0] =	vst v0  }
0x37: {  	[tilespmem:s5+$0x29B0] =	vst v0  }
0x38: {  	[tilespmem:s5+$0x29C0] =	vst v0  }
0x39: {  	[tilespmem:s5+$0x29D0] =	vst v0  }
0x3a: {  	[tilespmem:s5+$0x29E0] =	vst v0  }
0x3b: {  	[tilespmem:s5+$0x29F0] =	vst v0  }
0x3c: {  	[spmem:s11] =	stream.linear.scatter [tilespmem:s14], [sflag:$0x10], $0x1400, $0x38;
	[tilespmem:$0x1CE00] =	vst v63  }
0x3d: {  	_ =	swait.ge [sflag:s15], $0x1400  }
0x3e: {  	[sflag:s15] =	ssyncset.done $0x0  }
0x3f: {  	s8 =	rddreg [dreg:$0xe];
	[sflag:s15] =	ssyncadd.s32 $0xFFFFEC00  }
0x40: {  	[spmem:s8] =	stream.linear.scatter [tilespmem:s14], [sflag:$0x10], $0x1400, $0x38;
	[tilespmem:$0x1CE00] =	vst v63  }
0x41: {  	_ =	swait.ge [sflag:s15], $0x1400  }
0x42: {  	[sflag:s15] =	ssyncset.done $0x0  }
0x43: {  	s9 =	rddreg [dreg:$0xf];
	[sflag:s15] =	ssyncadd.s32 $0xFFFFEC00  }
0x44: {  	[spmem:s9] =	stream.linear.scatter [tilespmem:s14], [sflag:$0x10], $0x1400, $0x38;
	[tilespmem:$0x1CE00] =	vst v63  }
0x45: {  	_ =	swait.ge [sflag:s15], $0x1400  }
0x46: {  	[sflag:s15] =	ssyncset.done $0x0  }
0x47: {  	s11 =	rddreg [dreg:$0x10];
	[sflag:s15] =	ssyncadd.s32 $0xFFFFEC00  }
0x48: {  	[spmem:s11] =	stream.linear.scatter [tilespmem:s14], [sflag:$0x10], $0x1400, $0x38;
	[tilespmem:$0x1CE00] =	vst v63  }
0x49: {  	_ =	swait.ge [sflag:s15], $0x1400  }
0x4a: {  	[sflag:s15] =	ssyncset.done $0x0  }
0x4b: {  	s6 =	rddreg [dreg:$0x11];
	[sflag:s15] =	ssyncadd.s32 $0xFFFFEC00  }
0x4c: {  	[spmem:s6] =	stream.linear.scatter [tilespmem:s14], [sflag:$0x10], $0x1400, $0x38;
	[tilespmem:$0x1CE00] =	vst v63  }
0x4d: {  	_ =	swait.ge [sflag:s15], $0x1400  }
0x4e: {  	[sflag:s15] =	ssyncset.done $0x0  }
0x4f: {  	s8 =	rddreg [dreg:$0x12];
	[sflag:s15] =	ssyncadd.s32 $0xFFFFEC00  }
0x50: {  	[spmem:s8] =	stream.linear.scatter [tilespmem:s14], [sflag:$0x10], $0x1400, $0x38;
	[tilespmem:$0x1CE00] =	vst v63  }
0x51: {  	_ =	swait.ge [sflag:s15], $0x1400  }
0x52: {  	[sflag:s15] =	ssyncset.done $0x0  }
0x53: {  	s9 =	rddreg [dreg:$0x13];
	[sflag:s15] =	ssyncadd.s32 $0xFFFFEC00  }
0x54: {  	[spmem:s9] =	stream.linear.scatter [tilespmem:s14], [sflag:$0x10], $0x1400, $0x38;
	[tilespmem:$0x1CE00] =	vst v63  }
0x55: {  	_ =	swait.ge [sflag:s15], $0x1400  }
0x56: {  	[sflag:s15] =	ssyncset.done $0x0  }
0x57: {  	s11 =	rddreg [dreg:$0x19];
	[sflag:s15] =	ssyncadd.s32 $0xFFFFEC00  }
0x58: {  	[spmem:s11] =	stream.linear.scatter [tilespmem:s14], [sflag:$0x10], $0x1400, $0x38;
	[tilespmem:$0x1CE00] =	vst v63  }
0x59: {  	_ =	swait.ge [sflag:s15], $0x1400  }
0x5a: {  	[sflag:s15] =	ssyncset.done $0x0  }
0x5b: {  	s6 =	rddreg [dreg:$0x1a];
	[sflag:s15] =	ssyncadd.s32 $0xFFFFEC00  }
0x5c: {  	[spmem:s6] =	stream.linear.scatter [tilespmem:s14], [sflag:$0x10], $0x1400, $0x38;
	[tilespmem:$0x1CE00] =	vst v63  }
0x5d: {  	_ =	swait.ge [sflag:s15], $0x1400  }
0x5e: {  	[sflag:s15] =	ssyncset.done $0x0  }
0x5f: {  	s8 =	rddreg [dreg:$0x1b];
	[sflag:s15] =	ssyncadd.s32 $0xFFFFEC00  }
0x60: {  	[spmem:s8] =	stream.linear.scatter [tilespmem:s14], [sflag:$0x10], $0x1400, $0x38;
	[tilespmem:$0x1CE00] =	vst v63  }
0x61: {  	_ =	swait.ge [sflag:s15], $0x1400  }
0x62: {  	[sflag:s15] =	ssyncset.done $0x0  }
0x63: {  	s9 =	rddreg [dreg:$0x1c];
	[sflag:s15] =	ssyncadd.s32 $0xFFFFEC00  }
0x64: {  	[spmem:s9] =	stream.linear.scatter [tilespmem:s14], [sflag:$0x10], $0x1400, $0x38;
	[tilespmem:$0x1CE00] =	vst v63  }
0x65: {  	_ =	swait.ge [sflag:s15], $0x1400  }
0x66: {  	[sflag:s15] =	ssyncset.done $0x0  }
0x67: {  	s11 =	rddreg [dreg:$0x1d];
	[sflag:s15] =	ssyncadd.s32 $0xFFFFEC00  }
0x68: {  	[spmem:s11] =	stream.linear.scatter [tilespmem:s14], [sflag:$0x10], $0x1400, $0x38;
	[tilespmem:$0x1CE00] =	vst v63  }
0x69: {  	_ =	swait.ge [sflag:s15], $0x1400  }
0x6a: {  	[sflag:s15] =	ssyncset.done $0x0  }
0x6b: {  	s6 =	rddreg [dreg:$0x1e];
	[sflag:s15] =	ssyncadd.s32 $0xFFFFEC00  }
0x6c: {  	[spmem:s6] =	stream.linear.scatter [tilespmem:s14], [sflag:$0x10], $0x1400, $0x38;
	[tilespmem:$0x1CE00] =	vst v63  }
0x6d: {  	_ =	swait.ge [sflag:s15], $0x1400  }
0x6e: {  	[sflag:s15] =	ssyncset.done $0x0  }
0x6f: {  	s8 =	rddreg [dreg:$0x1f];
	[sflag:s15] =	ssyncadd.s32 $0xFFFFEC00  }
0x70: {  	[spmem:s8] =	stream.linear.scatter [tilespmem:s14], [sflag:$0x10], $0x1400, $0x38;
	[tilespmem:$0x1CE00] =	vst v63  }
0x71: {  	_ =	swait.ge [sflag:s15], $0x1400  }
0x72: {  	s9 =	sld [smem:$0x7FC]  }
0x73: {  	[sflag:s15] =	ssyncset.done $0x0  }
0x74: {  	[sflag:s15] =	ssyncadd.s32 $0xFFFFEC00  }
0x75: {  	[spmem:s9] =	stream.linear.scatter [tilespmem:s14], [sflag:$0x10], $0x1400, $0x38;
	[tilespmem:$0x1CE00] =	vst v63  }
0x76: {  	_ =	swait.ge [sflag:s15], $0x1400  }
0x77: {  	s11 =	sld [smem:$0x7FD]  }
0x78: {  	[sflag:s15] =	ssyncset.done $0x0  }
0x79: {  	[sflag:s15] =	ssyncadd.s32 $0xFFFFEC00  }
0x7a: {  	[spmem:s11] =	stream.linear.scatter [tilespmem:s14], [sflag:$0x10], $0x1400, $0x38;
	[tilespmem:$0x1CE00] =	vst v63  }
0x7b: {  	_ =	swait.ge [sflag:s15], $0x1400  }
0x7c: {  	[sflag:s15] =	ssyncset.done $0x0  }
0x7d: {  	s5 =	simm.s32 $0x0;
	s9 =	rddreg [dreg:$0x5];
	[sflag:s15] =	ssyncadd.s32 $0xFFFFEC00  }
0x7e: {  	[tilespmem:s5], [sflag:$0x10] =	stream.linear.gather [hbm4b:s9+s5], $0x2710, $0x38;
	[tilespmem:$0x1CE00] =	vst v63  }
0x7f: {  	_ =	swait.ge [sflag:s15], $0x2710  }
0x80: {  	[sflag:s15] =	ssyncset.done $0x0  }
0x81: {  	s6 =	rddreg [dreg:$0x6];
	[sflag:s15] =	ssyncadd.s32 $0xFFFFD8F0  }
0x82: {  	[tilespmem:s16], [sflag:$0x6] =	stream.linear.gather [hbm4b:s6+s5], $0x28, $0x38;
	[tilespmem:$0x1CE00] =	vst v63  }
0x83: {  	s15 =	rddreg [dreg:$0x0]  }
0x84: {  	[tilespmem:s14], [sflag:$0x1] =	stream.indirect.gather [hbm4b:s15+s12], $0x80, s5, s12, $0xb8;
	[tilespmem:$0x1CE00] =	vst v63  }
0x85: {  	s8 =	rddreg [dreg:$0x7]  }
0x86: {  	[tilespmem:s17], [sflag:$0x7] =	stream.linear.gather [hbm4b:s8+s5], $0x28, $0x38;
	[tilespmem:$0x1CE00] =	vst v63  }
0x87: {  	_ = 	snop  }
0x88: {  	[tilespmem:s7], [sflag:$0x2] =	stream.indirect.gather [hbm4b:s15+s12], $0x80, s12, s12, $0xb8;
	[tilespmem:$0x1CE00] =	vst v63  }
0x89: {  	s11 =	rddreg [dreg:$0x8]  }
0x8a: {  	[tilespmem:s10], [sflag:$0x8] =	stream.linear.gather [hbm4b:s11+s5], $0x28, $0x38;
	[tilespmem:$0x1CE00] =	vst v63  }
0x8b: {  	s6 =	simm.s32 $0x50  }
0x8c: {  	[tilespmem:s19], [sflag:$0x3] =	stream.indirect.gather [hbm4b:s15+s12], $0x80, s6, s12, $0xb8;
	[tilespmem:$0x1CE00] =	vst v63  }
0x8d: {  	s8 =	rddreg [dreg:$0x9]  }
0x8e: {  	[tilespmem:s26], [sflag:$0x9] =	stream.linear.gather [hbm4b:s8+s5], $0x28, $0x38;
	[tilespmem:$0x1CE00] =	vst v63  }
0x8f: {  	s11 =	simm.s32 $0x78  }
0x90: {  	[tilespmem:s28], [sflag:$0x4] =	stream.indirect.gather [hbm4b:s15+s12], $0x80, s11, s12, $0xb8;
	[tilespmem:$0x1CE00] =	vst v63  }
0x91: {  	s6 =	rddreg [dreg:$0xa]  }
0x92: {  	[tilespmem:s2], [sflag:$0xA] =	stream.linear.gather [hbm4b:s6+s5], $0x28, $0x38;
	[tilespmem:$0x1CE00] =	vst v63  }
0x93: {  	s8 =	simm.s32 $0xA0  }
0x94: {  	[tilespmem:s0], [sflag:$0x5] =	stream.indirect.gather [hbm4b:s15+s12], $0x80, s8, s12, $0xb8;
	[tilespmem:$0x1CE00] =	vst v63  }
0x95: {  	s9 =	simm.s32 $0x1;
	[bflag:$0x0] =	sbarrier.arrive $0xFFFF  }
0x96: {  	_ =	swait.ge [sflag:s9], $0x1400  }
0x97: {  	[sflag:s9] =	ssyncset.done $0x0  }
0x98: {  	s11 =	simm.s32 $0x6;
	[sflag:s9] =	ssyncadd.s32 $0xFFFFEC00  }
0x99: {  	_ =	swait.ge [sflag:s11], $0x28  }
0x9a: {  	[sflag:s11] =	ssyncset.done $0x0  }
0x9b: {  	[sflag:s11] =	ssyncadd.s32 $0xFFFFFFD8  }
0x9c: {  	[spmem:s20] =	stream.indirect.scatter.add.f32 [tilespmem:s14], [sflag:$0xB], $0x80, s16, s12, $0xb8;
	[tilespmem:$0x1CE00] =	vst v63  }
0x9d: {  	_ =	swait.ge [sflag:s3], $0x1400  }
0x9e: {  	[sflag:s3] =	ssyncset.done $0x0  }
0x9f: {  	[sflag:s3] =	ssyncadd.s32 $0xFFFFEC00  }
0xa0: {  	_ =	swait.ge [sflag:s21], $0x28  }
0xa1: {  	[sflag:s21] =	ssyncset.done $0x0  }
0xa2: {  	[sflag:s21] =	ssyncadd.s32 $0xFFFFFFD8  }
0xa3: {  	[spmem:s20] =	stream.indirect.scatter.add.f32 [tilespmem:s7], [sflag:$0xC], $0x80, s17, s12, $0xb8;
	[tilespmem:$0x1CE00] =	vst v63  }
0xa4: {  	_ =	swait.ge [sflag:s22], $0x1400  }
0xa5: {  	[sflag:s22] =	ssyncset.done $0x0  }
0xa6: {  	[sflag:s22] =	ssyncadd.s32 $0xFFFFEC00  }
0xa7: {  	_ =	swait.ge [sflag:s23], $0x28  }
0xa8: {  	[sflag:s23] =	ssyncset.done $0x0  }
0xa9: {  	[sflag:s23] =	ssyncadd.s32 $0xFFFFFFD8  }
0xaa: {  	[spmem:s20] =	stream.indirect.scatter.add.f32 [tilespmem:s19], [sflag:$0xD], $0x80, s10, s12, $0xb8;
	[tilespmem:$0x1CE00] =	vst v63  }
0xab: {  	_ =	swait.ge [sflag:s24], $0x1400  }
0xac: {  	[sflag:s24] =	ssyncset.done $0x0  }
0xad: {  	[sflag:s24] =	ssyncadd.s32 $0xFFFFEC00  }
0xae: {  	_ =	swait.ge [sflag:s13], $0x28  }
0xaf: {  	[sflag:s13] =	ssyncset.done $0x0  }
0xb0: {  	[sflag:s13] =	ssyncadd.s32 $0xFFFFFFD8  }
0xb1: {  	[spmem:s20] =	stream.indirect.scatter.add.f32 [tilespmem:s28], [sflag:$0xE], $0x80, s26, s12, $0xb8;
	[tilespmem:$0x1CE00] =	vst v63  }
0xb2: {  	_ =	swait.ge [sflag:s18], $0x1400  }
0xb3: {  	[sflag:s18] =	ssyncset.done $0x0  }
0xb4: {  	[sflag:s18] =	ssyncadd.s32 $0xFFFFEC00  }
0xb5: {  	_ =	swait.ge [sflag:s25], $0x28  }
0xb6: {  	[sflag:s25] =	ssyncset.done $0x0  }
0xb7: {  	[sflag:s25] =	ssyncadd.s32 $0xFFFFFFD8  }
0xb8: {  	[spmem:s20] =	stream.indirect.scatter.add.f32 [tilespmem:s0], [sflag:$0xF], $0x80, s2, s12, $0xb8;
	[tilespmem:$0x1CE00] =	vst v63  }
0xb9: {  	_ =	swait.ge [sflag:s30], $0x1400  }
0xba: {  	s2 =	rddreg [dreg:$0x18]  }
0xbb: {  	[sflag:s30] =	ssyncset.done $0x0;
	s3 =	sshrl.u32 s2, $0x3  }
0xbc: {  	[sflag:s30] =	ssyncadd.s32 $0xFFFFEC00;
	s5 =	sadd.s32 s29, s3  }
0xbd: {  	[tilespmem:s16], [sflag:$0x6] =	stream.linear.gather [hbm4b:s5+s4], $0x28, $0x38;
	[tilespmem:$0x1CE00] =	vst v63  }
0xbe: {  	s4 =	simm.s32 $0xC8  }
0xbf: {  	[tilespmem:s14], [sflag:$0x1] =	stream.indirect.gather [hbm4b:s15+s12], $0x80, s4, s12, $0xb8;
	[tilespmem:$0x1CE00] =	vst v63  }
0xc0: {  	_ =	swait.ge [sflag:s1], $0x1400  }
0xc1: {  	[sflag:s1] =	ssyncset.done $0x0  }
0xc2: {  	s29 =	simm.s32 $0x0;
	s8 =	rddreg [dreg:$0x17];
	[sflag:s1] =	ssyncadd.s32 $0xFFFFEC00  }
0xc3: {  	[tilespmem:s17], [sflag:$0x7] =	stream.linear.gather [hbm4b:s8+s29], $0x28, $0x38;
	[tilespmem:$0x1CE00] =	vst v63  }
0xc4: {  	s13 =	simm.s32 $0xF0  }
0xc5: {  	[tilespmem:s7], [sflag:$0x2] =	stream.indirect.gather [hbm4b:s15+s12], $0x80, s13, s12, $0xb8;
	[tilespmem:$0x1CE00] =	vst v63  }
0xc6: {  	_ =	swait.ge [sflag:s31], $0x1400  }
0xc7: {  	[sflag:s31] =	ssyncset.done $0x0  }
0xc8: {  	s14 =	rddreg [dreg:$0x16];
	[sflag:s31] =	ssyncadd.s32 $0xFFFFEC00  }
0xc9: {  	[tilespmem:s10], [sflag:$0x8] =	stream.linear.gather [hbm4b:s14+s29], $0x28, $0x38;
	[tilespmem:$0x1CE00] =	vst v63  }
0xca: {  	s6 =	simm.s32 $0x2980;
	s21 =	simm.s32 $0x2;
	s18 =	simm.s32 $0x118  }
0xcb: {  	[tilespmem:s19], [sflag:$0x3] =	stream.indirect.gather [hbm4b:s15+s12], $0x80, s18, s12, $0xb8;
	[tilespmem:$0x1CE00] =	vst v63  }
0xcc: {  	s22 =	simm.s32 $0x7;
	s23 =	simm.s32 $0x3;
	s19 =	simm.s32 $0xE  }
0xcd: {  	s24 =	simm.s32 $0x8;
	s0 =	simm.s32 $0xB;
	_ =	swait.ge [sflag:s19], $0x1400  }
0xce: {  	s30 =	simm.s32 $0xF;
	s5 =	sadd.s32 $0xC8, s2;
	[sflag:s19] =	ssyncset.done $0x0  }
0xcf: {  	s16 =	simm.s32 $0x168;
	s25 =	rddreg [dreg:$0x15];
	[sflag:s19] =	ssyncadd.s32 $0xFFFFEC00  }
0xd0: {  	[tilespmem:s26], [sflag:$0x9] =	stream.linear.gather [hbm4b:s25+s29], $0x28, $0x38;
	[tilespmem:$0x1CE00] =	vst v63  }
0xd1: {  	s1 =	simm.s32 $0xC;
	s17 =	smov.u32 s15;
	s26 =	simm.s32 $0x140  }
0xd2: {  	[tilespmem:s28], [sflag:$0x4] =	stream.indirect.gather [hbm4b:s17+s12], $0x80, s26, s12, $0xb8;
	[tilespmem:$0x1CE00] =	vst v63  }
0xd3: {  	s9 =	sadd.s32 $0x19, s8;
	s11 =	sadd.s32 $0x19, s14;
	_ =	swait.ge [sflag:s30], $0x1400  }
0xd4: {  	s10 =	simm.s32 $0x320;
	[sflag:s30] =	ssyncset.done $0x0;
	s31 =	rddreg [dreg:$0x14]  }
0xd5: {  	s15 =	sadd.s32 $0x19, s25;
	[sflag:s30] =	ssyncadd.s32 $0xFFFFEC00;
	s14 =	sadd.s32 $0x19, s31  }
0xd6: {  	[tilespmem:s6], [sflag:$0xA] =	stream.linear.gather [hbm4b:s31+s29], $0x28, $0x38;
	[tilespmem:$0x1CE00] =	vst v63  }
.LBB2_4:
0xd7: {  	s4 =	simm.s32 $0x7A00;
	s6 =	simm.s32 $0x1  }
0xd8: {  	[tilespmem:s4], [sflag:$0x5] =	stream.indirect.gather [hbm4b:s17+s12], $0x80, s16, s12, $0xb8;
	[tilespmem:$0x1CE00] =	vst v63  }
0xd9: {  	_ =	swait.ge [sflag:s6], $0x1400  }
0xda: {  	[sflag:s6] =	ssyncset.done $0x0  }
0xdb: {  	s3 =	simm.s32 $0x6;
	[sflag:s6] =	ssyncadd.s32 $0xFFFFEC00  }
0xdc: {  	_ =	swait.ge [sflag:s3], $0x28  }
0xdd: {  	[sflag:s3] =	ssyncset.done $0x0  }
0xde: {  	s26 =	simm.s32 $0x2780;
	s25 =	simm.s32 $0x2A00;
	[sflag:s3] =	ssyncadd.s32 $0xFFFFFFD8  }
0xdf: {  	[spmem:s20] =	stream.indirect.scatter.add.f32 [tilespmem:s25], [sflag:$0xB], $0x80, s26, s12, $0xb8;
	[tilespmem:$0x1CE00] =	vst v63  }
0xe0: {  	_ =	swait.ge [sflag:s21], $0x1400  }
0xe1: {  	[sflag:s21] =	ssyncset.done $0x0  }
0xe2: {  	[sflag:s21] =	ssyncadd.s32 $0xFFFFEC00  }
0xe3: {  	_ =	swait.ge [sflag:s22], $0x28  }
0xe4: {  	[sflag:s22] =	ssyncset.done $0x0  }
0xe5: {  	s18 =	simm.s32 $0x3E00;
	s13 =	simm.s32 $0x2800;
	[sflag:s22] =	ssyncadd.s32 $0xFFFFFFD8  }
0xe6: {  	[spmem:s20] =	stream.indirect.scatter.add.f32 [tilespmem:s18], [sflag:$0xC], $0x80, s13, s12, $0xb8;
	[tilespmem:$0x1CE00] =	vst v63  }
0xe7: {  	_ =	swait.ge [sflag:s23], $0x1400  }
0xe8: {  	[sflag:s23] =	ssyncset.done $0x0  }
0xe9: {  	[sflag:s23] =	ssyncadd.s32 $0xFFFFEC00  }
0xea: {  	_ =	swait.ge [sflag:s24], $0x28  }
0xeb: {  	s8 =	simm.s32 $0x2880;
	[sflag:s24] =	ssyncset.done $0x0  }
0xec: {  	s2 =	simm.s32 $0x5200;
	s6 =	simm.s32 $0x4;
	[sflag:s24] =	ssyncadd.s32 $0xFFFFFFD8  }
0xed: {  	[spmem:s20] =	stream.indirect.scatter.add.f32 [tilespmem:s2], [sflag:$0xD], $0x80, s8, s12, $0xb8;
	[tilespmem:$0x1CE00] =	vst v63  }
0xee: {  	_ =	swait.ge [sflag:s6], $0x1400  }
0xef: {  	[sflag:s6] =	ssyncset.done $0x0  }
0xf0: {  	s7 =	simm.s32 $0x9;
	[sflag:s6] =	ssyncadd.s32 $0xFFFFEC00  }
0xf1: {  	_ =	swait.ge [sflag:s7], $0x28  }
0xf2: {  	s19 =	simm.s32 $0x6600;
	[sflag:s7] =	ssyncset.done $0x0  }
0xf3: {  	s17 =	simm.s32 $0x5;
	[sflag:s7] =	ssyncadd.s32 $0xFFFFFFD8;
	s7 =	simm.s32 $0x2900  }
0xf4: {  	[spmem:s20] =	stream.indirect.scatter.add.f32 [tilespmem:s19], [sflag:$0xE], $0x80, s7, s12, $0xb8;
	[tilespmem:$0x1CE00] =	vst v63  }
0xf5: {  	_ =	swait.ge [sflag:s17], $0x1400  }
0xf6: {  	[sflag:s17] =	ssyncset.done $0x0  }
0xf7: {  	s28 =	simm.s32 $0xA;
	[sflag:s17] =	ssyncadd.s32 $0xFFFFEC00  }
0xf8: {  	_ =	swait.ge [sflag:s28], $0x28  }
0xf9: {  	[sflag:s28] =	ssyncset.done $0x0  }
0xfa: {  	[sflag:s28] =	ssyncadd.s32 $0xFFFFFFD8;
	s28 =	simm.s32 $0x2980  }
0xfb: {  	[spmem:s20] =	stream.indirect.scatter.add.f32 [tilespmem:s4], [sflag:$0xF], $0x80, s28, s12, $0xb8;
	[tilespmem:$0x1CE00] =	vst v63  }
0xfc: {  	s16 =	smov.u32 s10;
	_ =	swait.ge [sflag:s0], $0x1400  }
0xfd: {  	s6 =	sshrl.u32 s5, $0x3;
	[sflag:s0] =	ssyncset.done $0x0;
	s30 =	rddreg [dreg:$0x4]  }
0xfe: {  	s16 =	sshra.s32 s16, $0x2;
	[sflag:s0] =	ssyncadd.s32 $0xFFFFEC00;
	s17 =	sadd.s32 s30, s6  }
0xff: {  	[tilespmem:s26], [sflag:$0x6] =	stream.linear.gather [hbm4b:s17+s29], $0x28, $0x38;
	[tilespmem:$0x1CE00] =	vst v63  }
0x100: {  	s3 =	sadd.s32 $0xC8, s16;
	s30 =	rddreg [dreg:$0x0]  }
0x101: {  	[tilespmem:s25], [sflag:$0x1] =	stream.indirect.gather [hbm4b:s30+s12], $0x80, s3, s12, $0xb8;
	[tilespmem:$0x1CE00] =	vst v63  }
0x102: {  	_ =	swait.ge [sflag:s1], $0x1400  }
0x103: {  	[sflag:s1] =	ssyncset.done $0x0  }
0x104: {  	[sflag:s1] =	ssyncadd.s32 $0xFFFFEC00  }
0x105: {  	[tilespmem:s13], [sflag:$0x7] =	stream.linear.gather [hbm4b:s9+s29], $0x28, $0x38;
	[tilespmem:$0x1CE00] =	vst v63  }
0x106: {  	s4 =	sadd.s32 $0xF0, s16;
	s26 =	simm.s32 $0xD;
	s30 =	rddreg [dreg:$0x0]  }
0x107: {  	[tilespmem:s18], [sflag:$0x2] =	stream.indirect.gather [hbm4b:s30+s12], $0x80, s4, s12, $0xb8;
	[tilespmem:$0x1CE00] =	vst v63  }
0x108: {  	_ =	swait.ge [sflag:s26], $0x1400  }
0x109: {  	[sflag:s26] =	ssyncset.done $0x0  }
0x10a: {  	p0 =	sne.s32 s10, $0x9600;
	[sflag:s26] =	ssyncadd.s32 $0xFFFFEC00  }
0x10b: {  	[tilespmem:s8], [sflag:$0x8] =	stream.linear.gather [hbm4b:s11+s29], $0x28, $0x38;
	[tilespmem:$0x1CE00] =	vst v63  }
0x10c: {  	s17 =	simm.s32 $0xE;
	s4 =	sadd.s32 $0x118, s16;
	s30 =	rddreg [dreg:$0x0]  }
0x10d: {  	[tilespmem:s2], [sflag:$0x3] =	stream.indirect.gather [hbm4b:s30+s12], $0x80, s4, s12, $0xb8;
	[tilespmem:$0x1CE00] =	vst v63  }
0x10e: {  	s31 =	simm.s32 $0x2A00;
	s10 =	sadd.s32 $0x320, s10;
	_ =	swait.ge [sflag:s17], $0x1400  }
0x10f: {  	s5 =	sadd.s32 $0xC8, s5;
	s6 =	simm.s32 $0x2780;
	[sflag:s17] =	ssyncset.done $0x0  }
0x110: {  	s25 =	simm.s32 $0x2800;
	s3 =	simm.s32 $0x2880;
	[sflag:s17] =	ssyncadd.s32 $0xFFFFEC00  }
0x111: {  	[tilespmem:s7], [sflag:$0x9] =	stream.linear.gather [hbm4b:s15+s29], $0x28, $0x38;
	[tilespmem:$0x1CE00] =	vst v63  }
0x112: {  	s13 =	simm.s32 $0x3E00;
	s18 =	sadd.s32 $0x140, s16;
	s30 =	rddreg [dreg:$0x0]  }
0x113: {  	[tilespmem:s19], [sflag:$0x4] =	stream.indirect.gather [hbm4b:s30+s12], $0x80, s18, s12, $0xb8;
	[tilespmem:$0x1CE00] =	vst v63  }
0x114: {  	s9 =	sadd.s32 $0x19, s9;
	s16 =	sadd.s32 $0x168, s16;
	s30 =	simm.s32 $0xF  }
.Ltmp1:
0x115: {  	s17 =	rddreg [dreg:$0x0];
	_ =	swait.ge [sflag:s30], $0x1400;
	(pc) =	sbr.rel @p0 .LBB2_4-.Ltmp1, $4  }
0x116: {  	s26 =	simm.s32 $0x2900;
	s8 =	simm.s32 $0x5200;
	[sflag:s30] =	ssyncset.done $0x0  }
0x117: {  	s11 =	sadd.s32 $0x19, s11;
	s4 =	simm.s32 $0x2980;
	[sflag:s30] =	ssyncadd.s32 $0xFFFFEC00  }
0x118: {  	[tilespmem:s28], [sflag:$0xA] =	stream.linear.gather [hbm4b:s14+s29], $0x28, $0x38;
	[tilespmem:$0x1CE00] =	vst v63  }
0x119: {  	s7 =	simm.s32 $0x6600;
	s15 =	sadd.s32 $0x19, s15;
	s14 =	sadd.s32 $0x19, s14  }
0x11a: {  	s5 =	simm.s32 $0x7A00;
	s9 =	simm.s32 $0x1  }
0x11b: {  	[tilespmem:s5], [sflag:$0x5] =	stream.indirect.gather [hbm4b:s17+s12], $0x80, s16, s12, $0xb8;
	[tilespmem:$0x1CE00] =	vst v63  }
0x11c: {  	_ =	swait.ge [sflag:s9], $0x1400  }
0x11d: {  	[sflag:s9] =	ssyncset.done $0x0  }
0x11e: {  	s2 =	simm.s32 $0x6;
	[sflag:s9] =	ssyncadd.s32 $0xFFFFEC00  }
0x11f: {  	_ =	swait.ge [sflag:s2], $0x28  }
0x120: {  	[sflag:s2] =	ssyncset.done $0x0  }
0x121: {  	[sflag:s2] =	ssyncadd.s32 $0xFFFFFFD8  }
0x122: {  	[spmem:s20] =	stream.indirect.scatter.add.f32 [tilespmem:s31], [sflag:$0xB], $0x80, s6, s12, $0xb8;
	[tilespmem:$0x1CE00] =	vst v63  }
0x123: {  	_ =	swait.ge [sflag:s21], $0x1400  }
0x124: {  	[sflag:s21] =	ssyncset.done $0x0  }
0x125: {  	[sflag:s21] =	ssyncadd.s32 $0xFFFFEC00  }
0x126: {  	_ =	swait.ge [sflag:s22], $0x28  }
0x127: {  	[sflag:s22] =	ssyncset.done $0x0  }
0x128: {  	[sflag:s22] =	ssyncadd.s32 $0xFFFFFFD8  }
0x129: {  	[spmem:s20] =	stream.indirect.scatter.add.f32 [tilespmem:s13], [sflag:$0xC], $0x80, s25, s12, $0xb8;
	[tilespmem:$0x1CE00] =	vst v63  }
0x12a: {  	_ =	swait.ge [sflag:s23], $0x1400  }
0x12b: {  	[sflag:s23] =	ssyncset.done $0x0  }
0x12c: {  	[sflag:s23] =	ssyncadd.s32 $0xFFFFEC00  }
0x12d: {  	_ =	swait.ge [sflag:s24], $0x28  }
0x12e: {  	[sflag:s24] =	ssyncset.done $0x0  }
0x12f: {  	s16 =	simm.s32 $0x4;
	[sflag:s24] =	ssyncadd.s32 $0xFFFFFFD8  }
0x130: {  	[spmem:s20] =	stream.indirect.scatter.add.f32 [tilespmem:s8], [sflag:$0xD], $0x80, s3, s12, $0xb8;
	[tilespmem:$0x1CE00] =	vst v63  }
0x131: {  	_ =	swait.ge [sflag:s16], $0x1400  }
0x132: {  	[sflag:s16] =	ssyncset.done $0x0  }
0x133: {  	s17 =	simm.s32 $0x9;
	[sflag:s16] =	ssyncadd.s32 $0xFFFFEC00  }
0x134: {  	_ =	swait.ge [sflag:s17], $0x28  }
0x135: {  	[sflag:s17] =	ssyncset.done $0x0  }
0x136: {  	s18 =	simm.s32 $0x5;
	[sflag:s17] =	ssyncadd.s32 $0xFFFFFFD8  }
0x137: {  	[spmem:s20] =	stream.indirect.scatter.add.f32 [tilespmem:s7], [sflag:$0xE], $0x80, s26, s12, $0xb8;
	[tilespmem:$0x1CE00] =	vst v63  }
0x138: {  	_ =	swait.ge [sflag:s18], $0x1400  }
0x139: {  	[sflag:s18] =	ssyncset.done $0x0  }
0x13a: {  	s19 =	simm.s32 $0xA;
	[sflag:s18] =	ssyncadd.s32 $0xFFFFEC00  }
0x13b: {  	_ =	swait.ge [sflag:s19], $0x28  }
0x13c: {  	[sflag:s19] =	ssyncset.done $0x0  }
0x13d: {  	[sflag:s19] =	ssyncadd.s32 $0xFFFFFFD8  }
0x13e: {  	[spmem:s20] =	stream.indirect.scatter.add.f32 [tilespmem:s5], [sflag:$0xF], $0x80, s4, s12, $0xb8;
	[tilespmem:$0x1CE00] =	vst v63  }
0x13f: {  	_ =	swait.ge [sflag:s0], $0x1400  }
0x140: {  	[sflag:s0] =	ssyncset.done $0x0  }
0x141: {  	[sflag:s0] =	ssyncadd.s32 $0xFFFFEC00  }
0x142: {  	_ =	swait.ge [sflag:s1], $0x1400  }
0x143: {  	[sflag:s1] =	ssyncset.done $0x0  }
0x144: {  	s21 =	simm.s32 $0xD;
	[sflag:s1] =	ssyncadd.s32 $0xFFFFEC00  }
0x145: {  	_ =	swait.ge [sflag:s21], $0x1400  }
0x146: {  	[sflag:s21] =	ssyncset.done $0x0  }
0x147: {  	s22 =	simm.s32 $0xE;
	[sflag:s21] =	ssyncadd.s32 $0xFFFFEC00  }
0x148: {  	_ =	swait.ge [sflag:s22], $0x1400  }
0x149: {  	[sflag:s22] =	ssyncset.done $0x0  }
0x14a: {  	[sflag:s22] =	ssyncadd.s32 $0xFFFFEC00  }
0x14b: {  	_ =	swait.ge [sflag:s30], $0x1400  }
0x14c: {  	[sflag:s30] =	ssyncset.done $0x0  }
0x14d: {  	[sflag:s30] =	ssyncadd.s32 $0xFFFFEC00  }
0x14e: {  	s23 =	stileid.u32;
	[bflag:$0x0] =	sbarrier.arrive $0xFFFF  }
0x14f: {  	s15 =	simm.s32 $0x10;
	s5 =	sshll.u32 s23, $0x6;
	s11 =	rddreg [dreg:$0xc]  }
0x150: {  	s5 =	sor.u32 $0x1C10, s5;
	s10 =	rddreg [dreg:$0xb];
	s24 =	sshrl.u32 s11, $0x3  }
0x151: {  	[hbm:s10], [sflag:s5] =	dma.local [spmem:s24], $0x2800  }
0x152: {  	_ =	swait.ge [sflag:s15], $0x2800  }
0x153: {  	s14 =	simm.s32 $0x2A00;
	s28 =	simm.s32 $0x6600;
	s25 =	sld [smem:$0x7FB]  }
0x154: {  	s2 =	simm.s32 $0x2980;
	s31 =	simm.s32 $0xD;
	s13 =	simm.s32 $0x9  }
0x155: {  	s3 =	simm.s32 $0x2;
	s16 =	simm.s32 $0x2780;
	s17 =	simm.s32 $0x2800  }
0x156: {  	s7 =	simm.s32 $0x3E00;
	s26 =	rddreg [dreg:$0xd];
	s6 =	sadd.s32 $0x1, s25  }
0x157: {  	s18 =	simm.s32 $0x5;
	s19 =	simm.s32 $0x5200;
	p0 =	sne.s32 s6, s26  }
.Ltmp2:
0x158: {  	s23 =	simm.s32 $0x8;
	s4 =	simm.s32 $0x0;
	(pc) =	sbr.rel @p0 .LBB2_1-.Ltmp2, $4  }
0x159: {  	s0 =	simm.s32 $0x7A00;
	s1 =	simm.s32 $0xC;
	s21 =	simm.s32 $0x7  }
0x15a: {  	s22 =	simm.s32 $0x3;
	s30 =	simm.s32 $0xB;
	s10 =	simm.s32 $0x2880  }
0x15b: {  	s24 =	simm.s32 $0x4;
	[sflag:s15] =	ssyncset.done $0x0;
	s29 =	rddreg [dreg:$0x4]  }
0x15c: {  	[sflag:s15] =	ssyncadd.s32 $0xFFFFD800;
	s25 =	simm.s32 $0xA;
	s26 =	simm.s32 $0x2900  }
0x15d: {  	_ =	sfence.sel $0x180000  }
0x15e: {  	[bflag:$0x0] =	sbarrier.arrive $0xFFFF  }
0x15f: {  	_ =	strace $0x9000004D  }
0x160: {  	s0 =	stileid.u32;
	[bflag:$0x2] =	sbarrier.arrive $0xFFFF  }
0x161: {  	p0 =	sne.s32 s0, $0x0;
	s0 =	rddreg [dreg:$0x3]  }
0x162: {  	s0 =	sadd.s32 @!p0 $0x100000, s0  }
0x163: {  	[sflag:s0] =	ssyncadd.tile.s32 @!p0 $0x1;
	_ =	shalt  }
.Lfunc_end2:
_tile_overlayer_lowered:
.L_overlay_start_2:
0x164: {  	(tag) =	ssettag $0x2  }
0x165: {  	s0 =	rddreg [dreg:$0x0];
	s2 =	stileid.u32  }
0x166: {  	s1 =	rddreg [dreg:$0x1];
	p0 =	sne.s32 s2, $0x0  }
0x167: {  	s3 =	rddreg [dreg:$0x2];
	[bflag:$0x3] =	sbarrier.arrive $0xFFFF;
	s2 =	simm.s32 @!p0 $0x1C10  }
0x168: {  	[timem:s3], [sflag:s2] =	dma.local @!p0 [hbm:s0], s1  }
0x169: {  	s0 =	simm.s32 @!p0 $0x10  }
0x16a: {  	_ =	swait.ge @!p0 [sflag:s0], s1  }
0x16b: {  	s1 =	ssub.s32 @!p0 $0x0, s1;
	[sflag:s0] =	ssyncset.done @!p0 $0x0  }
0x16c: {  	[sflag:s0] =	ssyncadd.s32 @!p0 s1  }
0x16d: {  	[bflag:$0x3] =	sbarrier.arrive $0xFFFF  }
0x16e: {  	_ =	shalt  }

// kernel: kernel.8.cloned.1.call-start
scs
__scs_entry_jumppad:
0x0: {  	(pc) =	sbr.rel $0x88, $3  }
0x1: {  	(tag) =	ssettag $0x0;
	lr =	simm.s32 $0x1  }
0x2: {  	[smem:$0x3F97] =	sst lr;
	_ =	strace $0xD0000000  }
0x3: {  	_ = 	snop  }
0x4: {  	_ = 	snop  }
0x5: {  	_ = 	snop  }
0x6: {  	_ = 	snop  }
0x7: {  	_ = 	snop  }
__scs_overlays_trampoline_lowered:
0x8: {  	[smem:$0x3FA6] =	sst s0  }
0x9: {  	[smem:$0x3FA7] =	sst s1  }
0xa: {  	[smem:$0x3FA8] =	sst s2  }
0xb: {  	[smem:$0x3FA9] =	sst s3  }
0xc: {  	[smem:$0x3FAA] =	sst s4  }
0xd: {  	[smem:$0x3FAB] =	sst s5  }
0xe: {  	[smem:$0x3FAC] =	sst s6  }
0xf: {  	[smem:$0x3FAD] =	sst s7  }
0x10: {  	[smem:$0x3FAE] =	sst s8  }
0x11: {  	[smem:$0x3FAF] =	sst s9;
	s0 =	simm.s32 @!p0 $0x0  }
0x12: {  	s1 =	sld [smem:$0x3F95];
	s0 =	simm.s32 @p0 $0x1  }
0x13: {  	[smem:$0x3FB0] =	sst s0;
	s0 =	simm.s32 @!p1 $0x0  }
0x14: {  	s2 =	sld [smem:$0x3F94];
	s0 =	simm.s32 @p1 $0x1  }
0x15: {  	[smem:$0x3FB1] =	sst s0;
	s0 =	simm.s32 @!p2 $0x0  }
0x16: {  	s3 =	sld [smem:$0x3FDB];
	s0 =	simm.s32 @p2 $0x1  }
0x17: {  	s4 =	simm.s32 $0x1BF5;
	[smem:$0x3FB3] =	sst s0  }
0x18: {  	s0 =	sld [smem:$0x3F96];
	_ =	swait.ge [sflag:s4], $0x0  }
0x19: {  	s7 =	sld [smem:$0x3F97]  }
0x1a: {  	s8 =	sadd.s32 $0xFFFFE003, lr  }
0x1b: {  	s9 =	sadd.s32 $0xFFFFFEF7, lr;
	s5 =	simm.s32 $0xFFFFFFFF;
	p2 =	slt.u32 s8, $0xFFFFF086  }
0x1c: {  	p1 =	slt.u32 s9, $0xF7A;
	s5 =	simm.s32 @!p2 $0x0  }
0x1d: {  	s5 =	simm.s32 @p1 $0x1;
	p0 =	seq.s32 s7, s2  }
0x1e: {  	s7 =	smul.u32 @!p0 $0xF7A, s2;
	p2 =	seq.s32 @!p0 s5, $0x0  }
0x1f: {  	s9 =	smul.u32 $0xF7A, s1;
	s8 =	simm.s32 @!p0 $0x1BF5;
	p2 =	por !p2, p0  }
0x20: {  	[sflag:s8] =	ssyncset.s32 @!p0 $0xFFFFF086;
	s6 =	sadd.s32 @!p0 s3, s7;
	s7 =	simm.s32 @!p0 $0x108  }
0x21: {  	s3 =	sadd.s32 s3, s9;
	s6 =	sadd.s32 @!p0 $0x88, s6;
	s7 =	simm.s32 @p2 $0x1082  }
0x22: {  	[simem:s7], [sflag:s8] =	dma.local @!p0 [hbm:s6], $0xF7A  }
0x23: {  	s9 =	sor.u32 $0xD0000000, s2;
	s6 =	simm.s32 $0x108;
	_ =	swait.ge @!p0 [sflag:s8], $0x0  }
0x24: {  	s3 =	sadd.s32 $0x88, s3;
	s6 =	simm.s32 @!p1 $0x1082;
	[sflag:s4] =	ssyncset.s32 $0xFFFFF086  }
0x25: {  	[simem:s6], [sflag:s4] =	dma.local [hbm:s3], $0xF7A  }
0x26: {  	[smem:$0x3F97] =	sst s1;
	(tag) =	ssettag s2;
	_ =	strace s9  }
0x27: {  	s1 =	sld [smem:$0x3FA7]  }
0x28: {  	s2 =	sld [smem:$0x3FA8]  }
0x29: {  	s4 =	sld [smem:$0x3FAA]  }
0x2a: {  	p0 =	seq.s32 s5, $0x0;
	s5 =	sld [smem:$0x3FAB]  }
0x2b: {  	s6 =	sld [smem:$0x3FAC]  }
0x2c: {  	s7 =	sld [smem:$0x3FAD]  }
0x2d: {  	s3 =	simm.s32 $0x108;
	s8 =	sld [smem:$0x3FAE]  }
0x2e: {  	s3 =	simm.s32 @!p0 $0x1082;
	s9 =	sld [smem:$0x3FAF]  }
0x2f: {  	lr =	sadd.s32 s0, s3;
	s0 =	sld [smem:$0x3FA6]  }
0x30: {  	s3 =	sld [smem:$0x3FA9]  }
0x31: {  	[smem:$0x3FB2] =	sst s10  }
0x32: {  	s10 =	sld [smem:$0x3FB0];
	_ =	sdelay $0x3  }
0x33: {  	p0 =	seq.s32 s10, $0x1;
	s10 =	sld [smem:$0x3FB2];
	_ =	sdelay $0x3  }
0x34: {  	[smem:$0x3FB2] =	sst s10  }
0x35: {  	s10 =	sld [smem:$0x3FB1];
	_ =	sdelay $0x3  }
0x36: {  	p1 =	seq.s32 s10, $0x1;
	s10 =	sld [smem:$0x3FB2];
	_ =	sdelay $0x3  }
0x37: {  	[smem:$0x3FB2] =	sst s10  }
0x38: {  	s10 =	sld [smem:$0x3FB3]  }
0x39: {  	_ = 	snop;
	(pc) =	sbr.ind lr, $3  }
0x3a: {  	_ = 	snop  }
0x3b: {  	_ = 	snop  }
0x3c: {  	p2 =	seq.s32 s10, $0x1;
	s10 =	sld [smem:$0x3FB2]  }
0x3d: {  	_ =	shalt  }
0x3e: {  	_ =	shalt  }
0x3f: {  	_ =	shalt  }
0x40: {  	_ =	shalt  }
0x41: {  	_ =	shalt  }
0x42: {  	_ =	shalt  }
0x43: {  	_ =	shalt  }
0x44: {  	_ =	shalt  }
0x45: {  	_ =	shalt  }
0x46: {  	_ =	shalt  }
0x47: {  	_ =	shalt  }
0x48: {  	_ =	shalt  }
0x49: {  	_ =	shalt  }
0x4a: {  	_ =	shalt  }
0x4b: {  	_ =	shalt  }
0x4c: {  	_ =	shalt  }
0x4d: {  	_ =	shalt  }
0x4e: {  	_ =	shalt  }
0x4f: {  	_ =	shalt  }
0x50: {  	_ =	shalt  }
0x51: {  	_ =	shalt  }
0x52: {  	_ =	shalt  }
0x53: {  	_ =	shalt  }
0x54: {  	_ =	shalt  }
0x55: {  	_ =	shalt  }
0x56: {  	_ =	shalt  }
0x57: {  	_ =	shalt  }
0x58: {  	_ =	shalt  }
0x59: {  	_ =	shalt  }
0x5a: {  	_ =	shalt  }
0x5b: {  	_ =	shalt  }
0x5c: {  	_ =	shalt  }
0x5d: {  	_ =	shalt  }
0x5e: {  	_ =	shalt  }
0x5f: {  	_ =	shalt  }
0x60: {  	_ =	shalt  }
0x61: {  	_ =	shalt  }
0x62: {  	_ =	shalt  }
0x63: {  	_ =	shalt  }
0x64: {  	_ =	shalt  }
0x65: {  	_ =	shalt  }
0x66: {  	_ =	shalt  }
0x67: {  	_ =	shalt  }
0x68: {  	_ =	shalt  }
0x69: {  	_ =	shalt  }
0x6a: {  	_ =	shalt  }
0x6b: {  	_ =	shalt  }
0x6c: {  	_ =	shalt  }
0x6d: {  	_ =	shalt  }
0x6e: {  	_ =	shalt  }
0x6f: {  	_ =	shalt  }
0x70: {  	_ =	shalt  }
0x71: {  	_ =	shalt  }
0x72: {  	_ =	shalt  }
0x73: {  	_ =	shalt  }
0x74: {  	_ =	shalt  }
0x75: {  	_ =	shalt  }
0x76: {  	_ =	shalt  }
0x77: {  	_ =	shalt  }
0x78: {  	_ =	shalt  }
0x79: {  	_ =	shalt  }
0x7a: {  	_ =	shalt  }
0x7b: {  	_ =	shalt  }
0x7c: {  	_ =	shalt  }
0x7d: {  	_ =	shalt  }
0x7e: {  	_ =	shalt  }
0x7f: {  	_ =	shalt  }
0x80: {  	_ =	shalt  }
0x81: {  	_ =	shalt  }
0x82: {  	_ =	shalt  }
0x83: {  	_ =	shalt  }
0x84: {  	_ =	shalt  }
0x85: {  	_ =	shalt  }
0x86: {  	_ =	shalt  }
0x87: {  	_ =	shalt  }
.Lfunc_end0:
.L_simem_size_0:
called_computation_lowered:
.L_overlay_start_0:
0x88: {  	s2 =	sld [smem:$0x3FD9]  }
0x89: {  	s3 =	sld [smem:$0x3FFE];
	_ =	sdelay $0x1  }
0x8a: {  	s1 =	srdreg.scid  }
0x8b: {  	s0 =	sand.u32 $0x1, s1  }
0x8c: {  	s16 =	sshll.u32 s0, $0xA;
	s2 =	sadd.s32 s3, s2  }
0x8d: {  	s2 =	sadd.s32 s2, s16  }
0x8e: {  	[smem:$0x3FBE] =	sst s2  }
0x8f: {  	_ = 	snop  }
0x90: {  	(tm) =	ssettm $0x1  }
0x91: {  	s17 =	sld [smem:$0x3FFB];
	_ =	sdelay $0x3  }
0x92: {  	_ =	strace s17  }
0x93: {  	s2 =	sld [smem:$0x3FFC];
	_ =	sdelay $0x3  }
0x94: {  	_ =	strace s2  }
0x95: {  	s2 =	sld [smem:$0x3FFD];
	_ =	sdelay $0x3  }
0x96: {  	_ =	strace s2  }
0x97: {  	_ =	strace $0x8FFFFFFF  }
0x98: {  	s18 =	sld [smem:$0x3FDB];
	_ =	sdelay $0x1  }
0x99: {  	s19 =	simm.s32 $_scs_section_size  }
0x9a: {  	s4 =	simm.s32 $_size__tile_overlayer_lowered;
	s5 =	simm.s32 $_tile_overlayer_lowered  }
0x9b: {  	s22 =	simm.s32 $0x1BFF;
	s21 =	sshll.u32 s5, $0x1;
	s2 =	sadd.s32 s19, s18  }
0x9c: {  	s6 =	simm.s32 $0x0;
	s20 =	sshll.u32 s4, $0x1;
	s4 =	sadd.s32 s21, s2  }
0x9d: {  	[timem:s6], [sflag:s22] =	dma.local [hbm:s4], s20  }
0x9e: {  	_ =	swait.ge [sflag:s22], s20  }
0x9f: {  	s3 =	ssub.s32 $0x0, s20;
	[sflag:s22] =	ssyncset.done $0x0  }
0xa0: {  	[sflag:s22] =	ssyncadd.s32 s3;
	_ =	sdelay $0x1  }
0xa1: {  	s23 =	simm.s32 $0x1B8B  }
0xa2: {  	_ =	swait.ge [sflag:s23], $0x1  }
0xa3: {  	[sflag:s23] =	ssyncset.done $0x0  }
0xa4: {  	s25 =	simm.s32 $0x1B8E;
	s24 =	sld [smem:$0x3FFE];
	[sflag:s23] =	ssyncadd.s32 $0xFFFFFFFF  }
0xa5: {  	s26 =	simm.s32 $execute0_lowered;
	[smem:$0x3FD2] =	sst s25  }
0xa6: {  	s4 =	sshll.u32 s26, $0x1;
	_ =	strace $0x80000046;
	[dreg:$0x1] =	wrdreg $0xFFFFFFFF  }
0xa7: {  	s28 =	simm.s32 $_size_execute0_lowered;
	s2 =	sadd.s32 s2, s4;
	[dreg:$0x0] =	wrdreg $0x0  }
0xa8: {  	s4 =	sshll.u32 s28, $0x1;
	[dreg:$0x2] =	wrdreg s2  }
0xa9: {  	[dreg:$0x3] =	wrdreg s4  }
0xaa: {  	[dreg:$0x4] =	wrdreg $0xC0  }
0xab: {  	_ =	task [dreg:s6], $0x5FFFF  }
0xac: {  	[dreg:$0x1] =	wrdreg $0xFFFFFFFF  }
0xad: {  	[dreg:$0x0] =	wrdreg $0x60  }
0xae: {  	[dreg:$0x2] =	wrdreg s24  }
0xaf: {  	[dreg:$0x3] =	wrdreg $0x69000  }
0xb0: {  	[dreg:$0x4] =	wrdreg $0x9  }
0xb1: {  	_ =	task.clear_ibuf [dreg:s6], $0x5FFFF;
	_ =	strace $0x90000046  }
0xb2: {  	s29 =	simm.s32 $0x9;
	_ =	strace $0x80000048  }
0xb3: {  	_ =	swait.ge [sflag:s29], $0x1  }
0xb4: {  	[sflag:s29] =	ssyncadd.s32 $0xFFFFFFFF  }
0xb5: {  	_ =	strace $0x90000048  }
0xb6: {  	_ =	sfence  }
0xb7: {  	s30 =	sld [smem:$0x0];
	_ =	sdelay $0x2  }
0xb8: {  	s31 =	sshll.u32 s1, $0xD;
	s1 =	sshrl.u32 s1, $0x2  }
0xb9: {  	s3 =	sand.u32 $0x4000, s31;
	s1 =	sadd.s32 s1, s30  }
0xba: {  	s0 =	sor.u32 s3, s0;
	s1 =	sshll.u32 s1, $0x11  }
0xbb: {  	s0 =	sor.u32 s1, s0  }
0xbc: {  	s0 =	sadd.s32 $0x8F2B, s0  }
0xbd: {  	[sflag:s0] =	ssyncadd.remote.s32 $0x1  }
0xbe: {  	_ =	sfence.sel $0xFFFF  }
0xbf: {  	[dreg:$0x0] =	wrdreg $0xFFFFFFFF;
	(pc) =	sbr.abs _section_cstart, $3  }
0xc0: {  	[dreg:$0x1] =	wrdreg $0xFFFFFFFF  }
0xc1: {  	_ =	task.clear_ibuf [dreg:s6], $0x2FFFF;
	_ =	strace $0x9FFFFFFF  }
0xc2: {  	(tm) =	ssettm $0x7FFFFFFF  }
0xc3: {  	_ =	shalt  }
tec
execute0_lowered:
.L_overlay_start_1:
0x0: {  	(tag) =	ssettag $0x1  }
0x1: {  	s5 =	rddreg [dreg:$0x0];
	s0 =	srdreg.scid  }
0x2: {  	s2 =	rddreg [dreg:$0x1];
	s1 =	stileid.u32;
	s3 =	simm.s32 $0x0  }
0x3: {  	s15 =	simm.s32 $0x2900;
	s16 =	simm.s32 $0x3;
	s17 =	simm.s32 $0x80  }
0x4: {  	s18 =	simm.s32 $0x1;
	s19 =	simm.s32 $0x50;
	s7 =	smul.u32 $0x14000, s1  }
0x5: {  	s20 =	simm.s32 $0x100;
	s21 =	simm.s32 $0x2;
	s9 =	smul.u32 $0x2710, s1  }
0x6: {  	s6 =	sand.u32 $0x1, s0;
	s0 =	rddreg [dreg:$0x2];
	s10 =	smul.u32 $0x50000, s1  }
0x7: {  	s22 =	simm.s32 $0x0;
	[smem:$0x7FF] =	sst s3;
	s4 =	smul.u32 $0x140000, s6  }
0x8: {  	s8 =	smul.u32 $0x27100, s6;
	_ =	strace $0x80000047;
	s29 =	ssub.s32 $0x2, s6  }
0x9: {  	s6 =	sshrl.u32 s29, $0x1;
	s30 =	sshrl.u32 s10, $0x2;
	s7 =	sadd.s32 s7, s4  }
0xa: {  	s4 =	sadd.s32 $0xC800, s5;
	s13 =	sadd.s32 s9, s8;
	s31 =	ssub.s32 s29, s6  }
0xb: {  	s7 =	sshrl.u32 s7, $0x3;
	s9 =	sshrl.u32 s13, $0x3;
	s8 =	smax.u32 s31, $0x1  }
0xc: {  	s14 =	sadd.s32 $0x50, s13;
	s13 =	sadd.s32 $0xA0, s13;
	s7 =	sadd.s32 s7, s5  }
0xd: {  	s5 =	sadd.s32 s30, s2;
	s6 =	sadd.s32 s4, s9;
	s14 =	sshrl.u32 s14, $0x3  }
0xe: {  	s7 =	sadd.s32 $0x16600, s7;
	s9 =	sadd.s32 $0x4000, s5;
	s10 =	sadd.s32 $0x8000, s5  }
0xf: {  	v0 =	vimm.f32 $1.000000000e+00;
	v1 =	vimm.f32 $0.0e+00;
	s11 =	sadd.s32 $0xC000, s5;
	s12 =	sadd.s32 $0x10000, s5;
	s14 =	sadd.s32 s14, s4  }
.LBB2_1:
0x10: {  	s23 =	simm.s32 $0x70;
	s24 =	simm.s32 $0x3C0  }
.LBB2_2:
0x11: {  	p0 =	sne.s32 s24, $0x9FC0;
	[tilespmem:s23+$0x100] =	vst v0  }
0x12: {  	[tilespmem:s23+$0x90] =	vst v0  }
0x13: {  	[tilespmem:s23+$0xA0] =	vst v0  }
.Ltmp0:
0x14: {  	[tilespmem:s23+$0xB0] =	vst v0;
	(pc) =	sbr.rel @p0 .LBB2_2-.Ltmp0, $4  }
0x15: {  	[tilespmem:s23+$0xC0] =	vst v0  }
0x16: {  	[tilespmem:s23+$0xD0] =	vst v0  }
0x17: {  	[tilespmem:s23+$0xE0] =	vst v0  }
0x18: {  	[tilespmem:s23+$0xF0] =	vst v0;
	s23 =	sshra.s32 s24, $0x2;
	s24 =	sadd.s32 $0x200, s24  }
0x19: {  	[tilespmem:s23+$0x100] =	vst v0  }
0x1a: {  	[tilespmem:s23+$0x90] =	vst v0  }
0x1b: {  	[tilespmem:s23+$0xA0] =	vst v0  }
0x1c: {  	[tilespmem:s23+$0xB0] =	vst v0  }
0x1d: {  	[tilespmem:s23+$0xC0] =	vst v0  }
0x1e: {  	[tilespmem:s23+$0xD0] =	vst v0  }
0x1f: {  	[tilespmem:s23+$0xE0] =	vst v0  }
0x20: {  	[tilespmem:s23+$0xF0] =	vst v0;
	s23 =	simm.s32 $0x0;
	s24 =	simm.s32 $0x200  }
.LBB2_4:
0x21: {  	p0 =	sne.s32 s24, $0xFE00;
	[tilespmem:s23+$0x2970] =	vst v1  }
0x22: {  	[tilespmem:s23+$0x2900] =	vst v1  }
0x23: {  	[tilespmem:s23+$0x2910] =	vst v1  }
.Ltmp1:
0x24: {  	[tilespmem:s23+$0x2920] =	vst v1;
	(pc) =	sbr.rel @p0 .LBB2_4-.Ltmp1, $4  }
0x25: {  	[tilespmem:s23+$0x2930] =	vst v1  }
0x26: {  	[tilespmem:s23+$0x2940] =	vst v1  }
0x27: {  	[tilespmem:s23+$0x2950] =	vst v1  }
0x28: {  	[tilespmem:s23+$0x2960] =	vst v1;
	s23 =	sshra.s32 s24, $0x2;
	s24 =	sadd.s32 $0x200, s24  }
0x29: {  	[tilespmem:s23+$0x2970] =	vst v1  }
0x2a: {  	[tilespmem:s23+$0x2900] =	vst v1  }
0x2b: {  	[tilespmem:s23+$0x2910] =	vst v1  }
0x2c: {  	[tilespmem:s23+$0x2920] =	vst v1  }
0x2d: {  	[tilespmem:s23+$0x2930] =	vst v1  }
0x2e: {  	[tilespmem:s23+$0x2940] =	vst v1  }
0x2f: {  	[tilespmem:s23+$0x2950] =	vst v1  }
0x30: {  	[tilespmem:s23+$0x2960] =	vst v1  }
0x31: {  	[spmem:s5] =	stream.linear.scatter [tilespmem:s15], [sflag:$0x3], $0x4000, $0x38;
	[tilespmem:$0x1A900] =	vst v63  }
0x32: {  	_ =	swait.ge [sflag:s16], $0x4000  }
0x33: {  	[sflag:s16] =	ssyncset.done $0x0  }
0x34: {  	[sflag:s16] =	ssyncadd.s32 $0xFFFFC000  }
0x35: {  	[spmem:s9] =	stream.linear.scatter [tilespmem:s15], [sflag:$0x3], $0x4000, $0x38;
	[tilespmem:$0x1A900] =	vst v63  }
0x36: {  	_ =	swait.ge [sflag:s16], $0x4000  }
0x37: {  	[sflag:s16] =	ssyncset.done $0x0  }
0x38: {  	[sflag:s16] =	ssyncadd.s32 $0xFFFFC000  }
0x39: {  	[spmem:s10] =	stream.linear.scatter [tilespmem:s15], [sflag:$0x3], $0x4000, $0x38;
	[tilespmem:$0x1A900] =	vst v63  }
0x3a: {  	_ =	swait.ge [sflag:s16], $0x4000  }
0x3b: {  	[sflag:s16] =	ssyncset.done $0x0  }
0x3c: {  	[sflag:s16] =	ssyncadd.s32 $0xFFFFC000  }
0x3d: {  	[spmem:s11] =	stream.linear.scatter [tilespmem:s15], [sflag:$0x3], $0x4000, $0x38;
	[tilespmem:$0x1A900] =	vst v63  }
0x3e: {  	_ =	swait.ge [sflag:s16], $0x4000  }
0x3f: {  	[sflag:s16] =	ssyncset.done $0x0  }
0x40: {  	[sflag:s16] =	ssyncadd.s32 $0xFFFFC000  }
0x41: {  	[spmem:s12] =	stream.linear.scatter [tilespmem:s15], [sflag:$0x3], $0x4000, $0x38;
	[tilespmem:$0x1A900] =	vst v63  }
0x42: {  	_ =	swait.ge [sflag:s16], $0x4000  }
0x43: {  	[sflag:s16] =	ssyncset.done $0x0  }
0x44: {  	s29 =	simm.s32 $0x0;
	[sflag:s16] =	ssyncadd.s32 $0xFFFFC000  }
0x45: {  	[tilespmem:s29], [sflag:$0x1] =	stream.linear.gather [hbm4b:s6+s29], $0x50, $0x38;
	[tilespmem:$0x1A900] =	vst v63  }
0x46: {  	s30 =	sadd.s32 $0x0, s14;
	[bflag:$0x0] =	sbarrier.arrive $0xFFFF  }
0x47: {  	[tilespmem:s17], [sflag:$0x2] =	stream.linear.gather [hbm4b:s30+s3], $0x50, $0x38;
	[tilespmem:$0x1A900] =	vst v63  }
0x48: {  	_ =	swait.ge [sflag:s18], $0x50  }
0x49: {  	[sflag:s18] =	ssyncset.done $0x0  }
0x4a: {  	[sflag:s18] =	ssyncadd.s32 $0xFFFFFFB0  }
0x4b: {  	[spmem:s2] =	stream.indirect.scatter.add.f32 [tilespmem:s20], [sflag:$0x3], $0x80, s3, s19, $0xb8;
	[tilespmem:$0x1A900] =	vst v63  }
0x4c: {  	_ =	swait.ge [sflag:s16], $0x2800  }
0x4d: {  	s31 =	sshrl.u32 s13, $0x3;
	[sflag:s16] =	ssyncset.done $0x0  }
0x4e: {  	s23 =	sadd.s32 s4, s31;
	[sflag:s16] =	ssyncadd.s32 $0xFFFFD800  }
0x4f: {  	[tilespmem:s3], [sflag:$0x1] =	stream.linear.gather [hbm4b:s23+s3], $0x50, $0x38;
	[tilespmem:$0x1A900] =	vst v63  }
0x50: {  	_ =	swait.ge [sflag:s21], $0x50  }
0x51: {  	[sflag:s21] =	ssyncset.done $0x0  }
0x52: {  	[sflag:s21] =	ssyncadd.s32 $0xFFFFFFB0  }
0x53: {  	[spmem:s2] =	stream.indirect.scatter.add.f32 [tilespmem:s20], [sflag:$0x3], $0x80, s17, s19, $0xb8;
	[tilespmem:$0x1A900] =	vst v63  }
0x54: {  	s24 =	simm.s32 $0x14;
	_ =	swait.ge [sflag:s16], $0x2800  }
0x55: {  	s25 =	simm.s32 $0x28;
	s23 =	sadd.s32 $0xA0, s13;
	[sflag:s16] =	ssyncset.done $0x0  }
.LBB2_6:
0x56: {  	s26 =	sadd.s32 s24, s14  }
0x57: {  	[sflag:s16] =	ssyncadd.s32 $0xFFFFD800;
	s24 =	smov.u32 s25;
	s28 =	sadd.s32 $0x14, s25  }
0x58: {  	[tilespmem:s17], [sflag:$0x2] =	stream.linear.gather [hbm4b:s26+s3], $0x50, $0x38;
	[tilespmem:$0x1A900] =	vst v63  }
0x59: {  	p0 =	sne.s32 s25, $0x4C4;
	_ =	swait.ge [sflag:s18], $0x50  }
0x5a: {  	[sflag:s18] =	ssyncset.done $0x0  }
0x5b: {  	[sflag:s18] =	ssyncadd.s32 $0xFFFFFFB0  }
0x5c: {  	[spmem:s2] =	stream.indirect.scatter.add.f32 [tilespmem:s20], [sflag:$0x3], $0x80, s3, s19, $0xb8;
	[tilespmem:$0x1A900] =	vst v63  }
0x5d: {  	_ =	swait.ge [sflag:s16], $0x2800  }
0x5e: {  	s25 =	sshrl.u32 s23, $0x3;
	[sflag:s16] =	ssyncset.done $0x0  }
0x5f: {  	s25 =	sadd.s32 s4, s25;
	[sflag:s16] =	ssyncadd.s32 $0xFFFFD800  }
0x60: {  	[tilespmem:s3], [sflag:$0x1] =	stream.linear.gather [hbm4b:s25+s3], $0x50, $0x38;
	[tilespmem:$0x1A900] =	vst v63  }
0x61: {  	_ =	swait.ge [sflag:s21], $0x50  }
.Ltmp2:
0x62: {  	[sflag:s21] =	ssyncset.done $0x0;
	(pc) =	sbr.rel @p0 .LBB2_6-.Ltmp2, $4  }
0x63: {  	[sflag:s21] =	ssyncadd.s32 $0xFFFFFFB0  }
0x64: {  	[spmem:s2] =	stream.indirect.scatter.add.f32 [tilespmem:s20], [sflag:$0x3], $0x80, s17, s19, $0xb8;
	[tilespmem:$0x1A900] =	vst v63  }
0x65: {  	_ =	swait.ge [sflag:s16], $0x2800  }
0x66: {  	s23 =	sadd.s32 $0xA0, s23;
	s25 =	smov.u32 s28;
	[sflag:s16] =	ssyncset.done $0x0  }
0x67: {  	s24 =	sadd.s32 s24, s14;
	[sflag:s16] =	ssyncadd.s32 $0xFFFFD800  }
0x68: {  	[tilespmem:s17], [sflag:$0x2] =	stream.linear.gather [hbm4b:s24+s3], $0x50, $0x38;
	[tilespmem:$0x1A900] =	vst v63  }
0x69: {  	_ =	swait.ge [sflag:s18], $0x50  }
0x6a: {  	[sflag:s18] =	ssyncset.done $0x0  }
0x6b: {  	[sflag:s18] =	ssyncadd.s32 $0xFFFFFFB0  }
0x6c: {  	[spmem:s2] =	stream.indirect.scatter.add.f32 [tilespmem:s20], [sflag:$0x3], $0x80, s3, s19, $0xb8;
	[tilespmem:$0x1A900] =	vst v63  }
0x6d: {  	_ =	swait.ge [sflag:s16], $0x2800  }
0x6e: {  	s23 =	sshrl.u32 s23, $0x3;
	[sflag:s16] =	ssyncset.done $0x0  }
0x6f: {  	s23 =	sadd.s32 s4, s23;
	[sflag:s16] =	ssyncadd.s32 $0xFFFFD800  }
0x70: {  	[tilespmem:s3], [sflag:$0x1] =	stream.linear.gather [hbm4b:s23+s3], $0x50, $0x38;
	[tilespmem:$0x1A900] =	vst v63  }
0x71: {  	_ =	swait.ge [sflag:s21], $0x50  }
0x72: {  	[sflag:s21] =	ssyncset.done $0x0  }
0x73: {  	[sflag:s21] =	ssyncadd.s32 $0xFFFFFFB0  }
0x74: {  	[spmem:s2] =	stream.indirect.scatter.add.f32 [tilespmem:s20], [sflag:$0x3], $0x80, s17, s19, $0xb8;
	[tilespmem:$0x1A900] =	vst v63  }
0x75: {  	_ =	swait.ge [sflag:s16], $0x2800  }
0x76: {  	[sflag:s16] =	ssyncset.done $0x0  }
0x77: {  	[sflag:s16] =	ssyncadd.s32 $0xFFFFD800  }
0x78: {  	_ =	swait.ge [sflag:s18], $0x50  }
0x79: {  	[sflag:s18] =	ssyncset.done $0x0  }
0x7a: {  	[sflag:s18] =	ssyncadd.s32 $0xFFFFFFB0  }
0x7b: {  	[spmem:s2] =	stream.indirect.scatter.add.f32 [tilespmem:s20], [sflag:$0x3], $0x80, s3, s19, $0xb8;
	[tilespmem:$0x1A900] =	vst v63  }
0x7c: {  	_ =	swait.ge [sflag:s16], $0x2800  }
0x7d: {  	s30 =	sshll.u32 s1, $0x6;
	s22 =	sadd.s32 $0x1, s22;
	[sflag:s16] =	ssyncset.done $0x0  }
0x7e: {  	s31 =	sshrl.u32 s5, $0x3;
	p0 =	sne.s32 s22, s8;
	[sflag:s16] =	ssyncadd.s32 $0xFFFFD800  }
.Ltmp3:
0x7f: {  	s23 =	sor.u32 $0x1C03, s30;
	[bflag:$0x0] =	sbarrier.arrive $0xFFFF;
	(pc) =	sbr.rel @p0 .LBB2_1-.Ltmp3, $4  }
0x80: {  	[hbm:s7], [sflag:s23] =	dma.local [spmem:s31], $0x2800  }
0x81: {  	_ =	swait.ge [sflag:s16], $0x2800  }
0x82: {  	[sflag:s16] =	ssyncset.done $0x0  }
0x83: {  	[sflag:s16] =	ssyncadd.s32 $0xFFFFD800  }
0x84: {  	_ =	sfence.sel $0x180000  }
0x85: {  	[bflag:$0x0] =	sbarrier.arrive $0xFFFF  }
0x86: {  	p0 =	sne.s32 s1, $0x0;
	_ =	strace $0x90000047  }
0x87: {  	s0 =	sadd.s32 @!p0 $0x100000, s0;
	[bflag:$0x2] =	sbarrier.arrive $0xFFFF  }
0x88: {  	[sflag:s0] =	ssyncadd.tile.s32 @!p0 $0x1;
	_ =	shalt  }
.Lfunc_end2:
_tile_overlayer_lowered:
.L_overlay_start_2:
0x89: {  	(tag) =	ssettag $0x2  }
0x8a: {  	s0 =	rddreg [dreg:$0x0];
	s2 =	stileid.u32  }
0x8b: {  	s1 =	rddreg [dreg:$0x1];
	p0 =	sne.s32 s2, $0x0  }
0x8c: {  	s3 =	rddreg [dreg:$0x2];
	[bflag:$0x3] =	sbarrier.arrive $0xFFFF;
	s2 =	simm.s32 @!p0 $0x1C03  }
0x8d: {  	[timem:s3], [sflag:s2] =	dma.local @!p0 [hbm:s0], s1  }
0x8e: {  	s0 =	simm.s32 @!p0 $0x3  }
0x8f: {  	_ =	swait.ge @!p0 [sflag:s0], s1  }
0x90: {  	s1 =	ssub.s32 @!p0 $0x0, s1;
	[sflag:s0] =	ssyncset.done @!p0 $0x0  }
0x91: {  	[sflag:s0] =	ssyncadd.s32 @!p0 s1  }
0x92: {  	[bflag:$0x3] =	sbarrier.arrive $0xFFFF  }
0x93: {  	_ =	shalt  }

</sc_bundles>
